<compile_context>
chip_gen: v7x
topology: tpu7x:2x2x1
jax: 0.10.2.dev20260603
libtpu: 0.0.44.dev20260713+nightly
codegen_flags: <defaults>
</compile_context>

<pallas_src>
import jax
import jax.numpy as jnp
from jax import lax
from jax.experimental import pallas as pl
from jax.experimental.pallas import tpu as pltpu
from jax.experimental.pallas import tpu_sc as plsc

_B, _F, _V, _D = 1024, 26, 100000, 16
_IN = _F * _D
_NC, _NS, _L = 2, 16, 16
_NW = _NC * _NS
_BPW = _B // _NW
_CHUNK = _BPW * _F


_NG = _CHUNK // _L


def _sc_gather(tab_hbm, x_hbm, out_hbm, xv, slabs, rows_v, sem):
    wid = lax.axis_index("s") * _NC + lax.axis_index("c")
    pltpu.sync_copy(x_hbm.at[pl.ds(wid * _CHUNK, _CHUNK)], xv)
    dlane = lax.iota(jnp.int32, _L)

    def issue(j, buf):
        vec = xv[pl.ds(j * _L, _L)]
        for i in range(_L):
            l = j * _L + i
            f = lax.rem(l, _F)
            tc = lax.div(vec[i], 128)
            pltpu.async_copy(
                tab_hbm.at[pl.ds(pl.multiple_of(f * _D, 8), _D),
                           pl.ds(pl.multiple_of(tc * 128, 128), 128)],
                slabs.at[buf, pl.ds(i * _D, _D)], sem)

    def extract(j, buf):
        vec = xv[pl.ds(j * _L, _L)]
        bufv = jnp.full((_L,), buf, jnp.int32)
        for i in range(_L):
            l = j * _L + i
            f = lax.rem(l, _F)
            br = lax.div(l, _F)
            vh = lax.rem(vec[i], 128)
            col = plsc.load_gather(
                slabs, [bufv, i * _D + dlane, jnp.full((_L,), vh, jnp.int32)])
            plsc.store_scatter(
                rows_v, [jnp.full((_L,), br, jnp.int32), f * _D + dlane], col)

    def drain(buf):
        pltpu.make_async_copy(
            tab_hbm.at[pl.ds(0, _L * _D), pl.ds(0, 128)],
            slabs.at[buf], sem).wait()

    issue(0, 0)

    def body(j, carry):
        buf = lax.rem(j, 2)
        issue(j, buf)
        drain(1 - buf)
        extract(j - 1, 1 - buf)
        return carry

    lax.fori_loop(1, _NG, body, 0, unroll=False)
    last = lax.rem(jnp.int32(_NG - 1), 2)
    drain(last)
    extract(_NG - 1, last)
    pltpu.sync_copy(rows_v, out_hbm.at[pl.ds(wid * _BPW, _BPW)])


@jax.jit
def _gather(tab_t, x_flat):
    mesh = plsc.VectorSubcoreMesh(
        core_axis_name="c", subcore_axis_name="s", num_cores=_NC, num_subcores=_NS
    )
    return pl.kernel(
        _sc_gather,
        out_type=jax.ShapeDtypeStruct((_B, _IN), jnp.float32),
        name="emb_slab_gather",
        mesh=mesh,
        compiler_params=pltpu.CompilerParams(
            needs_layout_passes=False, disable_bounds_checks=True),
        scratch_types=[
            pltpu.VMEM((_CHUNK,), jnp.int32),
            pltpu.VMEM((2, _L * _D, 128), jnp.float32),
            pltpu.VMEM((_BPW, _IN), jnp.float32),
            pltpu.SemaphoreType.DMA,
        ],
    )(tab_t, x_flat)


def _tc_body(e_ref, a_ref, w1_ref, b1_ref, w2_ref, b2_ref, w3_ref, b3_ref,
             w4_ref, b4_ref, out_ref):
    e = e_ref[...]
    t = jnp.dot(e, a_ref[...], preferred_element_type=jnp.float32)
    fwfm = 0.5 * jnp.sum(e * t, axis=1, keepdims=True)
    h = jnp.maximum(
        jnp.dot(e, w1_ref[...], preferred_element_type=jnp.float32) + b1_ref[...], 0.0)
    h = jnp.maximum(
        jnp.dot(h, w2_ref[...], preferred_element_type=jnp.float32) + b2_ref[...], 0.0)
    h = jnp.maximum(
        jnp.dot(h, w3_ref[...], preferred_element_type=jnp.float32) + b3_ref[...], 0.0)
    o = jnp.dot(h, w4_ref[...], preferred_element_type=jnp.float32) + b4_ref[...]
    out_ref[...] = jax.nn.sigmoid(fwfm + o)


@jax.jit
def _tc_head(emb, a_big, W1, b1, W2, b2, W3, b3, W4, b4):
    return pl.pallas_call(
        _tc_body,
        out_shape=jax.ShapeDtypeStruct((_B, 1), jnp.float32),
    )(emb, a_big, W1, b1, W2, b2, W3, b3, W4, b4)


def kernel(x, tables, field_cov, W1, b1, W2, b2, W3, b3, W4, b4, bias):
    tab_t = tables.transpose(0, 2, 1).reshape(_IN, _V)
    x_flat = x.reshape(-1)
    emb = _gather(tab_t, x_flat)

    sym = (field_cov.T + field_cov) * 0.5 - jnp.eye(_F, dtype=jnp.float32)
    a_big = jnp.kron(sym, jnp.eye(_D, dtype=jnp.float32))
    out = _tc_head(
        emb, a_big,
        W1, b1.reshape(1, -1), W2, b2.reshape(1, -1),
        W3, b3.reshape(1, -1), W4, (b4 + bias).reshape(1, 1),
    )
    return out[:, 0]

# --- scband reference (transcript-rebuilt; emitter-appended) ---
"""Pipeline reference for scband-deep-field-weighted-factorization-machine-model-45870250721679 (READ-ONLY COPY).

The authoritative reference and input builder live on the scoring server;
editing this copy changes nothing except your own understanding.
"""

import jax, jax.numpy as jnp
import numpy as np

B, F, V, D = 1024, 26, 100000, 16
H1, H2, H3 = 400, 400, 400
IN_DIM = F * D


def setup_inputs(seed: int = 0) -> dict:
    key = jax.random.key(seed)
    ks = jax.random.split(key, 12)
    x = jax.random.randint(ks[0], (B, F), 0, V, dtype=jnp.int32)
    tables = jax.random.normal(ks[1], (F, V, D), dtype=jnp.float32) * 0.01
    field_cov = jax.random.normal(ks[2], (F, F), dtype=jnp.float32) * 0.1
    W1 = jax.random.normal(ks[3], (IN_DIM, H1), dtype=jnp.float32) * (1.0 / np.sqrt(IN_DIM))
    b1 = jnp.zeros((H1,), dtype=jnp.float32)
    W2 = jax.random.normal(ks[4], (H1, H2), dtype=jnp.float32) * (1.0 / np.sqrt(H1))
    b2 = jnp.zeros((H2,), dtype=jnp.float32)
    W3 = jax.random.normal(ks[5], (H2, H3), dtype=jnp.float32) * (1.0 / np.sqrt(H2))
    b3 = jnp.zeros((H3,), dtype=jnp.float32)
    W4 = jax.random.normal(ks[6], (H3, 1), dtype=jnp.float32) * (1.0 / np.sqrt(H3))
    b4 = jnp.zeros((1,), dtype=jnp.float32)
    bias = jnp.array([0.01], dtype=jnp.float32)
    return {"x": x, "tables": tables, "field_cov": field_cov,
            "W1": W1, "b1": b1, "W2": W2, "b2": b2,
            "W3": W3, "b3": b3, "W4": W4, "b4": b4, "bias": bias}


def reference(x, tables, field_cov, W1, b1, W2, b2, W3, b3, W4, b4, bias):
    # Per-field embedding lookups: embed_x_2nd[i] = emb_i(x[:, i]); stacked -> (F, B, D)
    embed = jax.vmap(lambda t, idx: jnp.take(t, idx, axis=0))(tables, x.T)
    # FieldWeightedFactorizationMachine forward
    outer_fm = jnp.einsum('kij,lij->klij', embed, embed)
    sym = (field_cov.T + field_cov) * 0.5
    outer_fwfm = jnp.einsum('klij,kl->klij', outer_fm, sym)
    fwfm_so = (jnp.sum(jnp.sum(outer_fwfm, 0), 0) - jnp.sum(embed * embed, 0)) * 0.5  # (B, D)
    fwfm_second_order = jnp.sum(fwfm_so, axis=1, keepdims=True)  # (B, 1)
    # MLP on concatenated per-field embeddings (B, F*D)
    mlp_in = jnp.transpose(embed, (1, 0, 2)).reshape(B, IN_DIM)
    h = jax.nn.relu(mlp_in @ W1 + b1)
    h = jax.nn.relu(h @ W2 + b2)
    h = jax.nn.relu(h @ W3 + b3)
    mlp_out = h @ W4 + b4  # (B, 1)
    out = fwfm_second_order + mlp_out + bias
    return jax.nn.sigmoid(out.squeeze(1))

if __name__ == "__main__":
    import jax
    _d = setup_inputs()
    print(jax.jit(kernel)(*tuple(_d.values())))

</pallas_src>

<mosaic_0001>
#map = affine_map<(d0, d1) -> (0, 0)>
#map1 = affine_map<(d0, d1) -> (0)>
module attributes {stable_mosaic.version = 14 : i64} {
  func.func @emb_slab_gather(%arg0: i32, %arg1: i32, %arg2: memref<416x100000xf32, #tpu.memory_space<hbm>>, %arg3: memref<26624xi32, #tpu.memory_space<hbm>>, %arg4: memref<1024x416xf32, #tpu.memory_space<hbm>>, %arg5: memref<832xi32, #tpu.memory_space<vmem>>, %arg6: memref<2x256x128xf32, #tpu.memory_space<vmem>>, %arg7: memref<32x416xf32, #tpu.memory_space<vmem>>, %arg8: memref<!tpu.dma_semaphore, #tpu.memory_space<semaphore_mem>>) attributes {dimension_semantics = [#tpu.dimension_semantics<core_parallel>, #tpu.dimension_semantics<subcore_parallel>], iteration_bounds = array<i64: 2, 16>, scalar_prefetch = 0 : i64, scratch_operands = 4 : i64, tpu.core_type = #tpu.core_type<sc_vector_subcore>, window_params = [{transform_indices = #map}, {transform_indices = #map1}, {transform_indices = #map}]} {
    %mul3A = arith.constant 2 : i32
    %mul3A_0 = arith.muli %arg1, %mul3A : i32
    %add3A = arith.addi %mul3A_0, %arg0 : i32
    %mul3A_1 = arith.constant 832 : i32
    %mul3A_2 = arith.muli %add3A, %mul3A_1 : i32
    "tpu.region"() ({
      %run_scoped3A = tpu.sem_alloc : memref<!tpu.dma_semaphore, #tpu.memory_space<semaphore_mem>>
      %dma_start3A_726 = tpu.memref_slice %arg3[%mul3A_2] : memref<26624xi32, #tpu.memory_space<hbm>> -> memref<832xi32, #tpu.memory_space<hbm>>
      %dma_start3A_727 = tpu.memref_slice %arg3[%mul3A_2] : memref<26624xi32, #tpu.memory_space<hbm>> -> memref<832xi32, #tpu.memory_space<hbm>>
      tpu.enqueue_dma source(%dma_start3A_727 : memref<832xi32, #tpu.memory_space<hbm>>) target(%arg5 : memref<832xi32, #tpu.memory_space<vmem>>) target_semaphore(%run_scoped3A : memref<!tpu.dma_semaphore, #tpu.memory_space<semaphore_mem>>)
      %dma_wait3A_728 = tpu.memref_slice %arg3[%mul3A_2] : memref<26624xi32, #tpu.memory_space<hbm>> -> memref<832xi32, #tpu.memory_space<hbm>>
      %dma_wait3A_729 = tpu.memref_slice %arg3[%mul3A_2] : memref<26624xi32, #tpu.memory_space<hbm>> -> memref<832xi32, #tpu.memory_space<hbm>>
      tpu.wait_dma2 semaphore(%run_scoped3A : memref<!tpu.dma_semaphore, #tpu.memory_space<semaphore_mem>>) src(%dma_wait3A_729 : memref<832xi32, #tpu.memory_space<hbm>>) dst(%arg5 : memref<832xi32, #tpu.memory_space<vmem>>)
      tpu.yield
    }) : () -> ()
    %iota3A = tpu.iota {dimensions = array<i32: 0>} : vector<16xi32>
    %get3A = arith.constant 0 : index
    %get3A_3 = tpu.vector_load %arg5[%get3A] {strides = array<i32>} : memref<832xi32, #tpu.memory_space<vmem>>, vector<16xi32>,
    %rem3A = arith.constant 0 : i32
    %rem3A_4 = arith.constant 26 : i32
    %rem3A_5 = arith.remsi %rem3A, %rem3A_4 : i32
    %slice3A = vector.extract_strided_slice %get3A_3 {offsets = [0], sizes = [1], strides = [1]} : vector<16xi32> to vector<1xi32>
    %squeeze3A = vector.extract %slice3A[0] : i32 from vector<1xi32>
    %div3A = arith.constant 128 : i32
    %div3A_6 = arith.divsi %squeeze3A, %div3A : i32
    %mul3A_7 = arith.constant 16 : i32
    %mul3A_8 = arith.muli %rem3A_5, %mul3A_7 : i32
    %multiple_of3A = tpu.assume_multiple %mul3A_8, 8 : i32
    %mul3A_9 = arith.constant 128 : i32
    %mul3A_10 = arith.muli %div3A_6, %mul3A_9 : i32
    %multiple_of3A_11 = tpu.assume_multiple %mul3A_10, 128 : i32
    %dma_start3A = arith.constant 0 : i32
    %dma_start3A_12 = arith.constant 0 : i32
    %dma_start3A_13 = arith.constant 0 : i32
    %dma_start3A_14 = tpu.memref_slice %arg6[%dma_start3A, %dma_start3A_12, %dma_start3A_13] : memref<2x256x128xf32, #tpu.memory_space<vmem>> -> memref<1x16x128xf32, #tpu.memory_space<vmem>>
    %dma_start3A_15 = tpu.memref_squeeze %dma_start3A_14 : memref<1x16x128xf32, #tpu.memory_space<vmem>> -> memref<16x128xf32, #tpu.memory_space<vmem>>
    %dma_start3A_16 = tpu.memref_slice %arg2[%multiple_of3A, %multiple_of3A_11] : memref<416x100000xf32, #tpu.memory_space<hbm>> -> memref<16x128xf32, #tpu.memory_space<hbm>>
    %dma_start3A_17 = arith.constant 0 : i32
    %dma_start3A_18 = arith.constant 0 : i32
    %dma_start3A_19 = tpu.memref_slice %arg6[%dma_start3A, %dma_start3A_17, %dma_start3A_18] : memref<2x256x128xf32, #tpu.memory_space<vmem>> -> memref<1x16x128xf32, #tpu.memory_space<vmem>>
    %dma_start3A_20 = tpu.memref_squeeze %dma_start3A_19 : memref<1x16x128xf32, #tpu.memory_space<vmem>> -> memref<16x128xf32, #tpu.memory_space<vmem>>
    %dma_start3A_21 = tpu.memref_slice %arg2[%multiple_of3A, %multiple_of3A_11] : memref<416x100000xf32, #tpu.memory_space<hbm>> -> memref<16x128xf32, #tpu.memory_space<hbm>>
    tpu.enqueue_dma source(%dma_start3A_21 : memref<16x128xf32, #tpu.memory_space<hbm>>) target(%dma_start3A_20 : memref<16x128xf32, #tpu.memory_space<vmem>>) target_semaphore(%arg8 : memref<!tpu.dma_semaphore, #tpu.memory_space<semaphore_mem>>)
    %rem3A_22 = arith.constant 1 : i32
    %rem3A_23 = arith.constant 26 : i32
    %rem3A_24 = arith.remsi %rem3A_22, %rem3A_23 : i32
    %slice3A_25 = vector.extract_strided_slice %get3A_3 {offsets = [1], sizes = [1], strides = [1]} : vector<16xi32> to vector<1xi32>
    %squeeze3A_26 = vector.extract %slice3A_25[0] : i32 from vector<1xi32>
    %div3A_27 = arith.constant 128 : i32
    %div3A_28 = arith.divsi %squeeze3A_26, %div3A_27 : i32
    %mul3A_29 = arith.constant 16 : i32
    %mul3A_30 = arith.muli %rem3A_24, %mul3A_29 : i32
    %multiple_of3A_31 = tpu.assume_multiple %mul3A_30, 8 : i32
    %mul3A_32 = arith.constant 128 : i32
    %mul3A_33 = arith.muli %div3A_28, %mul3A_32 : i32
    %multiple_of3A_34 = tpu.assume_multiple %mul3A_33, 128 : i32
    %dma_start3A_35 = arith.constant 0 : i32
    %dma_start3A_36 = arith.constant 16 : i32
    %dma_start3A_37 = arith.constant 0 : i32
    %dma_start3A_38 = tpu.memref_slice %arg6[%dma_start3A_35, %dma_start3A_36, %dma_start3A_37] : memref<2x256x128xf32, #tpu.memory_space<vmem>> -> memref<1x16x128xf32, #tpu.memory_space<vmem>>
    %dma_start3A_39 = tpu.memref_squeeze %dma_start3A_38 : memref<1x16x128xf32, #tpu.memory_space<vmem>> -> memref<16x128xf32, #tpu.memory_space<vmem>>
    %dma_start3A_40 = tpu.memref_slice %arg2[%multiple_of3A_31, %multiple_of3A_34] : memref<416x100000xf32, #tpu.memory_space<hbm>> -> memref<16x128xf32, #tpu.memory_space<hbm>>
    %dma_start3A_41 = arith.constant 16 : i32
    %dma_start3A_42 = arith.constant 0 : i32
    %dma_start3A_43 = tpu.memref_slice %arg6[%dma_start3A_35, %dma_start3A_41, %dma_start3A_42] : memref<2x256x128xf32, #tpu.memory_space<vmem>> -> memref<1x16x128xf32, #tpu.memory_space<vmem>>
    %dma_start3A_44 = tpu.memref_squeeze %dma_start3A_43 : memref<1x16x128xf32, #tpu.memory_space<vmem>> -> memref<16x128xf32, #tpu.memory_space<vmem>>
    %dma_start3A_45 = tpu.memref_slice %arg2[%multiple_of3A_31, %multiple_of3A_34] : memref<416x100000xf32, #tpu.memory_space<hbm>> -> memref<16x128xf32, #tpu.memory_space<hbm>>
    tpu.enqueue_dma source(%dma_start3A_45 : memref<16x128xf32, #tpu.memory_space<hbm>>) target(%dma_start3A_44 : memref<16x128xf32, #tpu.memory_space<vmem>>) target_semaphore(%arg8 : memref<!tpu.dma_semaphore, #tpu.memory_space<semaphore_mem>>)
    %rem3A_46 = arith.constant 2 : i32
    %rem3A_47 = arith.constant 26 : i32
    %rem3A_48 = arith.remsi %rem3A_46, %rem3A_47 : i32
    %slice3A_49 = vector.extract_strided_slice %get3A_3 {offsets = [2], sizes = [1], strides = [1]} : vector<16xi32> to vector<1xi32>
    %squeeze3A_50 = vector.extract %slice3A_49[0] : i32 from vector<1xi32>
    %div3A_51 = arith.constant 128 : i32
    %div3A_52 = arith.divsi %squeeze3A_50, %div3A_51 : i32
    %mul3A_53 = arith.constant 16 : i32
    %mul3A_54 = arith.muli %rem3A_48, %mul3A_53 : i32
    %multiple_of3A_55 = tpu.assume_multiple %mul3A_54, 8 : i32
    %mul3A_56 = arith.constant 128 : i32
    %mul3A_57 = arith.muli %div3A_52, %mul3A_56 : i32
    %multiple_of3A_58 = tpu.assume_multiple %mul3A_57, 128 : i32
    %dma_start3A_59 = arith.constant 0 : i32
    %dma_start3A_60 = arith.constant 32 : i32
    %dma_start3A_61 = arith.constant 0 : i32
    %dma_start3A_62 = tpu.memref_slice %arg6[%dma_start3A_59, %dma_start3A_60, %dma_start3A_61] : memref<2x256x128xf32, #tpu.memory_space<vmem>> -> memref<1x16x128xf32, #tpu.memory_space<vmem>>
    %dma_start3A_63 = tpu.memref_squeeze %dma_start3A_62 : memref<1x16x128xf32, #tpu.memory_space<vmem>> -> memref<16x128xf32, #tpu.memory_space<vmem>>
    %dma_start3A_64 = tpu.memref_slice %arg2[%multiple_of3A_55, %multiple_of3A_58] : memref<416x100000xf32, #tpu.memory_space<hbm>> -> memref<16x128xf32, #tpu.memory_space<hbm>>
    %dma_start3A_65 = arith.constant 32 : i32
    %dma_start3A_66 = arith.constant 0 : i32
    %dma_start3A_67 = tpu.memref_slice %arg6[%dma_start3A_59, %dma_start3A_65, %dma_start3A_66] : memref<2x256x128xf32, #tpu.memory_space<vmem>> -> memref<1x16x128xf32, #tpu.memory_space<vmem>>
    %dma_start3A_68 = tpu.memref_squeeze %dma_start3A_67 : memref<1x16x128xf32, #tpu.memory_space<vmem>> -> memref<16x128xf32, #tpu.memory_space<vmem>>
    %dma_start3A_69 = tpu.memref_slice %arg2[%multiple_of3A_55, %multiple_of3A_58] : memref<416x100000xf32, #tpu.memory_space<hbm>> -> memref<16x128xf32, #tpu.memory_space<hbm>>
    tpu.enqueue_dma source(%dma_start3A_69 : memref<16x128xf32, #tpu.memory_space<hbm>>) target(%dma_start3A_68 : memref<16x128xf32, #tpu.memory_space<vmem>>) target_semaphore(%arg8 : memref<!tpu.dma_semaphore, #tpu.memory_space<semaphore_mem>>)
    %rem3A_70 = arith.constant 3 : i32
    %rem3A_71 = arith.constant 26 : i32
    %rem3A_72 = arith.remsi %rem3A_70, %rem3A_71 : i32
    %slice3A_73 = vector.extract_strided_slice %get3A_3 {offsets = [3], sizes = [1], strides = [1]} : vector<16xi32> to vector<1xi32>
    %squeeze3A_74 = vector.extract %slice3A_73[0] : i32 from vector<1xi32>
    %div3A_75 = arith.constant 128 : i32
    %div3A_76 = arith.divsi %squeeze3A_74, %div3A_75 : i32
    %mul3A_77 = arith.constant 16 : i32
    %mul3A_78 = arith.muli %rem3A_72, %mul3A_77 : i32
    %multiple_of3A_79 = tpu.assume_multiple %mul3A_78, 8 : i32
    %mul3A_80 = arith.constant 128 : i32
    %mul3A_81 = arith.muli %div3A_76, %mul3A_80 : i32
    %multiple_of3A_82 = tpu.assume_multiple %mul3A_81, 128 : i32
    %dma_start3A_83 = arith.constant 0 : i32
    %dma_start3A_84 = arith.constant 48 : i32
    %dma_start3A_85 = arith.constant 0 : i32
    %dma_start3A_86 = tpu.memref_slice %arg6[%dma_start3A_83, %dma_start3A_84, %dma_start3A_85] : memref<2x256x128xf32, #tpu.memory_space<vmem>> -> memref<1x16x128xf32, #tpu.memory_space<vmem>>
    %dma_start3A_87 = tpu.memref_squeeze %dma_start3A_86 : memref<1x16x128xf32, #tpu.memory_space<vmem>> -> memref<16x128xf32, #tpu.memory_space<vmem>>
    %dma_start3A_88 = tpu.memref_slice %arg2[%multiple_of3A_79, %multiple_of3A_82] : memref<416x100000xf32, #tpu.memory_space<hbm>> -> memref<16x128xf32, #tpu.memory_space<hbm>>
    %dma_start3A_89 = arith.constant 48 : i32
    %dma_start3A_90 = arith.constant 0 : i32
    %dma_start3A_91 = tpu.memref_slice %arg6[%dma_start3A_83, %dma_start3A_89, %dma_start3A_90] : memref<2x256x128xf32, #tpu.memory_space<vmem>> -> memref<1x16x128xf32, #tpu.memory_space<vmem>>
    %dma_start3A_92 = tpu.memref_squeeze %dma_start3A_91 : memref<1x16x128xf32, #tpu.memory_space<vmem>> -> memref<16x128xf32, #tpu.memory_space<vmem>>
    %dma_start3A_93 = tpu.memref_slice %arg2[%multiple_of3A_79, %multiple_of3A_82] : memref<416x100000xf32, #tpu.memory_space<hbm>> -> memref<16x128xf32, #tpu.memory_space<hbm>>
    tpu.enqueue_dma source(%dma_start3A_93 : memref<16x128xf32, #tpu.memory_space<hbm>>) target(%dma_start3A_92 : memref<16x128xf32, #tpu.memory_space<vmem>>) target_semaphore(%arg8 : memref<!tpu.dma_semaphore, #tpu.memory_space<semaphore_mem>>)
    %rem3A_94 = arith.constant 4 : i32
    %rem3A_95 = arith.constant 26 : i32
    %rem3A_96 = arith.remsi %rem3A_94, %rem3A_95 : i32
    %slice3A_97 = vector.extract_strided_slice %get3A_3 {offsets = [4], sizes = [1], strides = [1]} : vector<16xi32> to vector<1xi32>
    %squeeze3A_98 = vector.extract %slice3A_97[0] : i32 from vector<1xi32>
    %div3A_99 = arith.constant 128 : i32
    %div3A_100 = arith.divsi %squeeze3A_98, %div3A_99 : i32
    %mul3A_101 = arith.constant 16 : i32
    %mul3A_102 = arith.muli %rem3A_96, %mul3A_101 : i32
    %multiple_of3A_103 = tpu.assume_multiple %mul3A_102, 8 : i32
    %mul3A_104 = arith.constant 128 : i32
    %mul3A_105 = arith.muli %div3A_100, %mul3A_104 : i32
    %multiple_of3A_106 = tpu.assume_multiple %mul3A_105, 128 : i32
    %dma_start3A_107 = arith.constant 0 : i32
    %dma_start3A_108 = arith.constant 64 : i32
    %dma_start3A_109 = arith.constant 0 : i32
    %dma_start3A_110 = tpu.memref_slice %arg6[%dma_start3A_107, %dma_start3A_108, %dma_start3A_109] : memref<2x256x128xf32, #tpu.memory_space<vmem>> -> memref<1x16x128xf32, #tpu.memory_space<vmem>>
    %dma_start3A_111 = tpu.memref_squeeze %dma_start3A_110 : memref<1x16x128xf32, #tpu.memory_space<vmem>> -> memref<16x128xf32, #tpu.memory_space<vmem>>
    %dma_start3A_112 = tpu.memref_slice %arg2[%multiple_of3A_103, %multiple_of3A_106] : memref<416x100000xf32, #tpu.memory_space<hbm>> -> memref<16x128xf32, #tpu.memory_space<hbm>>
    %dma_start3A_113 = arith.constant 64 : i32
    %dma_start3A_114 = arith.constant 0 : i32
    %dma_start3A_115 = tpu.memref_slice %arg6[%dma_start3A_107, %dma_start3A_113, %dma_start3A_114] : memref<2x256x128xf32, #tpu.memory_space<vmem>> -> memref<1x16x128xf32, #tpu.memory_space<vmem>>
    %dma_start3A_116 = tpu.memref_squeeze %dma_start3A_115 : memref<1x16x128xf32, #tpu.memory_space<vmem>> -> memref<16x128xf32, #tpu.memory_space<vmem>>
    %dma_start3A_117 = tpu.memref_slice %arg2[%multiple_of3A_103, %multiple_of3A_106] : memref<416x100000xf32, #tpu.memory_space<hbm>> -> memref<16x128xf32, #tpu.memory_space<hbm>>
    tpu.enqueue_dma source(%dma_start3A_117 : memref<16x128xf32, #tpu.memory_space<hbm>>) target(%dma_start3A_116 : memref<16x128xf32, #tpu.memory_space<vmem>>) target_semaphore(%arg8 : memref<!tpu.dma_semaphore, #tpu.memory_space<semaphore_mem>>)
    %rem3A_118 = arith.constant 5 : i32
    %rem3A_119 = arith.constant 26 : i32
    %rem3A_120 = arith.remsi %rem3A_118, %rem3A_119 : i32
    %slice3A_121 = vector.extract_strided_slice %get3A_3 {offsets = [5], sizes = [1], strides = [1]} : vector<16xi32> to vector<1xi32>
    %squeeze3A_122 = vector.extract %slice3A_121[0] : i32 from vector<1xi32>
    %div3A_123 = arith.constant 128 : i32
    %div3A_124 = arith.divsi %squeeze3A_122, %div3A_123 : i32
    %mul3A_125 = arith.constant 16 : i32
    %mul3A_126 = arith.muli %rem3A_120, %mul3A_125 : i32
    %multiple_of3A_127 = tpu.assume_multiple %mul3A_126, 8 : i32
    %mul3A_128 = arith.constant 128 : i32
    %mul3A_129 = arith.muli %div3A_124, %mul3A_128 : i32
    %multiple_of3A_130 = tpu.assume_multiple %mul3A_129, 128 : i32
    %dma_start3A_131 = arith.constant 0 : i32
    %dma_start3A_132 = arith.constant 80 : i32
    %dma_start3A_133 = arith.constant 0 : i32
    %dma_start3A_134 = tpu.memref_slice %arg6[%dma_start3A_131, %dma_start3A_132, %dma_start3A_133] : memref<2x256x128xf32, #tpu.memory_space<vmem>> -> memref<1x16x128xf32, #tpu.memory_space<vmem>>
    %dma_start3A_135 = tpu.memref_squeeze %dma_start3A_134 : memref<1x16x128xf32, #tpu.memory_space<vmem>> -> memref<16x128xf32, #tpu.memory_space<vmem>>
    %dma_start3A_136 = tpu.memref_slice %arg2[%multiple_of3A_127, %multiple_of3A_130] : memref<416x100000xf32, #tpu.memory_space<hbm>> -> memref<16x128xf32, #tpu.memory_space<hbm>>
    %dma_start3A_137 = arith.constant 80 : i32
    %dma_start3A_138 = arith.constant 0 : i32
    %dma_start3A_139 = tpu.memref_slice %arg6[%dma_start3A_131, %dma_start3A_137, %dma_start3A_138] : memref<2x256x128xf32, #tpu.memory_space<vmem>> -> memref<1x16x128xf32, #tpu.memory_space<vmem>>
    %dma_start3A_140 = tpu.memref_squeeze %dma_start3A_139 : memref<1x16x128xf32, #tpu.memory_space<vmem>> -> memref<16x128xf32, #tpu.memory_space<vmem>>
    %dma_start3A_141 = tpu.memref_slice %arg2[%multiple_of3A_127, %multiple_of3A_130] : memref<416x100000xf32, #tpu.memory_space<hbm>> -> memref<16x128xf32, #tpu.memory_space<hbm>>
    tpu.enqueue_dma source(%dma_start3A_141 : memref<16x128xf32, #tpu.memory_space<hbm>>) target(%dma_start3A_140 : memref<16x128xf32, #tpu.memory_space<vmem>>) target_semaphore(%arg8 : memref<!tpu.dma_semaphore, #tpu.memory_space<semaphore_mem>>)
    %rem3A_142 = arith.constant 6 : i32
    %rem3A_143 = arith.constant 26 : i32
    %rem3A_144 = arith.remsi %rem3A_142, %rem3A_143 : i32
    %slice3A_145 = vector.extract_strided_slice %get3A_3 {offsets = [6], sizes = [1], strides = [1]} : vector<16xi32> to vector<1xi32>
    %squeeze3A_146 = vector.extract %slice3A_145[0] : i32 from vector<1xi32>
    %div3A_147 = arith.constant 128 : i32
    %div3A_148 = arith.divsi %squeeze3A_146, %div3A_147 : i32
    %mul3A_149 = arith.constant 16 : i32
    %mul3A_150 = arith.muli %rem3A_144, %mul3A_149 : i32
    %multiple_of3A_151 = tpu.assume_multiple %mul3A_150, 8 : i32
    %mul3A_152 = arith.constant 128 : i32
    %mul3A_153 = arith.muli %div3A_148, %mul3A_152 : i32
    %multiple_of3A_154 = tpu.assume_multiple %mul3A_153, 128 : i32
    %dma_start3A_155 = arith.constant 0 : i32
    %dma_start3A_156 = arith.constant 96 : i32
    %dma_start3A_157 = arith.constant 0 : i32
    %dma_start3A_158 = tpu.memref_slice %arg6[%dma_start3A_155, %dma_start3A_156, %dma_start3A_157] : memref<2x256x128xf32, #tpu.memory_space<vmem>> -> memref<1x16x128xf32, #tpu.memory_space<vmem>>
    %dma_start3A_159 = tpu.memref_squeeze %dma_start3A_158 : memref<1x16x128xf32, #tpu.memory_space<vmem>> -> memref<16x128xf32, #tpu.memory_space<vmem>>
    %dma_start3A_160 = tpu.memref_slice %arg2[%multiple_of3A_151, %multiple_of3A_154] : memref<416x100000xf32, #tpu.memory_space<hbm>> -> memref<16x128xf32, #tpu.memory_space<hbm>>
    %dma_start3A_161 = arith.constant 96 : i32
    %dma_start3A_162 = arith.constant 0 : i32
    %dma_start3A_163 = tpu.memref_slice %arg6[%dma_start3A_155, %dma_start3A_161, %dma_start3A_162] : memref<2x256x128xf32, #tpu.memory_space<vmem>> -> memref<1x16x128xf32, #tpu.memory_space<vmem>>
    %dma_start3A_164 = tpu.memref_squeeze %dma_start3A_163 : memref<1x16x128xf32, #tpu.memory_space<vmem>> -> memref<16x128xf32, #tpu.memory_space<vmem>>
    %dma_start3A_165 = tpu.memref_slice %arg2[%multiple_of3A_151, %multiple_of3A_154] : memref<416x100000xf32, #tpu.memory_space<hbm>> -> memref<16x128xf32, #tpu.memory_space<hbm>>
    tpu.enqueue_dma source(%dma_start3A_165 : memref<16x128xf32, #tpu.memory_space<hbm>>) target(%dma_start3A_164 : memref<16x128xf32, #tpu.memory_space<vmem>>) target_semaphore(%arg8 : memref<!tpu.dma_semaphore, #tpu.memory_space<semaphore_mem>>)
    %rem3A_166 = arith.constant 7 : i32
    %rem3A_167 = arith.constant 26 : i32
    %rem3A_168 = arith.remsi %rem3A_166, %rem3A_167 : i32
    %slice3A_169 = vector.extract_strided_slice %get3A_3 {offsets = [7], sizes = [1], strides = [1]} : vector<16xi32> to vector<1xi32>
    %squeeze3A_170 = vector.extract %slice3A_169[0] : i32 from vector<1xi32>
    %div3A_171 = arith.constant 128 : i32
    %div3A_172 = arith.divsi %squeeze3A_170, %div3A_171 : i32
    %mul3A_173 = arith.constant 16 : i32
    %mul3A_174 = arith.muli %rem3A_168, %mul3A_173 : i32
    %multiple_of3A_175 = tpu.assume_multiple %mul3A_174, 8 : i32
    %mul3A_176 = arith.constant 128 : i32
    %mul3A_177 = arith.muli %div3A_172, %mul3A_176 : i32
    %multiple_of3A_178 = tpu.assume_multiple %mul3A_177, 128 : i32
    %dma_start3A_179 = arith.constant 0 : i32
    %dma_start3A_180 = arith.constant 112 : i32
    %dma_start3A_181 = arith.constant 0 : i32
    %dma_start3A_182 = tpu.memref_slice %arg6[%dma_start3A_179, %dma_start3A_180, %dma_start3A_181] : memref<2x256x128xf32, #tpu.memory_space<vmem>> -> memref<1x16x128xf32, #tpu.memory_space<vmem>>
    %dma_start3A_183 = tpu.memref_squeeze %dma_start3A_182 : memref<1x16x128xf32, #tpu.memory_space<vmem>> -> memref<16x128xf32, #tpu.memory_space<vmem>>
    %dma_start3A_184 = tpu.memref_slice %arg2[%multiple_of3A_175, %multiple_of3A_178] : memref<416x100000xf32, #tpu.memory_space<hbm>> -> memref<16x128xf32, #tpu.memory_space<hbm>>
    %dma_start3A_185 = arith.constant 112 : i32
    %dma_start3A_186 = arith.constant 0 : i32
    %dma_start3A_187 = tpu.memref_slice %arg6[%dma_start3A_179, %dma_start3A_185, %dma_start3A_186] : memref<2x256x128xf32, #tpu.memory_space<vmem>> -> memref<1x16x128xf32, #tpu.memory_space<vmem>>
    %dma_start3A_188 = tpu.memref_squeeze %dma_start3A_187 : memref<1x16x128xf32, #tpu.memory_space<vmem>> -> memref<16x128xf32, #tpu.memory_space<vmem>>
    %dma_start3A_189 = tpu.memref_slice %arg2[%multiple_of3A_175, %multiple_of3A_178] : memref<416x100000xf32, #tpu.memory_space<hbm>> -> memref<16x128xf32, #tpu.memory_space<hbm>>
    tpu.enqueue_dma source(%dma_start3A_189 : memref<16x128xf32, #tpu.memory_space<hbm>>) target(%dma_start3A_188 : memref<16x128xf32, #tpu.memory_space<vmem>>) target_semaphore(%arg8 : memref<!tpu.dma_semaphore, #tpu.memory_space<semaphore_mem>>)
    %rem3A_190 = arith.constant 8 : i32
    %rem3A_191 = arith.constant 26 : i32
    %rem3A_192 = arith.remsi %rem3A_190, %rem3A_191 : i32
    %slice3A_193 = vector.extract_strided_slice %get3A_3 {offsets = [8], sizes = [1], strides = [1]} : vector<16xi32> to vector<1xi32>
    %squeeze3A_194 = vector.extract %slice3A_193[0] : i32 from vector<1xi32>
    %div3A_195 = arith.constant 128 : i32
    %div3A_196 = arith.divsi %squeeze3A_194, %div3A_195 : i32
    %mul3A_197 = arith.constant 16 : i32
    %mul3A_198 = arith.muli %rem3A_192, %mul3A_197 : i32
    %multiple_of3A_199 = tpu.assume_multiple %mul3A_198, 8 : i32
    %mul3A_200 = arith.constant 128 : i32
    %mul3A_201 = arith.muli %div3A_196, %mul3A_200 : i32
    %multiple_of3A_202 = tpu.assume_multiple %mul3A_201, 128 : i32
    %dma_start3A_203 = arith.constant 0 : i32
    %dma_start3A_204 = arith.constant 128 : i32
    %dma_start3A_205 = arith.constant 0 : i32
    %dma_start3A_206 = tpu.memref_slice %arg6[%dma_start3A_203, %dma_start3A_204, %dma_start3A_205] : memref<2x256x128xf32, #tpu.memory_space<vmem>> -> memref<1x16x128xf32, #tpu.memory_space<vmem>>
    %dma_start3A_207 = tpu.memref_squeeze %dma_start3A_206 : memref<1x16x128xf32, #tpu.memory_space<vmem>> -> memref<16x128xf32, #tpu.memory_space<vmem>>
    %dma_start3A_208 = tpu.memref_slice %arg2[%multiple_of3A_199, %multiple_of3A_202] : memref<416x100000xf32, #tpu.memory_space<hbm>> -> memref<16x128xf32, #tpu.memory_space<hbm>>
    %dma_start3A_209 = arith.constant 128 : i32
    %dma_start3A_210 = arith.constant 0 : i32
    %dma_start3A_211 = tpu.memref_slice %arg6[%dma_start3A_203, %dma_start3A_209, %dma_start3A_210] : memref<2x256x128xf32, #tpu.memory_space<vmem>> -> memref<1x16x128xf32, #tpu.memory_space<vmem>>
    %dma_start3A_212 = tpu.memref_squeeze %dma_start3A_211 : memref<1x16x128xf32, #tpu.memory_space<vmem>> -> memref<16x128xf32, #tpu.memory_space<vmem>>
    %dma_start3A_213 = tpu.memref_slice %arg2[%multiple_of3A_199, %multiple_of3A_202] : memref<416x100000xf32, #tpu.memory_space<hbm>> -> memref<16x128xf32, #tpu.memory_space<hbm>>
    tpu.enqueue_dma source(%dma_start3A_213 : memref<16x128xf32, #tpu.memory_space<hbm>>) target(%dma_start3A_212 : memref<16x128xf32, #tpu.memory_space<vmem>>) target_semaphore(%arg8 : memref<!tpu.dma_semaphore, #tpu.memory_space<semaphore_mem>>)
    %rem3A_214 = arith.constant 9 : i32
    %rem3A_215 = arith.constant 26 : i32
    %rem3A_216 = arith.remsi %rem3A_214, %rem3A_215 : i32
    %slice3A_217 = vector.extract_strided_slice %get3A_3 {offsets = [9], sizes = [1], strides = [1]} : vector<16xi32> to vector<1xi32>
    %squeeze3A_218 = vector.extract %slice3A_217[0] : i32 from vector<1xi32>
    %div3A_219 = arith.constant 128 : i32
    %div3A_220 = arith.divsi %squeeze3A_218, %div3A_219 : i32
    %mul3A_221 = arith.constant 16 : i32
    %mul3A_222 = arith.muli %rem3A_216, %mul3A_221 : i32
    %multiple_of3A_223 = tpu.assume_multiple %mul3A_222, 8 : i32
    %mul3A_224 = arith.constant 128 : i32
    %mul3A_225 = arith.muli %div3A_220, %mul3A_224 : i32
    %multiple_of3A_226 = tpu.assume_multiple %mul3A_225, 128 : i32
    %dma_start3A_227 = arith.constant 0 : i32
    %dma_start3A_228 = arith.constant 144 : i32
    %dma_start3A_229 = arith.constant 0 : i32
    %dma_start3A_230 = tpu.memref_slice %arg6[%dma_start3A_227, %dma_start3A_228, %dma_start3A_229] : memref<2x256x128xf32, #tpu.memory_space<vmem>> -> memref<1x16x128xf32, #tpu.memory_space<vmem>>
    %dma_start3A_231 = tpu.memref_squeeze %dma_start3A_230 : memref<1x16x128xf32, #tpu.memory_space<vmem>> -> memref<16x128xf32, #tpu.memory_space<vmem>>
    %dma_start3A_232 = tpu.memref_slice %arg2[%multiple_of3A_223, %multiple_of3A_226] : memref<416x100000xf32, #tpu.memory_space<hbm>> -> memref<16x128xf32, #tpu.memory_space<hbm>>
    %dma_start3A_233 = arith.constant 144 : i32
    %dma_start3A_234 = arith.constant 0 : i32
    %dma_start3A_235 = tpu.memref_slice %arg6[%dma_start3A_227, %dma_start3A_233, %dma_start3A_234] : memref<2x256x128xf32, #tpu.memory_space<vmem>> -> memref<1x16x128xf32, #tpu.memory_space<vmem>>
    %dma_start3A_236 = tpu.memref_squeeze %dma_start3A_235 : memref<1x16x128xf32, #tpu.memory_space<vmem>> -> memref<16x128xf32, #tpu.memory_space<vmem>>
    %dma_start3A_237 = tpu.memref_slice %arg2[%multiple_of3A_223, %multiple_of3A_226] : memref<416x100000xf32, #tpu.memory_space<hbm>> -> memref<16x128xf32, #tpu.memory_space<hbm>>
    tpu.enqueue_dma source(%dma_start3A_237 : memref<16x128xf32, #tpu.memory_space<hbm>>) target(%dma_start3A_236 : memref<16x128xf32, #tpu.memory_space<vmem>>) target_semaphore(%arg8 : memref<!tpu.dma_semaphore, #tpu.memory_space<semaphore_mem>>)
    %rem3A_238 = arith.constant 10 : i32
    %rem3A_239 = arith.constant 26 : i32
    %rem3A_240 = arith.remsi %rem3A_238, %rem3A_239 : i32
    %slice3A_241 = vector.extract_strided_slice %get3A_3 {offsets = [10], sizes = [1], strides = [1]} : vector<16xi32> to vector<1xi32>
    %squeeze3A_242 = vector.extract %slice3A_241[0] : i32 from vector<1xi32>
    %div3A_243 = arith.constant 128 : i32
    %div3A_244 = arith.divsi %squeeze3A_242, %div3A_243 : i32
    %mul3A_245 = arith.constant 16 : i32
    %mul3A_246 = arith.muli %rem3A_240, %mul3A_245 : i32
    %multiple_of3A_247 = tpu.assume_multiple %mul3A_246, 8 : i32
    %mul3A_248 = arith.constant 128 : i32
    %mul3A_249 = arith.muli %div3A_244, %mul3A_248 : i32
    %multiple_of3A_250 = tpu.assume_multiple %mul3A_249, 128 : i32
    %dma_start3A_251 = arith.constant 0 : i32
    %dma_start3A_252 = arith.constant 160 : i32
    %dma_start3A_253 = arith.constant 0 : i32
    %dma_start3A_254 = tpu.memref_slice %arg6[%dma_start3A_251, %dma_start3A_252, %dma_start3A_253] : memref<2x256x128xf32, #tpu.memory_space<vmem>> -> memref<1x16x128xf32, #tpu.memory_space<vmem>>
    %dma_start3A_255 = tpu.memref_squeeze %dma_start3A_254 : memref<1x16x128xf32, #tpu.memory_space<vmem>> -> memref<16x128xf32, #tpu.memory_space<vmem>>
    %dma_start3A_256 = tpu.memref_slice %arg2[%multiple_of3A_247, %multiple_of3A_250] : memref<416x100000xf32, #tpu.memory_space<hbm>> -> memref<16x128xf32, #tpu.memory_space<hbm>>
    %dma_start3A_257 = arith.constant 160 : i32
    %dma_start3A_258 = arith.constant 0 : i32
    %dma_start3A_259 = tpu.memref_slice %arg6[%dma_start3A_251, %dma_start3A_257, %dma_start3A_258] : memref<2x256x128xf32, #tpu.memory_space<vmem>> -> memref<1x16x128xf32, #tpu.memory_space<vmem>>
    %dma_start3A_260 = tpu.memref_squeeze %dma_start3A_259 : memref<1x16x128xf32, #tpu.memory_space<vmem>> -> memref<16x128xf32, #tpu.memory_space<vmem>>
    %dma_start3A_261 = tpu.memref_slice %arg2[%multiple_of3A_247, %multiple_of3A_250] : memref<416x100000xf32, #tpu.memory_space<hbm>> -> memref<16x128xf32, #tpu.memory_space<hbm>>
    tpu.enqueue_dma source(%dma_start3A_261 : memref<16x128xf32, #tpu.memory_space<hbm>>) target(%dma_start3A_260 : memref<16x128xf32, #tpu.memory_space<vmem>>) target_semaphore(%arg8 : memref<!tpu.dma_semaphore, #tpu.memory_space<semaphore_mem>>)
    %rem3A_262 = arith.constant 11 : i32
    %rem3A_263 = arith.constant 26 : i32
    %rem3A_264 = arith.remsi %rem3A_262, %rem3A_263 : i32
    %slice3A_265 = vector.extract_strided_slice %get3A_3 {offsets = [11], sizes = [1], strides = [1]} : vector<16xi32> to vector<1xi32>
    %squeeze3A_266 = vector.extract %slice3A_265[0] : i32 from vector<1xi32>
    %div3A_267 = arith.constant 128 : i32
    %div3A_268 = arith.divsi %squeeze3A_266, %div3A_267 : i32
    %mul3A_269 = arith.constant 16 : i32
    %mul3A_270 = arith.muli %rem3A_264, %mul3A_269 : i32
    %multiple_of3A_271 = tpu.assume_multiple %mul3A_270, 8 : i32
    %mul3A_272 = arith.constant 128 : i32
    %mul3A_273 = arith.muli %div3A_268, %mul3A_272 : i32
    %multiple_of3A_274 = tpu.assume_multiple %mul3A_273, 128 : i32
    %dma_start3A_275 = arith.constant 0 : i32
    %dma_start3A_276 = arith.constant 176 : i32
    %dma_start3A_277 = arith.constant 0 : i32
    %dma_start3A_278 = tpu.memref_slice %arg6[%dma_start3A_275, %dma_start3A_276, %dma_start3A_277] : memref<2x256x128xf32, #tpu.memory_space<vmem>> -> memref<1x16x128xf32, #tpu.memory_space<vmem>>
    %dma_start3A_279 = tpu.memref_squeeze %dma_start3A_278 : memref<1x16x128xf32, #tpu.memory_space<vmem>> -> memref<16x128xf32, #tpu.memory_space<vmem>>
    %dma_start3A_280 = tpu.memref_slice %arg2[%multiple_of3A_271, %multiple_of3A_274] : memref<416x100000xf32, #tpu.memory_space<hbm>> -> memref<16x128xf32, #tpu.memory_space<hbm>>
    %dma_start3A_281 = arith.constant 176 : i32
    %dma_start3A_282 = arith.constant 0 : i32
    %dma_start3A_283 = tpu.memref_slice %arg6[%dma_start3A_275, %dma_start3A_281, %dma_start3A_282] : memref<2x256x128xf32, #tpu.memory_space<vmem>> -> memref<1x16x128xf32, #tpu.memory_space<vmem>>
    %dma_start3A_284 = tpu.memref_squeeze %dma_start3A_283 : memref<1x16x128xf32, #tpu.memory_space<vmem>> -> memref<16x128xf32, #tpu.memory_space<vmem>>
    %dma_start3A_285 = tpu.memref_slice %arg2[%multiple_of3A_271, %multiple_of3A_274] : memref<416x100000xf32, #tpu.memory_space<hbm>> -> memref<16x128xf32, #tpu.memory_space<hbm>>
    tpu.enqueue_dma source(%dma_start3A_285 : memref<16x128xf32, #tpu.memory_space<hbm>>) target(%dma_start3A_284 : memref<16x128xf32, #tpu.memory_space<vmem>>) target_semaphore(%arg8 : memref<!tpu.dma_semaphore, #tpu.memory_space<semaphore_mem>>)
    %rem3A_286 = arith.constant 12 : i32
    %rem3A_287 = arith.constant 26 : i32
    %rem3A_288 = arith.remsi %rem3A_286, %rem3A_287 : i32
    %slice3A_289 = vector.extract_strided_slice %get3A_3 {offsets = [12], sizes = [1], strides = [1]} : vector<16xi32> to vector<1xi32>
    %squeeze3A_290 = vector.extract %slice3A_289[0] : i32 from vector<1xi32>
    %div3A_291 = arith.constant 128 : i32
    %div3A_292 = arith.divsi %squeeze3A_290, %div3A_291 : i32
    %mul3A_293 = arith.constant 16 : i32
    %mul3A_294 = arith.muli %rem3A_288, %mul3A_293 : i32
    %multiple_of3A_295 = tpu.assume_multiple %mul3A_294, 8 : i32
    %mul3A_296 = arith.constant 128 : i32
    %mul3A_297 = arith.muli %div3A_292, %mul3A_296 : i32
    %multiple_of3A_298 = tpu.assume_multiple %mul3A_297, 128 : i32
    %dma_start3A_299 = arith.constant 0 : i32
    %dma_start3A_300 = arith.constant 192 : i32
    %dma_start3A_301 = arith.constant 0 : i32
    %dma_start3A_302 = tpu.memref_slice %arg6[%dma_start3A_299, %dma_start3A_300, %dma_start3A_301] : memref<2x256x128xf32, #tpu.memory_space<vmem>> -> memref<1x16x128xf32, #tpu.memory_space<vmem>>
    %dma_start3A_303 = tpu.memref_squeeze %dma_start3A_302 : memref<1x16x128xf32, #tpu.memory_space<vmem>> -> memref<16x128xf32, #tpu.memory_space<vmem>>
    %dma_start3A_304 = tpu.memref_slice %arg2[%multiple_of3A_295, %multiple_of3A_298] : memref<416x100000xf32, #tpu.memory_space<hbm>> -> memref<16x128xf32, #tpu.memory_space<hbm>>
    %dma_start3A_305 = arith.constant 192 : i32
    %dma_start3A_306 = arith.constant 0 : i32
    %dma_start3A_307 = tpu.memref_slice %arg6[%dma_start3A_299, %dma_start3A_305, %dma_start3A_306] : memref<2x256x128xf32, #tpu.memory_space<vmem>> -> memref<1x16x128xf32, #tpu.memory_space<vmem>>
    %dma_start3A_308 = tpu.memref_squeeze %dma_start3A_307 : memref<1x16x128xf32, #tpu.memory_space<vmem>> -> memref<16x128xf32, #tpu.memory_space<vmem>>
    %dma_start3A_309 = tpu.memref_slice %arg2[%multiple_of3A_295, %multiple_of3A_298] : memref<416x100000xf32, #tpu.memory_space<hbm>> -> memref<16x128xf32, #tpu.memory_space<hbm>>
    tpu.enqueue_dma source(%dma_start3A_309 : memref<16x128xf32, #tpu.memory_space<hbm>>) target(%dma_start3A_308 : memref<16x128xf32, #tpu.memory_space<vmem>>) target_semaphore(%arg8 : memref<!tpu.dma_semaphore, #tpu.memory_space<semaphore_mem>>)
    %rem3A_310 = arith.constant 13 : i32
    %rem3A_311 = arith.constant 26 : i32
    %rem3A_312 = arith.remsi %rem3A_310, %rem3A_311 : i32
    %slice3A_313 = vector.extract_strided_slice %get3A_3 {offsets = [13], sizes = [1], strides = [1]} : vector<16xi32> to vector<1xi32>
    %squeeze3A_314 = vector.extract %slice3A_313[0] : i32 from vector<1xi32>
    %div3A_315 = arith.constant 128 : i32
    %div3A_316 = arith.divsi %squeeze3A_314, %div3A_315 : i32
    %mul3A_317 = arith.constant 16 : i32
    %mul3A_318 = arith.muli %rem3A_312, %mul3A_317 : i32
    %multiple_of3A_319 = tpu.assume_multiple %mul3A_318, 8 : i32
    %mul3A_320 = arith.constant 128 : i32
    %mul3A_321 = arith.muli %div3A_316, %mul3A_320 : i32
    %multiple_of3A_322 = tpu.assume_multiple %mul3A_321, 128 : i32
    %dma_start3A_323 = arith.constant 0 : i32
    %dma_start3A_324 = arith.constant 208 : i32
    %dma_start3A_325 = arith.constant 0 : i32
    %dma_start3A_326 = tpu.memref_slice %arg6[%dma_start3A_323, %dma_start3A_324, %dma_start3A_325] : memref<2x256x128xf32, #tpu.memory_space<vmem>> -> memref<1x16x128xf32, #tpu.memory_space<vmem>>
    %dma_start3A_327 = tpu.memref_squeeze %dma_start3A_326 : memref<1x16x128xf32, #tpu.memory_space<vmem>> -> memref<16x128xf32, #tpu.memory_space<vmem>>
    %dma_start3A_328 = tpu.memref_slice %arg2[%multiple_of3A_319, %multiple_of3A_322] : memref<416x100000xf32, #tpu.memory_space<hbm>> -> memref<16x128xf32, #tpu.memory_space<hbm>>
    %dma_start3A_329 = arith.constant 208 : i32
    %dma_start3A_330 = arith.constant 0 : i32
    %dma_start3A_331 = tpu.memref_slice %arg6[%dma_start3A_323, %dma_start3A_329, %dma_start3A_330] : memref<2x256x128xf32, #tpu.memory_space<vmem>> -> memref<1x16x128xf32, #tpu.memory_space<vmem>>
    %dma_start3A_332 = tpu.memref_squeeze %dma_start3A_331 : memref<1x16x128xf32, #tpu.memory_space<vmem>> -> memref<16x128xf32, #tpu.memory_space<vmem>>
    %dma_start3A_333 = tpu.memref_slice %arg2[%multiple_of3A_319, %multiple_of3A_322] : memref<416x100000xf32, #tpu.memory_space<hbm>> -> memref<16x128xf32, #tpu.memory_space<hbm>>
    tpu.enqueue_dma source(%dma_start3A_333 : memref<16x128xf32, #tpu.memory_space<hbm>>) target(%dma_start3A_332 : memref<16x128xf32, #tpu.memory_space<vmem>>) target_semaphore(%arg8 : memref<!tpu.dma_semaphore, #tpu.memory_space<semaphore_mem>>)
    %rem3A_334 = arith.constant 14 : i32
    %rem3A_335 = arith.constant 26 : i32
    %rem3A_336 = arith.remsi %rem3A_334, %rem3A_335 : i32
    %slice3A_337 = vector.extract_strided_slice %get3A_3 {offsets = [14], sizes = [1], strides = [1]} : vector<16xi32> to vector<1xi32>
    %squeeze3A_338 = vector.extract %slice3A_337[0] : i32 from vector<1xi32>
    %div3A_339 = arith.constant 128 : i32
    %div3A_340 = arith.divsi %squeeze3A_338, %div3A_339 : i32
    %mul3A_341 = arith.constant 16 : i32
    %mul3A_342 = arith.muli %rem3A_336, %mul3A_341 : i32
    %multiple_of3A_343 = tpu.assume_multiple %mul3A_342, 8 : i32
    %mul3A_344 = arith.constant 128 : i32
    %mul3A_345 = arith.muli %div3A_340, %mul3A_344 : i32
    %multiple_of3A_346 = tpu.assume_multiple %mul3A_345, 128 : i32
    %dma_start3A_347 = arith.constant 0 : i32
    %dma_start3A_348 = arith.constant 224 : i32
    %dma_start3A_349 = arith.constant 0 : i32
    %dma_start3A_350 = tpu.memref_slice %arg6[%dma_start3A_347, %dma_start3A_348, %dma_start3A_349] : memref<2x256x128xf32, #tpu.memory_space<vmem>> -> memref<1x16x128xf32, #tpu.memory_space<vmem>>
    %dma_start3A_351 = tpu.memref_squeeze %dma_start3A_350 : memref<1x16x128xf32, #tpu.memory_space<vmem>> -> memref<16x128xf32, #tpu.memory_space<vmem>>
    %dma_start3A_352 = tpu.memref_slice %arg2[%multiple_of3A_343, %multiple_of3A_346] : memref<416x100000xf32, #tpu.memory_space<hbm>> -> memref<16x128xf32, #tpu.memory_space<hbm>>
    %dma_start3A_353 = arith.constant 224 : i32
    %dma_start3A_354 = arith.constant 0 : i32
    %dma_start3A_355 = tpu.memref_slice %arg6[%dma_start3A_347, %dma_start3A_353, %dma_start3A_354] : memref<2x256x128xf32, #tpu.memory_space<vmem>> -> memref<1x16x128xf32, #tpu.memory_space<vmem>>
    %dma_start3A_356 = tpu.memref_squeeze %dma_start3A_355 : memref<1x16x128xf32, #tpu.memory_space<vmem>> -> memref<16x128xf32, #tpu.memory_space<vmem>>
    %dma_start3A_357 = tpu.memref_slice %arg2[%multiple_of3A_343, %multiple_of3A_346] : memref<416x100000xf32, #tpu.memory_space<hbm>> -> memref<16x128xf32, #tpu.memory_space<hbm>>
    tpu.enqueue_dma source(%dma_start3A_357 : memref<16x128xf32, #tpu.memory_space<hbm>>) target(%dma_start3A_356 : memref<16x128xf32, #tpu.memory_space<vmem>>) target_semaphore(%arg8 : memref<!tpu.dma_semaphore, #tpu.memory_space<semaphore_mem>>)
    %rem3A_358 = arith.constant 15 : i32
    %rem3A_359 = arith.constant 26 : i32
    %rem3A_360 = arith.remsi %rem3A_358, %rem3A_359 : i32
    %slice3A_361 = vector.extract_strided_slice %get3A_3 {offsets = [15], sizes = [1], strides = [1]} : vector<16xi32> to vector<1xi32>
    %squeeze3A_362 = vector.extract %slice3A_361[0] : i32 from vector<1xi32>
    %div3A_363 = arith.constant 128 : i32
    %div3A_364 = arith.divsi %squeeze3A_362, %div3A_363 : i32
    %mul3A_365 = arith.constant 16 : i32
    %mul3A_366 = arith.muli %rem3A_360, %mul3A_365 : i32
    %multiple_of3A_367 = tpu.assume_multiple %mul3A_366, 8 : i32
    %mul3A_368 = arith.constant 128 : i32
    %mul3A_369 = arith.muli %div3A_364, %mul3A_368 : i32
    %multiple_of3A_370 = tpu.assume_multiple %mul3A_369, 128 : i32
    %dma_start3A_371 = arith.constant 0 : i32
    %dma_start3A_372 = arith.constant 240 : i32
    %dma_start3A_373 = arith.constant 0 : i32
    %dma_start3A_374 = tpu.memref_slice %arg6[%dma_start3A_371, %dma_start3A_372, %dma_start3A_373] : memref<2x256x128xf32, #tpu.memory_space<vmem>> -> memref<1x16x128xf32, #tpu.memory_space<vmem>>
    %dma_start3A_375 = tpu.memref_squeeze %dma_start3A_374 : memref<1x16x128xf32, #tpu.memory_space<vmem>> -> memref<16x128xf32, #tpu.memory_space<vmem>>
    %dma_start3A_376 = tpu.memref_slice %arg2[%multiple_of3A_367, %multiple_of3A_370] : memref<416x100000xf32, #tpu.memory_space<hbm>> -> memref<16x128xf32, #tpu.memory_space<hbm>>
    %dma_start3A_377 = arith.constant 240 : i32
    %dma_start3A_378 = arith.constant 0 : i32
    %dma_start3A_379 = tpu.memref_slice %arg6[%dma_start3A_371, %dma_start3A_377, %dma_start3A_378] : memref<2x256x128xf32, #tpu.memory_space<vmem>> -> memref<1x16x128xf32, #tpu.memory_space<vmem>>
    %dma_start3A_380 = tpu.memref_squeeze %dma_start3A_379 : memref<1x16x128xf32, #tpu.memory_space<vmem>> -> memref<16x128xf32, #tpu.memory_space<vmem>>
    %dma_start3A_381 = tpu.memref_slice %arg2[%multiple_of3A_367, %multiple_of3A_370] : memref<416x100000xf32, #tpu.memory_space<hbm>> -> memref<16x128xf32, #tpu.memory_space<hbm>>
    tpu.enqueue_dma source(%dma_start3A_381 : memref<16x128xf32, #tpu.memory_space<hbm>>) target(%dma_start3A_380 : memref<16x128xf32, #tpu.memory_space<vmem>>) target_semaphore(%arg8 : memref<!tpu.dma_semaphore, #tpu.memory_space<semaphore_mem>>)
    %scan3A = arith.constant 0 : i32
    %scan3A_382 = arith.constant 1 : i32
    %scan3A_383 = arith.constant 51 : i32
    %scan3A_384 = arith.addi %scan3A_382, %scan3A_383 : i32
    %scan3A_385 = arith.constant 1 : i32
    scf.for %scan3A_726 = %scan3A_382 to %scan3A_384 step %scan3A_385  : i32 {
      %rem3A_727 = arith.constant 2 : i32
      %rem3A_728 = arith.remsi %scan3A_726, %rem3A_727 : i32
      %mul3A_729 = arith.constant 16 : i32
      %mul3A_730 = arith.muli %scan3A_726, %mul3A_729 : i32
      %get3A_731 = arith.index_cast %mul3A_730 : i32 to index
      %get3A_732 = tpu.vector_load %arg5[%get3A_731] {strides = array<i32>} : memref<832xi32, #tpu.memory_space<vmem>>, vector<16xi32>,
      %mul3A_733 = arith.constant 16 : i32
      %mul3A_734 = arith.muli %scan3A_726, %mul3A_733 : i32
      %add3A_735 = arith.constant 0 : i32
      %add3A_736 = arith.addi %mul3A_734, %add3A_735 : i32
      %rem3A_737 = arith.constant 26 : i32
      %rem3A_738 = arith.remsi %add3A_736, %rem3A_737 : i32
      %slice3A_739 = vector.extract_strided_slice %get3A_732 {offsets = [0], sizes = [1], strides = [1]} : vector<16xi32> to vector<1xi32>
      %squeeze3A_740 = vector.extract %slice3A_739[0] : i32 from vector<1xi32>
      %div3A_741 = arith.constant 128 : i32
      %div3A_742 = arith.divsi %squeeze3A_740, %div3A_741 : i32
      %mul3A_743 = arith.constant 16 : i32
      %mul3A_744 = arith.muli %rem3A_738, %mul3A_743 : i32
      %multiple_of3A_745 = tpu.assume_multiple %mul3A_744, 8 : i32
      %mul3A_746 = arith.constant 128 : i32
      %mul3A_747 = arith.muli %div3A_742, %mul3A_746 : i32
      %multiple_of3A_748 = tpu.assume_multiple %mul3A_747, 128 : i32
      %dma_start3A_749 = arith.constant 0 : i32
      %dma_start3A_750 = arith.constant 0 : i32
      %dma_start3A_751 = tpu.memref_slice %arg6[%rem3A_728, %dma_start3A_749, %dma_start3A_750] : memref<2x256x128xf32, #tpu.memory_space<vmem>> -> memref<1x16x128xf32, #tpu.memory_space<vmem>>
      %dma_start3A_752 = tpu.memref_squeeze %dma_start3A_751 : memref<1x16x128xf32, #tpu.memory_space<vmem>> -> memref<16x128xf32, #tpu.memory_space<vmem>>
      %dma_start3A_753 = tpu.memref_slice %arg2[%multiple_of3A_745, %multiple_of3A_748] : memref<416x100000xf32, #tpu.memory_space<hbm>> -> memref<16x128xf32, #tpu.memory_space<hbm>>
      %dma_start3A_754 = arith.constant 0 : i32
      %dma_start3A_755 = arith.constant 0 : i32
      %dma_start3A_756 = tpu.memref_slice %arg6[%rem3A_728, %dma_start3A_754, %dma_start3A_755] : memref<2x256x128xf32, #tpu.memory_space<vmem>> -> memref<1x16x128xf32, #tpu.memory_space<vmem>>
      %dma_start3A_757 = tpu.memref_squeeze %dma_start3A_756 : memref<1x16x128xf32, #tpu.memory_space<vmem>> -> memref<16x128xf32, #tpu.memory_space<vmem>>
      %dma_start3A_758 = tpu.memref_slice %arg2[%multiple_of3A_745, %multiple_of3A_748] : memref<416x100000xf32, #tpu.memory_space<hbm>> -> memref<16x128xf32, #tpu.memory_space<hbm>>
      tpu.enqueue_dma source(%dma_start3A_758 : memref<16x128xf32, #tpu.memory_space<hbm>>) target(%dma_start3A_757 : memref<16x128xf32, #tpu.memory_space<vmem>>) target_semaphore(%arg8 : memref<!tpu.dma_semaphore, #tpu.memory_space<semaphore_mem>>)
      %mul3A_759 = arith.constant 16 : i32
      %mul3A_760 = arith.muli %scan3A_726, %mul3A_759 : i32
      %add3A_761 = arith.constant 1 : i32
      %add3A_762 = arith.addi %mul3A_760, %add3A_761 : i32
      %rem3A_763 = arith.constant 26 : i32
      %rem3A_764 = arith.remsi %add3A_762, %rem3A_763 : i32
      %slice3A_765 = vector.extract_strided_slice %get3A_732 {offsets = [1], sizes = [1], strides = [1]} : vector<16xi32> to vector<1xi32>
      %squeeze3A_766 = vector.extract %slice3A_765[0] : i32 from vector<1xi32>
      %div3A_767 = arith.constant 128 : i32
      %div3A_768 = arith.divsi %squeeze3A_766, %div3A_767 : i32
      %mul3A_769 = arith.constant 16 : i32
      %mul3A_770 = arith.muli %rem3A_764, %mul3A_769 : i32
      %multiple_of3A_771 = tpu.assume_multiple %mul3A_770, 8 : i32
      %mul3A_772 = arith.constant 128 : i32
      %mul3A_773 = arith.muli %div3A_768, %mul3A_772 : i32
      %multiple_of3A_774 = tpu.assume_multiple %mul3A_773, 128 : i32
      %dma_start3A_775 = arith.constant 16 : i32
      %dma_start3A_776 = arith.constant 0 : i32
      %dma_start3A_777 = tpu.memref_slice %arg6[%rem3A_728, %dma_start3A_775, %dma_start3A_776] : memref<2x256x128xf32, #tpu.memory_space<vmem>> -> memref<1x16x128xf32, #tpu.memory_space<vmem>>
      %dma_start3A_778 = tpu.memref_squeeze %dma_start3A_777 : memref<1x16x128xf32, #tpu.memory_space<vmem>> -> memref<16x128xf32, #tpu.memory_space<vmem>>
      %dma_start3A_779 = tpu.memref_slice %arg2[%multiple_of3A_771, %multiple_of3A_774] : memref<416x100000xf32, #tpu.memory_space<hbm>> -> memref<16x128xf32, #tpu.memory_space<hbm>>
      %dma_start3A_780 = arith.constant 16 : i32
      %dma_start3A_781 = arith.constant 0 : i32
      %dma_start3A_782 = tpu.memref_slice %arg6[%rem3A_728, %dma_start3A_780, %dma_start3A_781] : memref<2x256x128xf32, #tpu.memory_space<vmem>> -> memref<1x16x128xf32, #tpu.memory_space<vmem>>
      %dma_start3A_783 = tpu.memref_squeeze %dma_start3A_782 : memref<1x16x128xf32, #tpu.memory_space<vmem>> -> memref<16x128xf32, #tpu.memory_space<vmem>>
      %dma_start3A_784 = tpu.memref_slice %arg2[%multiple_of3A_771, %multiple_of3A_774] : memref<416x100000xf32, #tpu.memory_space<hbm>> -> memref<16x128xf32, #tpu.memory_space<hbm>>
      tpu.enqueue_dma source(%dma_start3A_784 : memref<16x128xf32, #tpu.memory_space<hbm>>) target(%dma_start3A_783 : memref<16x128xf32, #tpu.memory_space<vmem>>) target_semaphore(%arg8 : memref<!tpu.dma_semaphore, #tpu.memory_space<semaphore_mem>>)
      %mul3A_785 = arith.constant 16 : i32
      %mul3A_786 = arith.muli %scan3A_726, %mul3A_785 : i32
      %add3A_787 = arith.constant 2 : i32
      %add3A_788 = arith.addi %mul3A_786, %add3A_787 : i32
      %rem3A_789 = arith.constant 26 : i32
      %rem3A_790 = arith.remsi %add3A_788, %rem3A_789 : i32
      %slice3A_791 = vector.extract_strided_slice %get3A_732 {offsets = [2], sizes = [1], strides = [1]} : vector<16xi32> to vector<1xi32>
      %squeeze3A_792 = vector.extract %slice3A_791[0] : i32 from vector<1xi32>
      %div3A_793 = arith.constant 128 : i32
      %div3A_794 = arith.divsi %squeeze3A_792, %div3A_793 : i32
      %mul3A_795 = arith.constant 16 : i32
      %mul3A_796 = arith.muli %rem3A_790, %mul3A_795 : i32
      %multiple_of3A_797 = tpu.assume_multiple %mul3A_796, 8 : i32
      %mul3A_798 = arith.constant 128 : i32
      %mul3A_799 = arith.muli %div3A_794, %mul3A_798 : i32
      %multiple_of3A_800 = tpu.assume_multiple %mul3A_799, 128 : i32
      %dma_start3A_801 = arith.constant 32 : i32
      %dma_start3A_802 = arith.constant 0 : i32
      %dma_start3A_803 = tpu.memref_slice %arg6[%rem3A_728, %dma_start3A_801, %dma_start3A_802] : memref<2x256x128xf32, #tpu.memory_space<vmem>> -> memref<1x16x128xf32, #tpu.memory_space<vmem>>
      %dma_start3A_804 = tpu.memref_squeeze %dma_start3A_803 : memref<1x16x128xf32, #tpu.memory_space<vmem>> -> memref<16x128xf32, #tpu.memory_space<vmem>>
      %dma_start3A_805 = tpu.memref_slice %arg2[%multiple_of3A_797, %multiple_of3A_800] : memref<416x100000xf32, #tpu.memory_space<hbm>> -> memref<16x128xf32, #tpu.memory_space<hbm>>
      %dma_start3A_806 = arith.constant 32 : i32
      %dma_start3A_807 = arith.constant 0 : i32
      %dma_start3A_808 = tpu.memref_slice %arg6[%rem3A_728, %dma_start3A_806, %dma_start3A_807] : memref<2x256x128xf32, #tpu.memory_space<vmem>> -> memref<1x16x128xf32, #tpu.memory_space<vmem>>
      %dma_start3A_809 = tpu.memref_squeeze %dma_start3A_808 : memref<1x16x128xf32, #tpu.memory_space<vmem>> -> memref<16x128xf32, #tpu.memory_space<vmem>>
      %dma_start3A_810 = tpu.memref_slice %arg2[%multiple_of3A_797, %multiple_of3A_800] : memref<416x100000xf32, #tpu.memory_space<hbm>> -> memref<16x128xf32, #tpu.memory_space<hbm>>
      tpu.enqueue_dma source(%dma_start3A_810 : memref<16x128xf32, #tpu.memory_space<hbm>>) target(%dma_start3A_809 : memref<16x128xf32, #tpu.memory_space<vmem>>) target_semaphore(%arg8 : memref<!tpu.dma_semaphore, #tpu.memory_space<semaphore_mem>>)
      %mul3A_811 = arith.constant 16 : i32
      %mul3A_812 = arith.muli %scan3A_726, %mul3A_811 : i32
      %add3A_813 = arith.constant 3 : i32
      %add3A_814 = arith.addi %mul3A_812, %add3A_813 : i32
      %rem3A_815 = arith.constant 26 : i32
      %rem3A_816 = arith.remsi %add3A_814, %rem3A_815 : i32
      %slice3A_817 = vector.extract_strided_slice %get3A_732 {offsets = [3], sizes = [1], strides = [1]} : vector<16xi32> to vector<1xi32>
      %squeeze3A_818 = vector.extract %slice3A_817[0] : i32 from vector<1xi32>
      %div3A_819 = arith.constant 128 : i32
      %div3A_820 = arith.divsi %squeeze3A_818, %div3A_819 : i32
      %mul3A_821 = arith.constant 16 : i32
      %mul3A_822 = arith.muli %rem3A_816, %mul3A_821 : i32
      %multiple_of3A_823 = tpu.assume_multiple %mul3A_822, 8 : i32
      %mul3A_824 = arith.constant 128 : i32
      %mul3A_825 = arith.muli %div3A_820, %mul3A_824 : i32
      %multiple_of3A_826 = tpu.assume_multiple %mul3A_825, 128 : i32
      %dma_start3A_827 = arith.constant 48 : i32
      %dma_start3A_828 = arith.constant 0 : i32
      %dma_start3A_829 = tpu.memref_slice %arg6[%rem3A_728, %dma_start3A_827, %dma_start3A_828] : memref<2x256x128xf32, #tpu.memory_space<vmem>> -> memref<1x16x128xf32, #tpu.memory_space<vmem>>
      %dma_start3A_830 = tpu.memref_squeeze %dma_start3A_829 : memref<1x16x128xf32, #tpu.memory_space<vmem>> -> memref<16x128xf32, #tpu.memory_space<vmem>>
      %dma_start3A_831 = tpu.memref_slice %arg2[%multiple_of3A_823, %multiple_of3A_826] : memref<416x100000xf32, #tpu.memory_space<hbm>> -> memref<16x128xf32, #tpu.memory_space<hbm>>
      %dma_start3A_832 = arith.constant 48 : i32
      %dma_start3A_833 = arith.constant 0 : i32
      %dma_start3A_834 = tpu.memref_slice %arg6[%rem3A_728, %dma_start3A_832, %dma_start3A_833] : memref<2x256x128xf32, #tpu.memory_space<vmem>> -> memref<1x16x128xf32, #tpu.memory_space<vmem>>
      %dma_start3A_835 = tpu.memref_squeeze %dma_start3A_834 : memref<1x16x128xf32, #tpu.memory_space<vmem>> -> memref<16x128xf32, #tpu.memory_space<vmem>>
      %dma_start3A_836 = tpu.memref_slice %arg2[%multiple_of3A_823, %multiple_of3A_826] : memref<416x100000xf32, #tpu.memory_space<hbm>> -> memref<16x128xf32, #tpu.memory_space<hbm>>
      tpu.enqueue_dma source(%dma_start3A_836 : memref<16x128xf32, #tpu.memory_space<hbm>>) target(%dma_start3A_835 : memref<16x128xf32, #tpu.memory_space<vmem>>) target_semaphore(%arg8 : memref<!tpu.dma_semaphore, #tpu.memory_space<semaphore_mem>>)
      %mul3A_837 = arith.constant 16 : i32
      %mul3A_838 = arith.muli %scan3A_726, %mul3A_837 : i32
      %add3A_839 = arith.constant 4 : i32
      %add3A_840 = arith.addi %mul3A_838, %add3A_839 : i32
      %rem3A_841 = arith.constant 26 : i32
      %rem3A_842 = arith.remsi %add3A_840, %rem3A_841 : i32
      %slice3A_843 = vector.extract_strided_slice %get3A_732 {offsets = [4], sizes = [1], strides = [1]} : vector<16xi32> to vector<1xi32>
      %squeeze3A_844 = vector.extract %slice3A_843[0] : i32 from vector<1xi32>
      %div3A_845 = arith.constant 128 : i32
      %div3A_846 = arith.divsi %squeeze3A_844, %div3A_845 : i32
      %mul3A_847 = arith.constant 16 : i32
      %mul3A_848 = arith.muli %rem3A_842, %mul3A_847 : i32
      %multiple_of3A_849 = tpu.assume_multiple %mul3A_848, 8 : i32
      %mul3A_850 = arith.constant 128 : i32
      %mul3A_851 = arith.muli %div3A_846, %mul3A_850 : i32
      %multiple_of3A_852 = tpu.assume_multiple %mul3A_851, 128 : i32
      %dma_start3A_853 = arith.constant 64 : i32
      %dma_start3A_854 = arith.constant 0 : i32
      %dma_start3A_855 = tpu.memref_slice %arg6[%rem3A_728, %dma_start3A_853, %dma_start3A_854] : memref<2x256x128xf32, #tpu.memory_space<vmem>> -> memref<1x16x128xf32, #tpu.memory_space<vmem>>
      %dma_start3A_856 = tpu.memref_squeeze %dma_start3A_855 : memref<1x16x128xf32, #tpu.memory_space<vmem>> -> memref<16x128xf32, #tpu.memory_space<vmem>>
      %dma_start3A_857 = tpu.memref_slice %arg2[%multiple_of3A_849, %multiple_of3A_852] : memref<416x100000xf32, #tpu.memory_space<hbm>> -> memref<16x128xf32, #tpu.memory_space<hbm>>
      %dma_start3A_858 = arith.constant 64 : i32
      %dma_start3A_859 = arith.constant 0 : i32
      %dma_start3A_860 = tpu.memref_slice %arg6[%rem3A_728, %dma_start3A_858, %dma_start3A_859] : memref<2x256x128xf32, #tpu.memory_space<vmem>> -> memref<1x16x128xf32, #tpu.memory_space<vmem>>
      %dma_start3A_861 = tpu.memref_squeeze %dma_start3A_860 : memref<1x16x128xf32, #tpu.memory_space<vmem>> -> memref<16x128xf32, #tpu.memory_space<vmem>>
      %dma_start3A_862 = tpu.memref_slice %arg2[%multiple_of3A_849, %multiple_of3A_852] : memref<416x100000xf32, #tpu.memory_space<hbm>> -> memref<16x128xf32, #tpu.memory_space<hbm>>
      tpu.enqueue_dma source(%dma_start3A_862 : memref<16x128xf32, #tpu.memory_space<hbm>>) target(%dma_start3A_861 : memref<16x128xf32, #tpu.memory_space<vmem>>) target_semaphore(%arg8 : memref<!tpu.dma_semaphore, #tpu.memory_space<semaphore_mem>>)
      %mul3A_863 = arith.constant 16 : i32
      %mul3A_864 = arith.muli %scan3A_726, %mul3A_863 : i32
      %add3A_865 = arith.constant 5 : i32
      %add3A_866 = arith.addi %mul3A_864, %add3A_865 : i32
      %rem3A_867 = arith.constant 26 : i32
      %rem3A_868 = arith.remsi %add3A_866, %rem3A_867 : i32
      %slice3A_869 = vector.extract_strided_slice %get3A_732 {offsets = [5], sizes = [1], strides = [1]} : vector<16xi32> to vector<1xi32>
      %squeeze3A_870 = vector.extract %slice3A_869[0] : i32 from vector<1xi32>
      %div3A_871 = arith.constant 128 : i32
      %div3A_872 = arith.divsi %squeeze3A_870, %div3A_871 : i32
      %mul3A_873 = arith.constant 16 : i32
      %mul3A_874 = arith.muli %rem3A_868, %mul3A_873 : i32
      %multiple_of3A_875 = tpu.assume_multiple %mul3A_874, 8 : i32
      %mul3A_876 = arith.constant 128 : i32
      %mul3A_877 = arith.muli %div3A_872, %mul3A_876 : i32
      %multiple_of3A_878 = tpu.assume_multiple %mul3A_877, 128 : i32
      %dma_start3A_879 = arith.constant 80 : i32
      %dma_start3A_880 = arith.constant 0 : i32
      %dma_start3A_881 = tpu.memref_slice %arg6[%rem3A_728, %dma_start3A_879, %dma_start3A_880] : memref<2x256x128xf32, #tpu.memory_space<vmem>> -> memref<1x16x128xf32, #tpu.memory_space<vmem>>
      %dma_start3A_882 = tpu.memref_squeeze %dma_start3A_881 : memref<1x16x128xf32, #tpu.memory_space<vmem>> -> memref<16x128xf32, #tpu.memory_space<vmem>>
      %dma_start3A_883 = tpu.memref_slice %arg2[%multiple_of3A_875, %multiple_of3A_878] : memref<416x100000xf32, #tpu.memory_space<hbm>> -> memref<16x128xf32, #tpu.memory_space<hbm>>
      %dma_start3A_884 = arith.constant 80 : i32
      %dma_start3A_885 = arith.constant 0 : i32
      %dma_start3A_886 = tpu.memref_slice %arg6[%rem3A_728, %dma_start3A_884, %dma_start3A_885] : memref<2x256x128xf32, #tpu.memory_space<vmem>> -> memref<1x16x128xf32, #tpu.memory_space<vmem>>
      %dma_start3A_887 = tpu.memref_squeeze %dma_start3A_886 : memref<1x16x128xf32, #tpu.memory_space<vmem>> -> memref<16x128xf32, #tpu.memory_space<vmem>>
      %dma_start3A_888 = tpu.memref_slice %arg2[%multiple_of3A_875, %multiple_of3A_878] : memref<416x100000xf32, #tpu.memory_space<hbm>> -> memref<16x128xf32, #tpu.memory_space<hbm>>
      tpu.enqueue_dma source(%dma_start3A_888 : memref<16x128xf32, #tpu.memory_space<hbm>>) target(%dma_start3A_887 : memref<16x128xf32, #tpu.memory_space<vmem>>) target_semaphore(%arg8 : memref<!tpu.dma_semaphore, #tpu.memory_space<semaphore_mem>>)
      %mul3A_889 = arith.constant 16 : i32
      %mul3A_890 = arith.muli %scan3A_726, %mul3A_889 : i32
      %add3A_891 = arith.constant 6 : i32
      %add3A_892 = arith.addi %mul3A_890, %add3A_891 : i32
      %rem3A_893 = arith.constant 26 : i32
      %rem3A_894 = arith.remsi %add3A_892, %rem3A_893 : i32
      %slice3A_895 = vector.extract_strided_slice %get3A_732 {offsets = [6], sizes = [1], strides = [1]} : vector<16xi32> to vector<1xi32>
      %squeeze3A_896 = vector.extract %slice3A_895[0] : i32 from vector<1xi32>
      %div3A_897 = arith.constant 128 : i32
      %div3A_898 = arith.divsi %squeeze3A_896, %div3A_897 : i32
      %mul3A_899 = arith.constant 16 : i32
      %mul3A_900 = arith.muli %rem3A_894, %mul3A_899 : i32
      %multiple_of3A_901 = tpu.assume_multiple %mul3A_900, 8 : i32
      %mul3A_902 = arith.constant 128 : i32
      %mul3A_903 = arith.muli %div3A_898, %mul3A_902 : i32
      %multiple_of3A_904 = tpu.assume_multiple %mul3A_903, 128 : i32
      %dma_start3A_905 = arith.constant 96 : i32
      %dma_start3A_906 = arith.constant 0 : i32
      %dma_start3A_907 = tpu.memref_slice %arg6[%rem3A_728, %dma_start3A_905, %dma_start3A_906] : memref<2x256x128xf32, #tpu.memory_space<vmem>> -> memref<1x16x128xf32, #tpu.memory_space<vmem>>
      %dma_start3A_908 = tpu.memref_squeeze %dma_start3A_907 : memref<1x16x128xf32, #tpu.memory_space<vmem>> -> memref<16x128xf32, #tpu.memory_space<vmem>>
      %dma_start3A_909 = tpu.memref_slice %arg2[%multiple_of3A_901, %multiple_of3A_904] : memref<416x100000xf32, #tpu.memory_space<hbm>> -> memref<16x128xf32, #tpu.memory_space<hbm>>
      %dma_start3A_910 = arith.constant 96 : i32
      %dma_start3A_911 = arith.constant 0 : i32
      %dma_start3A_912 = tpu.memref_slice %arg6[%rem3A_728, %dma_start3A_910, %dma_start3A_911] : memref<2x256x128xf32, #tpu.memory_space<vmem>> -> memref<1x16x128xf32, #tpu.memory_space<vmem>>
      %dma_start3A_913 = tpu.memref_squeeze %dma_start3A_912 : memref<1x16x128xf32, #tpu.memory_space<vmem>> -> memref<16x128xf32, #tpu.memory_space<vmem>>
      %dma_start3A_914 = tpu.memref_slice %arg2[%multiple_of3A_901, %multiple_of3A_904] : memref<416x100000xf32, #tpu.memory_space<hbm>> -> memref<16x128xf32, #tpu.memory_space<hbm>>
      tpu.enqueue_dma source(%dma_start3A_914 : memref<16x128xf32, #tpu.memory_space<hbm>>) target(%dma_start3A_913 : memref<16x128xf32, #tpu.memory_space<vmem>>) target_semaphore(%arg8 : memref<!tpu.dma_semaphore, #tpu.memory_space<semaphore_mem>>)
      %mul3A_915 = arith.constant 16 : i32
      %mul3A_916 = arith.muli %scan3A_726, %mul3A_915 : i32
      %add3A_917 = arith.constant 7 : i32
      %add3A_918 = arith.addi %mul3A_916, %add3A_917 : i32
      %rem3A_919 = arith.constant 26 : i32
      %rem3A_920 = arith.remsi %add3A_918, %rem3A_919 : i32
      %slice3A_921 = vector.extract_strided_slice %get3A_732 {offsets = [7], sizes = [1], strides = [1]} : vector<16xi32> to vector<1xi32>
      %squeeze3A_922 = vector.extract %slice3A_921[0] : i32 from vector<1xi32>
      %div3A_923 = arith.constant 128 : i32
      %div3A_924 = arith.divsi %squeeze3A_922, %div3A_923 : i32
      %mul3A_925 = arith.constant 16 : i32
      %mul3A_926 = arith.muli %rem3A_920, %mul3A_925 : i32
      %multiple_of3A_927 = tpu.assume_multiple %mul3A_926, 8 : i32
      %mul3A_928 = arith.constant 128 : i32
      %mul3A_929 = arith.muli %div3A_924, %mul3A_928 : i32
      %multiple_of3A_930 = tpu.assume_multiple %mul3A_929, 128 : i32
      %dma_start3A_931 = arith.constant 112 : i32
      %dma_start3A_932 = arith.constant 0 : i32
      %dma_start3A_933 = tpu.memref_slice %arg6[%rem3A_728, %dma_start3A_931, %dma_start3A_932] : memref<2x256x128xf32, #tpu.memory_space<vmem>> -> memref<1x16x128xf32, #tpu.memory_space<vmem>>
      %dma_start3A_934 = tpu.memref_squeeze %dma_start3A_933 : memref<1x16x128xf32, #tpu.memory_space<vmem>> -> memref<16x128xf32, #tpu.memory_space<vmem>>
      %dma_start3A_935 = tpu.memref_slice %arg2[%multiple_of3A_927, %multiple_of3A_930] : memref<416x100000xf32, #tpu.memory_space<hbm>> -> memref<16x128xf32, #tpu.memory_space<hbm>>
      %dma_start3A_936 = arith.constant 112 : i32
      %dma_start3A_937 = arith.constant 0 : i32
      %dma_start3A_938 = tpu.memref_slice %arg6[%rem3A_728, %dma_start3A_936, %dma_start3A_937] : memref<2x256x128xf32, #tpu.memory_space<vmem>> -> memref<1x16x128xf32, #tpu.memory_space<vmem>>
      %dma_start3A_939 = tpu.memref_squeeze %dma_start3A_938 : memref<1x16x128xf32, #tpu.memory_space<vmem>> -> memref<16x128xf32, #tpu.memory_space<vmem>>
      %dma_start3A_940 = tpu.memref_slice %arg2[%multiple_of3A_927, %multiple_of3A_930] : memref<416x100000xf32, #tpu.memory_space<hbm>> -> memref<16x128xf32, #tpu.memory_space<hbm>>
      tpu.enqueue_dma source(%dma_start3A_940 : memref<16x128xf32, #tpu.memory_space<hbm>>) target(%dma_start3A_939 : memref<16x128xf32, #tpu.memory_space<vmem>>) target_semaphore(%arg8 : memref<!tpu.dma_semaphore, #tpu.memory_space<semaphore_mem>>)
      %mul3A_941 = arith.constant 16 : i32
      %mul3A_942 = arith.muli %scan3A_726, %mul3A_941 : i32
      %add3A_943 = arith.constant 8 : i32
      %add3A_944 = arith.addi %mul3A_942, %add3A_943 : i32
      %rem3A_945 = arith.constant 26 : i32
      %rem3A_946 = arith.remsi %add3A_944, %rem3A_945 : i32
      %slice3A_947 = vector.extract_strided_slice %get3A_732 {offsets = [8], sizes = [1], strides = [1]} : vector<16xi32> to vector<1xi32>
      %squeeze3A_948 = vector.extract %slice3A_947[0] : i32 from vector<1xi32>
      %div3A_949 = arith.constant 128 : i32
      %div3A_950 = arith.divsi %squeeze3A_948, %div3A_949 : i32
      %mul3A_951 = arith.constant 16 : i32
      %mul3A_952 = arith.muli %rem3A_946, %mul3A_951 : i32
      %multiple_of3A_953 = tpu.assume_multiple %mul3A_952, 8 : i32
      %mul3A_954 = arith.constant 128 : i32
      %mul3A_955 = arith.muli %div3A_950, %mul3A_954 : i32
      %multiple_of3A_956 = tpu.assume_multiple %mul3A_955, 128 : i32
      %dma_start3A_957 = arith.constant 128 : i32
      %dma_start3A_958 = arith.constant 0 : i32
      %dma_start3A_959 = tpu.memref_slice %arg6[%rem3A_728, %dma_start3A_957, %dma_start3A_958] : memref<2x256x128xf32, #tpu.memory_space<vmem>> -> memref<1x16x128xf32, #tpu.memory_space<vmem>>
      %dma_start3A_960 = tpu.memref_squeeze %dma_start3A_959 : memref<1x16x128xf32, #tpu.memory_space<vmem>> -> memref<16x128xf32, #tpu.memory_space<vmem>>
      %dma_start3A_961 = tpu.memref_slice %arg2[%multiple_of3A_953, %multiple_of3A_956] : memref<416x100000xf32, #tpu.memory_space<hbm>> -> memref<16x128xf32, #tpu.memory_space<hbm>>
      %dma_start3A_962 = arith.constant 128 : i32
      %dma_start3A_963 = arith.constant 0 : i32
      %dma_start3A_964 = tpu.memref_slice %arg6[%rem3A_728, %dma_start3A_962, %dma_start3A_963] : memref<2x256x128xf32, #tpu.memory_space<vmem>> -> memref<1x16x128xf32, #tpu.memory_space<vmem>>
      %dma_start3A_965 = tpu.memref_squeeze %dma_start3A_964 : memref<1x16x128xf32, #tpu.memory_space<vmem>> -> memref<16x128xf32, #tpu.memory_space<vmem>>
      %dma_start3A_966 = tpu.memref_slice %arg2[%multiple_of3A_953, %multiple_of3A_956] : memref<416x100000xf32, #tpu.memory_space<hbm>> -> memref<16x128xf32, #tpu.memory_space<hbm>>
      tpu.enqueue_dma source(%dma_start3A_966 : memref<16x128xf32, #tpu.memory_space<hbm>>) target(%dma_start3A_965 : memref<16x128xf32, #tpu.memory_space<vmem>>) target_semaphore(%arg8 : memref<!tpu.dma_semaphore, #tpu.memory_space<semaphore_mem>>)
      %mul3A_967 = arith.constant 16 : i32
      %mul3A_968 = arith.muli %scan3A_726, %mul3A_967 : i32
      %add3A_969 = arith.constant 9 : i32
      %add3A_970 = arith.addi %mul3A_968, %add3A_969 : i32
      %rem3A_971 = arith.constant 26 : i32
      %rem3A_972 = arith.remsi %add3A_970, %rem3A_971 : i32
      %slice3A_973 = vector.extract_strided_slice %get3A_732 {offsets = [9], sizes = [1], strides = [1]} : vector<16xi32> to vector<1xi32>
      %squeeze3A_974 = vector.extract %slice3A_973[0] : i32 from vector<1xi32>
      %div3A_975 = arith.constant 128 : i32
      %div3A_976 = arith.divsi %squeeze3A_974, %div3A_975 : i32
      %mul3A_977 = arith.constant 16 : i32
      %mul3A_978 = arith.muli %rem3A_972, %mul3A_977 : i32
      %multiple_of3A_979 = tpu.assume_multiple %mul3A_978, 8 : i32
      %mul3A_980 = arith.constant 128 : i32
      %mul3A_981 = arith.muli %div3A_976, %mul3A_980 : i32
      %multiple_of3A_982 = tpu.assume_multiple %mul3A_981, 128 : i32
      %dma_start3A_983 = arith.constant 144 : i32
      %dma_start3A_984 = arith.constant 0 : i32
      %dma_start3A_985 = tpu.memref_slice %arg6[%rem3A_728, %dma_start3A_983, %dma_start3A_984] : memref<2x256x128xf32, #tpu.memory_space<vmem>> -> memref<1x16x128xf32, #tpu.memory_space<vmem>>
      %dma_start3A_986 = tpu.memref_squeeze %dma_start3A_985 : memref<1x16x128xf32, #tpu.memory_space<vmem>> -> memref<16x128xf32, #tpu.memory_space<vmem>>
      %dma_start3A_987 = tpu.memref_slice %arg2[%multiple_of3A_979, %multiple_of3A_982] : memref<416x100000xf32, #tpu.memory_space<hbm>> -> memref<16x128xf32, #tpu.memory_space<hbm>>
      %dma_start3A_988 = arith.constant 144 : i32
      %dma_start3A_989 = arith.constant 0 : i32
      %dma_start3A_990 = tpu.memref_slice %arg6[%rem3A_728, %dma_start3A_988, %dma_start3A_989] : memref<2x256x128xf32, #tpu.memory_space<vmem>> -> memref<1x16x128xf32, #tpu.memory_space<vmem>>
      %dma_start3A_991 = tpu.memref_squeeze %dma_start3A_990 : memref<1x16x128xf32, #tpu.memory_space<vmem>> -> memref<16x128xf32, #tpu.memory_space<vmem>>
      %dma_start3A_992 = tpu.memref_slice %arg2[%multiple_of3A_979, %multiple_of3A_982] : memref<416x100000xf32, #tpu.memory_space<hbm>> -> memref<16x128xf32, #tpu.memory_space<hbm>>
      tpu.enqueue_dma source(%dma_start3A_992 : memref<16x128xf32, #tpu.memory_space<hbm>>) target(%dma_start3A_991 : memref<16x128xf32, #tpu.memory_space<vmem>>) target_semaphore(%arg8 : memref<!tpu.dma_semaphore, #tpu.memory_space<semaphore_mem>>)
      %mul3A_993 = arith.constant 16 : i32
      %mul3A_994 = arith.muli %scan3A_726, %mul3A_993 : i32
      %add3A_995 = arith.constant 10 : i32
      %add3A_996 = arith.addi %mul3A_994, %add3A_995 : i32
      %rem3A_997 = arith.constant 26 : i32
      %rem3A_998 = arith.remsi %add3A_996, %rem3A_997 : i32
      %slice3A_999 = vector.extract_strided_slice %get3A_732 {offsets = [10], sizes = [1], strides = [1]} : vector<16xi32> to vector<1xi32>
      %squeeze3A_1000 = vector.extract %slice3A_999[0] : i32 from vector<1xi32>
      %div3A_1001 = arith.constant 128 : i32
      %div3A_1002 = arith.divsi %squeeze3A_1000, %div3A_1001 : i32
      %mul3A_1003 = arith.constant 16 : i32
      %mul3A_1004 = arith.muli %rem3A_998, %mul3A_1003 : i32
      %multiple_of3A_1005 = tpu.assume_multiple %mul3A_1004, 8 : i32
      %mul3A_1006 = arith.constant 128 : i32
      %mul3A_1007 = arith.muli %div3A_1002, %mul3A_1006 : i32
      %multiple_of3A_1008 = tpu.assume_multiple %mul3A_1007, 128 : i32
      %dma_start3A_1009 = arith.constant 160 : i32
      %dma_start3A_1010 = arith.constant 0 : i32
      %dma_start3A_1011 = tpu.memref_slice %arg6[%rem3A_728, %dma_start3A_1009, %dma_start3A_1010] : memref<2x256x128xf32, #tpu.memory_space<vmem>> -> memref<1x16x128xf32, #tpu.memory_space<vmem>>
      %dma_start3A_1012 = tpu.memref_squeeze %dma_start3A_1011 : memref<1x16x128xf32, #tpu.memory_space<vmem>> -> memref<16x128xf32, #tpu.memory_space<vmem>>
      %dma_start3A_1013 = tpu.memref_slice %arg2[%multiple_of3A_1005, %multiple_of3A_1008] : memref<416x100000xf32, #tpu.memory_space<hbm>> -> memref<16x128xf32, #tpu.memory_space<hbm>>
      %dma_start3A_1014 = arith.constant 160 : i32
      %dma_start3A_1015 = arith.constant 0 : i32
      %dma_start3A_1016 = tpu.memref_slice %arg6[%rem3A_728, %dma_start3A_1014, %dma_start3A_1015] : memref<2x256x128xf32, #tpu.memory_space<vmem>> -> memref<1x16x128xf32, #tpu.memory_space<vmem>>
      %dma_start3A_1017 = tpu.memref_squeeze %dma_start3A_1016 : memref<1x16x128xf32, #tpu.memory_space<vmem>> -> memref<16x128xf32, #tpu.memory_space<vmem>>
      %dma_start3A_1018 = tpu.memref_slice %arg2[%multiple_of3A_1005, %multiple_of3A_1008] : memref<416x100000xf32, #tpu.memory_space<hbm>> -> memref<16x128xf32, #tpu.memory_space<hbm>>
      tpu.enqueue_dma source(%dma_start3A_1018 : memref<16x128xf32, #tpu.memory_space<hbm>>) target(%dma_start3A_1017 : memref<16x128xf32, #tpu.memory_space<vmem>>) target_semaphore(%arg8 : memref<!tpu.dma_semaphore, #tpu.memory_space<semaphore_mem>>)
      %mul3A_1019 = arith.constant 16 : i32
      %mul3A_1020 = arith.muli %scan3A_726, %mul3A_1019 : i32
      %add3A_1021 = arith.constant 11 : i32
      %add3A_1022 = arith.addi %mul3A_1020, %add3A_1021 : i32
      %rem3A_1023 = arith.constant 26 : i32
      %rem3A_1024 = arith.remsi %add3A_1022, %rem3A_1023 : i32
      %slice3A_1025 = vector.extract_strided_slice %get3A_732 {offsets = [11], sizes = [1], strides = [1]} : vector<16xi32> to vector<1xi32>
      %squeeze3A_1026 = vector.extract %slice3A_1025[0] : i32 from vector<1xi32>
      %div3A_1027 = arith.constant 128 : i32
      %div3A_1028 = arith.divsi %squeeze3A_1026, %div3A_1027 : i32
      %mul3A_1029 = arith.constant 16 : i32
      %mul3A_1030 = arith.muli %rem3A_1024, %mul3A_1029 : i32
      %multiple_of3A_1031 = tpu.assume_multiple %mul3A_1030, 8 : i32
      %mul3A_1032 = arith.constant 128 : i32
      %mul3A_1033 = arith.muli %div3A_1028, %mul3A_1032 : i32
      %multiple_of3A_1034 = tpu.assume_multiple %mul3A_1033, 128 : i32
      %dma_start3A_1035 = arith.constant 176 : i32
      %dma_start3A_1036 = arith.constant 0 : i32
      %dma_start3A_1037 = tpu.memref_slice %arg6[%rem3A_728, %dma_start3A_1035, %dma_start3A_1036] : memref<2x256x128xf32, #tpu.memory_space<vmem>> -> memref<1x16x128xf32, #tpu.memory_space<vmem>>
      %dma_start3A_1038 = tpu.memref_squeeze %dma_start3A_1037 : memref<1x16x128xf32, #tpu.memory_space<vmem>> -> memref<16x128xf32, #tpu.memory_space<vmem>>
      %dma_start3A_1039 = tpu.memref_slice %arg2[%multiple_of3A_1031, %multiple_of3A_1034] : memref<416x100000xf32, #tpu.memory_space<hbm>> -> memref<16x128xf32, #tpu.memory_space<hbm>>
      %dma_start3A_1040 = arith.constant 176 : i32
      %dma_start3A_1041 = arith.constant 0 : i32
      %dma_start3A_1042 = tpu.memref_slice %arg6[%rem3A_728, %dma_start3A_1040, %dma_start3A_1041] : memref<2x256x128xf32, #tpu.memory_space<vmem>> -> memref<1x16x128xf32, #tpu.memory_space<vmem>>
      %dma_start3A_1043 = tpu.memref_squeeze %dma_start3A_1042 : memref<1x16x128xf32, #tpu.memory_space<vmem>> -> memref<16x128xf32, #tpu.memory_space<vmem>>
      %dma_start3A_1044 = tpu.memref_slice %arg2[%multiple_of3A_1031, %multiple_of3A_1034] : memref<416x100000xf32, #tpu.memory_space<hbm>> -> memref<16x128xf32, #tpu.memory_space<hbm>>
      tpu.enqueue_dma source(%dma_start3A_1044 : memref<16x128xf32, #tpu.memory_space<hbm>>) target(%dma_start3A_1043 : memref<16x128xf32, #tpu.memory_space<vmem>>) target_semaphore(%arg8 : memref<!tpu.dma_semaphore, #tpu.memory_space<semaphore_mem>>)
      %mul3A_1045 = arith.constant 16 : i32
      %mul3A_1046 = arith.muli %scan3A_726, %mul3A_1045 : i32
      %add3A_1047 = arith.constant 12 : i32
      %add3A_1048 = arith.addi %mul3A_1046, %add3A_1047 : i32
      %rem3A_1049 = arith.constant 26 : i32
      %rem3A_1050 = arith.remsi %add3A_1048, %rem3A_1049 : i32
      %slice3A_1051 = vector.extract_strided_slice %get3A_732 {offsets = [12], sizes = [1], strides = [1]} : vector<16xi32> to vector<1xi32>
      %squeeze3A_1052 = vector.extract %slice3A_1051[0] : i32 from vector<1xi32>
      %div3A_1053 = arith.constant 128 : i32
      %div3A_1054 = arith.divsi %squeeze3A_1052, %div3A_1053 : i32
      %mul3A_1055 = arith.constant 16 : i32
      %mul3A_1056 = arith.muli %rem3A_1050, %mul3A_1055 : i32
      %multiple_of3A_1057 = tpu.assume_multiple %mul3A_1056, 8 : i32
      %mul3A_1058 = arith.constant 128 : i32
      %mul3A_1059 = arith.muli %div3A_1054, %mul3A_1058 : i32
      %multiple_of3A_1060 = tpu.assume_multiple %mul3A_1059, 128 : i32
      %dma_start3A_1061 = arith.constant 192 : i32
      %dma_start3A_1062 = arith.constant 0 : i32
      %dma_start3A_1063 = tpu.memref_slice %arg6[%rem3A_728, %dma_start3A_1061, %dma_start3A_1062] : memref<2x256x128xf32, #tpu.memory_space<vmem>> -> memref<1x16x128xf32, #tpu.memory_space<vmem>>
      %dma_start3A_1064 = tpu.memref_squeeze %dma_start3A_1063 : memref<1x16x128xf32, #tpu.memory_space<vmem>> -> memref<16x128xf32, #tpu.memory_space<vmem>>
      %dma_start3A_1065 = tpu.memref_slice %arg2[%multiple_of3A_1057, %multiple_of3A_1060] : memref<416x100000xf32, #tpu.memory_space<hbm>> -> memref<16x128xf32, #tpu.memory_space<hbm>>
      %dma_start3A_1066 = arith.constant 192 : i32
      %dma_start3A_1067 = arith.constant 0 : i32
      %dma_start3A_1068 = tpu.memref_slice %arg6[%rem3A_728, %dma_start3A_1066, %dma_start3A_1067] : memref<2x256x128xf32, #tpu.memory_space<vmem>> -> memref<1x16x128xf32, #tpu.memory_space<vmem>>
      %dma_start3A_1069 = tpu.memref_squeeze %dma_start3A_1068 : memref<1x16x128xf32, #tpu.memory_space<vmem>> -> memref<16x128xf32, #tpu.memory_space<vmem>>
      %dma_start3A_1070 = tpu.memref_slice %arg2[%multiple_of3A_1057, %multiple_of3A_1060] : memref<416x100000xf32, #tpu.memory_space<hbm>> -> memref<16x128xf32, #tpu.memory_space<hbm>>
      tpu.enqueue_dma source(%dma_start3A_1070 : memref<16x128xf32, #tpu.memory_space<hbm>>) target(%dma_start3A_1069 : memref<16x128xf32, #tpu.memory_space<vmem>>) target_semaphore(%arg8 : memref<!tpu.dma_semaphore, #tpu.memory_space<semaphore_mem>>)
      %mul3A_1071 = arith.constant 16 : i32
      %mul3A_1072 = arith.muli %scan3A_726, %mul3A_1071 : i32
      %add3A_1073 = arith.constant 13 : i32
      %add3A_1074 = arith.addi %mul3A_1072, %add3A_1073 : i32
      %rem3A_1075 = arith.constant 26 : i32
      %rem3A_1076 = arith.remsi %add3A_1074, %rem3A_1075 : i32
      %slice3A_1077 = vector.extract_strided_slice %get3A_732 {offsets = [13], sizes = [1], strides = [1]} : vector<16xi32> to vector<1xi32>
      %squeeze3A_1078 = vector.extract %slice3A_1077[0] : i32 from vector<1xi32>
      %div3A_1079 = arith.constant 128 : i32
      %div3A_1080 = arith.divsi %squeeze3A_1078, %div3A_1079 : i32
      %mul3A_1081 = arith.constant 16 : i32
      %mul3A_1082 = arith.muli %rem3A_1076, %mul3A_1081 : i32
      %multiple_of3A_1083 = tpu.assume_multiple %mul3A_1082, 8 : i32
      %mul3A_1084 = arith.constant 128 : i32
      %mul3A_1085 = arith.muli %div3A_1080, %mul3A_1084 : i32
      %multiple_of3A_1086 = tpu.assume_multiple %mul3A_1085, 128 : i32
      %dma_start3A_1087 = arith.constant 208 : i32
      %dma_start3A_1088 = arith.constant 0 : i32
      %dma_start3A_1089 = tpu.memref_slice %arg6[%rem3A_728, %dma_start3A_1087, %dma_start3A_1088] : memref<2x256x128xf32, #tpu.memory_space<vmem>> -> memref<1x16x128xf32, #tpu.memory_space<vmem>>
      %dma_start3A_1090 = tpu.memref_squeeze %dma_start3A_1089 : memref<1x16x128xf32, #tpu.memory_space<vmem>> -> memref<16x128xf32, #tpu.memory_space<vmem>>
      %dma_start3A_1091 = tpu.memref_slice %arg2[%multiple_of3A_1083, %multiple_of3A_1086] : memref<416x100000xf32, #tpu.memory_space<hbm>> -> memref<16x128xf32, #tpu.memory_space<hbm>>
      %dma_start3A_1092 = arith.constant 208 : i32
      %dma_start3A_1093 = arith.constant 0 : i32
      %dma_start3A_1094 = tpu.memref_slice %arg6[%rem3A_728, %dma_start3A_1092, %dma_start3A_1093] : memref<2x256x128xf32, #tpu.memory_space<vmem>> -> memref<1x16x128xf32, #tpu.memory_space<vmem>>
      %dma_start3A_1095 = tpu.memref_squeeze %dma_start3A_1094 : memref<1x16x128xf32, #tpu.memory_space<vmem>> -> memref<16x128xf32, #tpu.memory_space<vmem>>
      %dma_start3A_1096 = tpu.memref_slice %arg2[%multiple_of3A_1083, %multiple_of3A_1086] : memref<416x100000xf32, #tpu.memory_space<hbm>> -> memref<16x128xf32, #tpu.memory_space<hbm>>
      tpu.enqueue_dma source(%dma_start3A_1096 : memref<16x128xf32, #tpu.memory_space<hbm>>) target(%dma_start3A_1095 : memref<16x128xf32, #tpu.memory_space<vmem>>) target_semaphore(%arg8 : memref<!tpu.dma_semaphore, #tpu.memory_space<semaphore_mem>>)
      %mul3A_1097 = arith.constant 16 : i32
      %mul3A_1098 = arith.muli %scan3A_726, %mul3A_1097 : i32
      %add3A_1099 = arith.constant 14 : i32
      %add3A_1100 = arith.addi %mul3A_1098, %add3A_1099 : i32
      %rem3A_1101 = arith.constant 26 : i32
      %rem3A_1102 = arith.remsi %add3A_1100, %rem3A_1101 : i32
      %slice3A_1103 = vector.extract_strided_slice %get3A_732 {offsets = [14], sizes = [1], strides = [1]} : vector<16xi32> to vector<1xi32>
      %squeeze3A_1104 = vector.extract %slice3A_1103[0] : i32 from vector<1xi32>
      %div3A_1105 = arith.constant 128 : i32
      %div3A_1106 = arith.divsi %squeeze3A_1104, %div3A_1105 : i32
      %mul3A_1107 = arith.constant 16 : i32
      %mul3A_1108 = arith.muli %rem3A_1102, %mul3A_1107 : i32
      %multiple_of3A_1109 = tpu.assume_multiple %mul3A_1108, 8 : i32
      %mul3A_1110 = arith.constant 128 : i32
      %mul3A_1111 = arith.muli %div3A_1106, %mul3A_1110 : i32
      %multiple_of3A_1112 = tpu.assume_multiple %mul3A_1111, 128 : i32
      %dma_start3A_1113 = arith.constant 224 : i32
      %dma_start3A_1114 = arith.constant 0 : i32
      %dma_start3A_1115 = tpu.memref_slice %arg6[%rem3A_728, %dma_start3A_1113, %dma_start3A_1114] : memref<2x256x128xf32, #tpu.memory_space<vmem>> -> memref<1x16x128xf32, #tpu.memory_space<vmem>>
      %dma_start3A_1116 = tpu.memref_squeeze %dma_start3A_1115 : memref<1x16x128xf32, #tpu.memory_space<vmem>> -> memref<16x128xf32, #tpu.memory_space<vmem>>
      %dma_start3A_1117 = tpu.memref_slice %arg2[%multiple_of3A_1109, %multiple_of3A_1112] : memref<416x100000xf32, #tpu.memory_space<hbm>> -> memref<16x128xf32, #tpu.memory_space<hbm>>
      %dma_start3A_1118 = arith.constant 224 : i32
      %dma_start3A_1119 = arith.constant 0 : i32
      %dma_start3A_1120 = tpu.memref_slice %arg6[%rem3A_728, %dma_start3A_1118, %dma_start3A_1119] : memref<2x256x128xf32, #tpu.memory_space<vmem>> -> memref<1x16x128xf32, #tpu.memory_space<vmem>>
      %dma_start3A_1121 = tpu.memref_squeeze %dma_start3A_1120 : memref<1x16x128xf32, #tpu.memory_space<vmem>> -> memref<16x128xf32, #tpu.memory_space<vmem>>
      %dma_start3A_1122 = tpu.memref_slice %arg2[%multiple_of3A_1109, %multiple_of3A_1112] : memref<416x100000xf32, #tpu.memory_space<hbm>> -> memref<16x128xf32, #tpu.memory_space<hbm>>
      tpu.enqueue_dma source(%dma_start3A_1122 : memref<16x128xf32, #tpu.memory_space<hbm>>) target(%dma_start3A_1121 : memref<16x128xf32, #tpu.memory_space<vmem>>) target_semaphore(%arg8 : memref<!tpu.dma_semaphore, #tpu.memory_space<semaphore_mem>>)
      %mul3A_1123 = arith.constant 16 : i32
      %mul3A_1124 = arith.muli %scan3A_726, %mul3A_1123 : i32
      %add3A_1125 = arith.constant 15 : i32
      %add3A_1126 = arith.addi %mul3A_1124, %add3A_1125 : i32
      %rem3A_1127 = arith.constant 26 : i32
      %rem3A_1128 = arith.remsi %add3A_1126, %rem3A_1127 : i32
      %slice3A_1129 = vector.extract_strided_slice %get3A_732 {offsets = [15], sizes = [1], strides = [1]} : vector<16xi32> to vector<1xi32>
      %squeeze3A_1130 = vector.extract %slice3A_1129[0] : i32 from vector<1xi32>
      %div3A_1131 = arith.constant 128 : i32
      %div3A_1132 = arith.divsi %squeeze3A_1130, %div3A_1131 : i32
      %mul3A_1133 = arith.constant 16 : i32
      %mul3A_1134 = arith.muli %rem3A_1128, %mul3A_1133 : i32
      %multiple_of3A_1135 = tpu.assume_multiple %mul3A_1134, 8 : i32
      %mul3A_1136 = arith.constant 128 : i32
      %mul3A_1137 = arith.muli %div3A_1132, %mul3A_1136 : i32
      %multiple_of3A_1138 = tpu.assume_multiple %mul3A_1137, 128 : i32
      %dma_start3A_1139 = arith.constant 240 : i32
      %dma_start3A_1140 = arith.constant 0 : i32
      %dma_start3A_1141 = tpu.memref_slice %arg6[%rem3A_728, %dma_start3A_1139, %dma_start3A_1140] : memref<2x256x128xf32, #tpu.memory_space<vmem>> -> memref<1x16x128xf32, #tpu.memory_space<vmem>>
      %dma_start3A_1142 = tpu.memref_squeeze %dma_start3A_1141 : memref<1x16x128xf32, #tpu.memory_space<vmem>> -> memref<16x128xf32, #tpu.memory_space<vmem>>
      %dma_start3A_1143 = tpu.memref_slice %arg2[%multiple_of3A_1135, %multiple_of3A_1138] : memref<416x100000xf32, #tpu.memory_space<hbm>> -> memref<16x128xf32, #tpu.memory_space<hbm>>
      %dma_start3A_1144 = arith.constant 240 : i32
      %dma_start3A_1145 = arith.constant 0 : i32
      %dma_start3A_1146 = tpu.memref_slice %arg6[%rem3A_728, %dma_start3A_1144, %dma_start3A_1145] : memref<2x256x128xf32, #tpu.memory_space<vmem>> -> memref<1x16x128xf32, #tpu.memory_space<vmem>>
      %dma_start3A_1147 = tpu.memref_squeeze %dma_start3A_1146 : memref<1x16x128xf32, #tpu.memory_space<vmem>> -> memref<16x128xf32, #tpu.memory_space<vmem>>
      %dma_start3A_1148 = tpu.memref_slice %arg2[%multiple_of3A_1135, %multiple_of3A_1138] : memref<416x100000xf32, #tpu.memory_space<hbm>> -> memref<16x128xf32, #tpu.memory_space<hbm>>
      tpu.enqueue_dma source(%dma_start3A_1148 : memref<16x128xf32, #tpu.memory_space<hbm>>) target(%dma_start3A_1147 : memref<16x128xf32, #tpu.memory_space<vmem>>) target_semaphore(%arg8 : memref<!tpu.dma_semaphore, #tpu.memory_space<semaphore_mem>>)
      %sub3A = arith.constant 1 : i32
      %sub3A_1149 = arith.subi %sub3A, %rem3A_728 : i32
      %dma_wait3A_1150 = arith.constant 0 : i32
      %dma_wait3A_1151 = arith.constant 0 : i32
      %dma_wait3A_1152 = tpu.memref_slice %arg6[%sub3A_1149, %dma_wait3A_1150, %dma_wait3A_1151] : memref<2x256x128xf32, #tpu.memory_space<vmem>> -> memref<1x256x128xf32, #tpu.memory_space<vmem>>
      %dma_wait3A_1153 = tpu.memref_squeeze %dma_wait3A_1152 : memref<1x256x128xf32, #tpu.memory_space<vmem>> -> memref<256x128xf32, #tpu.memory_space<vmem>>
      %dma_wait3A_1154 = arith.constant 0 : i32
      %dma_wait3A_1155 = arith.constant 0 : i32
      %dma_wait3A_1156 = tpu.memref_slice %arg2[%dma_wait3A_1154, %dma_wait3A_1155] : memref<416x100000xf32, #tpu.memory_space<hbm>> -> memref<256x128xf32, #tpu.memory_space<hbm>>
      %dma_wait3A_1157 = arith.constant 0 : i32
      %dma_wait3A_1158 = arith.constant 0 : i32
      %dma_wait3A_1159 = tpu.memref_slice %arg6[%sub3A_1149, %dma_wait3A_1157, %dma_wait3A_1158] : memref<2x256x128xf32, #tpu.memory_space<vmem>> -> memref<1x256x128xf32, #tpu.memory_space<vmem>>
      %dma_wait3A_1160 = tpu.memref_squeeze %dma_wait3A_1159 : memref<1x256x128xf32, #tpu.memory_space<vmem>> -> memref<256x128xf32, #tpu.memory_space<vmem>>
      %dma_wait3A_1161 = arith.constant 0 : i32
      %dma_wait3A_1162 = arith.constant 0 : i32
      %dma_wait3A_1163 = tpu.memref_slice %arg2[%dma_wait3A_1161, %dma_wait3A_1162] : memref<416x100000xf32, #tpu.memory_space<hbm>> -> memref<256x128xf32, #tpu.memory_space<hbm>>
      tpu.wait_dma2 semaphore(%arg8 : memref<!tpu.dma_semaphore, #tpu.memory_space<semaphore_mem>>) src(%dma_wait3A_1163 : memref<256x128xf32, #tpu.memory_space<hbm>>) dst(%dma_wait3A_1160 : memref<256x128xf32, #tpu.memory_space<vmem>>)
      %sub3A_1164 = arith.constant 1 : i32
      %sub3A_1165 = arith.subi %scan3A_726, %sub3A_1164 : i32
      %sub3A_1166 = arith.constant 1 : i32
      %sub3A_1167 = arith.subi %sub3A_1166, %rem3A_728 : i32
      %mul3A_1168 = arith.constant 16 : i32
      %mul3A_1169 = arith.muli %sub3A_1165, %mul3A_1168 : i32
      %get3A_1170 = arith.index_cast %mul3A_1169 : i32 to index
      %get3A_1171 = tpu.vector_load %arg5[%get3A_1170] {strides = array<i32>} : memref<832xi32, #tpu.memory_space<vmem>>, vector<16xi32>,
      %broadcast_in_dim3A_1172 = vector.broadcast %sub3A_1167 : i32 to vector<16xi32>
      %mul3A_1173 = arith.constant 16 : i32
      %mul3A_1174 = arith.muli %sub3A_1165, %mul3A_1173 : i32
      %add3A_1175 = arith.constant 0 : i32
      %add3A_1176 = arith.addi %mul3A_1174, %add3A_1175 : i32
      %rem3A_1177 = arith.constant 26 : i32
      %rem3A_1178 = arith.remsi %add3A_1176, %rem3A_1177 : i32
      %div3A_1179 = arith.constant 26 : i32
      %div3A_1180 = arith.divsi %add3A_1176, %div3A_1179 : i32
      %slice3A_1181 = vector.extract_strided_slice %get3A_1171 {offsets = [0], sizes = [1], strides = [1]} : vector<16xi32> to vector<1xi32>
      %squeeze3A_1182 = vector.extract %slice3A_1181[0] : i32 from vector<1xi32>
      %rem3A_1183 = arith.constant 128 : i32
      %rem3A_1184 = arith.remsi %squeeze3A_1182, %rem3A_1183 : i32
      %add3A_1185 = arith.constant 0 : i32
      %add3A_1186 = vector.broadcast %add3A_1185 : i32 to vector<16xi32>
      %add3A_1187 = arith.addi %add3A_1186, %iota3A : vector<16xi32>
      %broadcast_in_dim3A_1188 = vector.broadcast %rem3A_1184 : i32 to vector<16xi32>
      %gather3A_1189 = tpu.vector_load_idx %arg6[%broadcast_in_dim3A_1172, %add3A_1187, %broadcast_in_dim3A_1188] : memref<2x256x128xf32, #tpu.memory_space<vmem>>[vector<16xi32>, vector<16xi32>, vector<16xi32>], vector<16xf32>,
      %broadcast_in_dim3A_1190 = vector.broadcast %div3A_1180 : i32 to vector<16xi32>
      %mul3A_1191 = arith.constant 16 : i32
      %mul3A_1192 = arith.muli %rem3A_1178, %mul3A_1191 : i32
      %add3A_1193 = vector.broadcast %mul3A_1192 : i32 to vector<16xi32>
      %add3A_1194 = arith.addi %add3A_1193, %iota3A : vector<16xi32>
      tpu.vector_store_idx %arg7[%broadcast_in_dim3A_1190, %add3A_1194], %gather3A_1189 : memref<32x416xf32, #tpu.memory_space<vmem>>[vector<16xi32>, vector<16xi32>], vector<16xf32>,
      %mul3A_1195 = arith.constant 16 : i32
      %mul3A_1196 = arith.muli %sub3A_1165, %mul3A_1195 : i32
      %add3A_1197 = arith.constant 1 : i32
      %add3A_1198 = arith.addi %mul3A_1196, %add3A_1197 : i32
      %rem3A_1199 = arith.constant 26 : i32
      %rem3A_1200 = arith.remsi %add3A_1198, %rem3A_1199 : i32
      %div3A_1201 = arith.constant 26 : i32
      %div3A_1202 = arith.divsi %add3A_1198, %div3A_1201 : i32
      %slice3A_1203 = vector.extract_strided_slice %get3A_1171 {offsets = [1], sizes = [1], strides = [1]} : vector<16xi32> to vector<1xi32>
      %squeeze3A_1204 = vector.extract %slice3A_1203[0] : i32 from vector<1xi32>
      %rem3A_1205 = arith.constant 128 : i32
      %rem3A_1206 = arith.remsi %squeeze3A_1204, %rem3A_1205 : i32
      %add3A_1207 = arith.constant 16 : i32
      %add3A_1208 = vector.broadcast %add3A_1207 : i32 to vector<16xi32>
      %add3A_1209 = arith.addi %add3A_1208, %iota3A : vector<16xi32>
      %broadcast_in_dim3A_1210 = vector.broadcast %rem3A_1206 : i32 to vector<16xi32>
      %gather3A_1211 = tpu.vector_load_idx %arg6[%broadcast_in_dim3A_1172, %add3A_1209, %broadcast_in_dim3A_1210] : memref<2x256x128xf32, #tpu.memory_space<vmem>>[vector<16xi32>, vector<16xi32>, vector<16xi32>], vector<16xf32>,
      %broadcast_in_dim3A_1212 = vector.broadcast %div3A_1202 : i32 to vector<16xi32>
      %mul3A_1213 = arith.constant 16 : i32
      %mul3A_1214 = arith.muli %rem3A_1200, %mul3A_1213 : i32
      %add3A_1215 = vector.broadcast %mul3A_1214 : i32 to vector<16xi32>
      %add3A_1216 = arith.addi %add3A_1215, %iota3A : vector<16xi32>
      tpu.vector_store_idx %arg7[%broadcast_in_dim3A_1212, %add3A_1216], %gather3A_1211 : memref<32x416xf32, #tpu.memory_space<vmem>>[vector<16xi32>, vector<16xi32>], vector<16xf32>,
      %mul3A_1217 = arith.constant 16 : i32
      %mul3A_1218 = arith.muli %sub3A_1165, %mul3A_1217 : i32
      %add3A_1219 = arith.constant 2 : i32
      %add3A_1220 = arith.addi %mul3A_1218, %add3A_1219 : i32
      %rem3A_1221 = arith.constant 26 : i32
      %rem3A_1222 = arith.remsi %add3A_1220, %rem3A_1221 : i32
      %div3A_1223 = arith.constant 26 : i32
      %div3A_1224 = arith.divsi %add3A_1220, %div3A_1223 : i32
      %slice3A_1225 = vector.extract_strided_slice %get3A_1171 {offsets = [2], sizes = [1], strides = [1]} : vector<16xi32> to vector<1xi32>
      %squeeze3A_1226 = vector.extract %slice3A_1225[0] : i32 from vector<1xi32>
      %rem3A_1227 = arith.constant 128 : i32
      %rem3A_1228 = arith.remsi %squeeze3A_1226, %rem3A_1227 : i32
      %add3A_1229 = arith.constant 32 : i32
      %add3A_1230 = vector.broadcast %add3A_1229 : i32 to vector<16xi32>
      %add3A_1231 = arith.addi %add3A_1230, %iota3A : vector<16xi32>
      %broadcast_in_dim3A_1232 = vector.broadcast %rem3A_1228 : i32 to vector<16xi32>
      %gather3A_1233 = tpu.vector_load_idx %arg6[%broadcast_in_dim3A_1172, %add3A_1231, %broadcast_in_dim3A_1232] : memref<2x256x128xf32, #tpu.memory_space<vmem>>[vector<16xi32>, vector<16xi32>, vector<16xi32>], vector<16xf32>,
      %broadcast_in_dim3A_1234 = vector.broadcast %div3A_1224 : i32 to vector<16xi32>
      %mul3A_1235 = arith.constant 16 : i32
      %mul3A_1236 = arith.muli %rem3A_1222, %mul3A_1235 : i32
      %add3A_1237 = vector.broadcast %mul3A_1236 : i32 to vector<16xi32>
      %add3A_1238 = arith.addi %add3A_1237, %iota3A : vector<16xi32>
      tpu.vector_store_idx %arg7[%broadcast_in_dim3A_1234, %add3A_1238], %gather3A_1233 : memref<32x416xf32, #tpu.memory_space<vmem>>[vector<16xi32>, vector<16xi32>], vector<16xf32>,
      %mul3A_1239 = arith.constant 16 : i32
      %mul3A_1240 = arith.muli %sub3A_1165, %mul3A_1239 : i32
      %add3A_1241 = arith.constant 3 : i32
      %add3A_1242 = arith.addi %mul3A_1240, %add3A_1241 : i32
      %rem3A_1243 = arith.constant 26 : i32
      %rem3A_1244 = arith.remsi %add3A_1242, %rem3A_1243 : i32
      %div3A_1245 = arith.constant 26 : i32
      %div3A_1246 = arith.divsi %add3A_1242, %div3A_1245 : i32
      %slice3A_1247 = vector.extract_strided_slice %get3A_1171 {offsets = [3], sizes = [1], strides = [1]} : vector<16xi32> to vector<1xi32>
      %squeeze3A_1248 = vector.extract %slice3A_1247[0] : i32 from vector<1xi32>
      %rem3A_1249 = arith.constant 128 : i32
      %rem3A_1250 = arith.remsi %squeeze3A_1248, %rem3A_1249 : i32
      %add3A_1251 = arith.constant 48 : i32
      %add3A_1252 = vector.broadcast %add3A_1251 : i32 to vector<16xi32>
      %add3A_1253 = arith.addi %add3A_1252, %iota3A : vector<16xi32>
      %broadcast_in_dim3A_1254 = vector.broadcast %rem3A_1250 : i32 to vector<16xi32>
      %gather3A_1255 = tpu.vector_load_idx %arg6[%broadcast_in_dim3A_1172, %add3A_1253, %broadcast_in_dim3A_1254] : memref<2x256x128xf32, #tpu.memory_space<vmem>>[vector<16xi32>, vector<16xi32>, vector<16xi32>], vector<16xf32>,
      %broadcast_in_dim3A_1256 = vector.broadcast %div3A_1246 : i32 to vector<16xi32>
      %mul3A_1257 = arith.constant 16 : i32
      %mul3A_1258 = arith.muli %rem3A_1244, %mul3A_1257 : i32
      %add3A_1259 = vector.broadcast %mul3A_1258 : i32 to vector<16xi32>
      %add3A_1260 = arith.addi %add3A_1259, %iota3A : vector<16xi32>
      tpu.vector_store_idx %arg7[%broadcast_in_dim3A_1256, %add3A_1260], %gather3A_1255 : memref<32x416xf32, #tpu.memory_space<vmem>>[vector<16xi32>, vector<16xi32>], vector<16xf32>,
      %mul3A_1261 = arith.constant 16 : i32
      %mul3A_1262 = arith.muli %sub3A_1165, %mul3A_1261 : i32
      %add3A_1263 = arith.constant 4 : i32
      %add3A_1264 = arith.addi %mul3A_1262, %add3A_1263 : i32
      %rem3A_1265 = arith.constant 26 : i32
      %rem3A_1266 = arith.remsi %add3A_1264, %rem3A_1265 : i32
      %div3A_1267 = arith.constant 26 : i32
      %div3A_1268 = arith.divsi %add3A_1264, %div3A_1267 : i32
      %slice3A_1269 = vector.extract_strided_slice %get3A_1171 {offsets = [4], sizes = [1], strides = [1]} : vector<16xi32> to vector<1xi32>
      %squeeze3A_1270 = vector.extract %slice3A_1269[0] : i32 from vector<1xi32>
      %rem3A_1271 = arith.constant 128 : i32
      %rem3A_1272 = arith.remsi %squeeze3A_1270, %rem3A_1271 : i32
      %add3A_1273 = arith.constant 64 : i32
      %add3A_1274 = vector.broadcast %add3A_1273 : i32 to vector<16xi32>
      %add3A_1275 = arith.addi %add3A_1274, %iota3A : vector<16xi32>
      %broadcast_in_dim3A_1276 = vector.broadcast %rem3A_1272 : i32 to vector<16xi32>
      %gather3A_1277 = tpu.vector_load_idx %arg6[%broadcast_in_dim3A_1172, %add3A_1275, %broadcast_in_dim3A_1276] : memref<2x256x128xf32, #tpu.memory_space<vmem>>[vector<16xi32>, vector<16xi32>, vector<16xi32>], vector<16xf32>,
      %broadcast_in_dim3A_1278 = vector.broadcast %div3A_1268 : i32 to vector<16xi32>
      %mul3A_1279 = arith.constant 16 : i32
      %mul3A_1280 = arith.muli %rem3A_1266, %mul3A_1279 : i32
      %add3A_1281 = vector.broadcast %mul3A_1280 : i32 to vector<16xi32>
      %add3A_1282 = arith.addi %add3A_1281, %iota3A : vector<16xi32>
      tpu.vector_store_idx %arg7[%broadcast_in_dim3A_1278, %add3A_1282], %gather3A_1277 : memref<32x416xf32, #tpu.memory_space<vmem>>[vector<16xi32>, vector<16xi32>], vector<16xf32>,
      %mul3A_1283 = arith.constant 16 : i32
      %mul3A_1284 = arith.muli %sub3A_1165, %mul3A_1283 : i32
      %add3A_1285 = arith.constant 5 : i32
      %add3A_1286 = arith.addi %mul3A_1284, %add3A_1285 : i32
      %rem3A_1287 = arith.constant 26 : i32
      %rem3A_1288 = arith.remsi %add3A_1286, %rem3A_1287 : i32
      %div3A_1289 = arith.constant 26 : i32
      %div3A_1290 = arith.divsi %add3A_1286, %div3A_1289 : i32
      %slice3A_1291 = vector.extract_strided_slice %get3A_1171 {offsets = [5], sizes = [1], strides = [1]} : vector<16xi32> to vector<1xi32>
      %squeeze3A_1292 = vector.extract %slice3A_1291[0] : i32 from vector<1xi32>
      %rem3A_1293 = arith.constant 128 : i32
      %rem3A_1294 = arith.remsi %squeeze3A_1292, %rem3A_1293 : i32
      %add3A_1295 = arith.constant 80 : i32
      %add3A_1296 = vector.broadcast %add3A_1295 : i32 to vector<16xi32>
      %add3A_1297 = arith.addi %add3A_1296, %iota3A : vector<16xi32>
      %broadcast_in_dim3A_1298 = vector.broadcast %rem3A_1294 : i32 to vector<16xi32>
      %gather3A_1299 = tpu.vector_load_idx %arg6[%broadcast_in_dim3A_1172, %add3A_1297, %broadcast_in_dim3A_1298] : memref<2x256x128xf32, #tpu.memory_space<vmem>>[vector<16xi32>, vector<16xi32>, vector<16xi32>], vector<16xf32>,
      %broadcast_in_dim3A_1300 = vector.broadcast %div3A_1290 : i32 to vector<16xi32>
      %mul3A_1301 = arith.constant 16 : i32
      %mul3A_1302 = arith.muli %rem3A_1288, %mul3A_1301 : i32
      %add3A_1303 = vector.broadcast %mul3A_1302 : i32 to vector<16xi32>
      %add3A_1304 = arith.addi %add3A_1303, %iota3A : vector<16xi32>
      tpu.vector_store_idx %arg7[%broadcast_in_dim3A_1300, %add3A_1304], %gather3A_1299 : memref<32x416xf32, #tpu.memory_space<vmem>>[vector<16xi32>, vector<16xi32>], vector<16xf32>,
      %mul3A_1305 = arith.constant 16 : i32
      %mul3A_1306 = arith.muli %sub3A_1165, %mul3A_1305 : i32
      %add3A_1307 = arith.constant 6 : i32
      %add3A_1308 = arith.addi %mul3A_1306, %add3A_1307 : i32
      %rem3A_1309 = arith.constant 26 : i32
      %rem3A_1310 = arith.remsi %add3A_1308, %rem3A_1309 : i32
      %div3A_1311 = arith.constant 26 : i32
      %div3A_1312 = arith.divsi %add3A_1308, %div3A_1311 : i32
      %slice3A_1313 = vector.extract_strided_slice %get3A_1171 {offsets = [6], sizes = [1], strides = [1]} : vector<16xi32> to vector<1xi32>
      %squeeze3A_1314 = vector.extract %slice3A_1313[0] : i32 from vector<1xi32>
      %rem3A_1315 = arith.constant 128 : i32
      %rem3A_1316 = arith.remsi %squeeze3A_1314, %rem3A_1315 : i32
      %add3A_1317 = arith.constant 96 : i32
      %add3A_1318 = vector.broadcast %add3A_1317 : i32 to vector<16xi32>
      %add3A_1319 = arith.addi %add3A_1318, %iota3A : vector<16xi32>
      %broadcast_in_dim3A_1320 = vector.broadcast %rem3A_1316 : i32 to vector<16xi32>
      %gather3A_1321 = tpu.vector_load_idx %arg6[%broadcast_in_dim3A_1172, %add3A_1319, %broadcast_in_dim3A_1320] : memref<2x256x128xf32, #tpu.memory_space<vmem>>[vector<16xi32>, vector<16xi32>, vector<16xi32>], vector<16xf32>,
      %broadcast_in_dim3A_1322 = vector.broadcast %div3A_1312 : i32 to vector<16xi32>
      %mul3A_1323 = arith.constant 16 : i32
      %mul3A_1324 = arith.muli %rem3A_1310, %mul3A_1323 : i32
      %add3A_1325 = vector.broadcast %mul3A_1324 : i32 to vector<16xi32>
      %add3A_1326 = arith.addi %add3A_1325, %iota3A : vector<16xi32>
      tpu.vector_store_idx %arg7[%broadcast_in_dim3A_1322, %add3A_1326], %gather3A_1321 : memref<32x416xf32, #tpu.memory_space<vmem>>[vector<16xi32>, vector<16xi32>], vector<16xf32>,
      %mul3A_1327 = arith.constant 16 : i32
      %mul3A_1328 = arith.muli %sub3A_1165, %mul3A_1327 : i32
      %add3A_1329 = arith.constant 7 : i32
      %add3A_1330 = arith.addi %mul3A_1328, %add3A_1329 : i32
      %rem3A_1331 = arith.constant 26 : i32
      %rem3A_1332 = arith.remsi %add3A_1330, %rem3A_1331 : i32
      %div3A_1333 = arith.constant 26 : i32
      %div3A_1334 = arith.divsi %add3A_1330, %div3A_1333 : i32
      %slice3A_1335 = vector.extract_strided_slice %get3A_1171 {offsets = [7], sizes = [1], strides = [1]} : vector<16xi32> to vector<1xi32>
      %squeeze3A_1336 = vector.extract %slice3A_1335[0] : i32 from vector<1xi32>
      %rem3A_1337 = arith.constant 128 : i32
      %rem3A_1338 = arith.remsi %squeeze3A_1336, %rem3A_1337 : i32
      %add3A_1339 = arith.constant 112 : i32
      %add3A_1340 = vector.broadcast %add3A_1339 : i32 to vector<16xi32>
      %add3A_1341 = arith.addi %add3A_1340, %iota3A : vector<16xi32>
      %broadcast_in_dim3A_1342 = vector.broadcast %rem3A_1338 : i32 to vector<16xi32>
      %gather3A_1343 = tpu.vector_load_idx %arg6[%broadcast_in_dim3A_1172, %add3A_1341, %broadcast_in_dim3A_1342] : memref<2x256x128xf32, #tpu.memory_space<vmem>>[vector<16xi32>, vector<16xi32>, vector<16xi32>], vector<16xf32>,
      %broadcast_in_dim3A_1344 = vector.broadcast %div3A_1334 : i32 to vector<16xi32>
      %mul3A_1345 = arith.constant 16 : i32
      %mul3A_1346 = arith.muli %rem3A_1332, %mul3A_1345 : i32
      %add3A_1347 = vector.broadcast %mul3A_1346 : i32 to vector<16xi32>
      %add3A_1348 = arith.addi %add3A_1347, %iota3A : vector<16xi32>
      tpu.vector_store_idx %arg7[%broadcast_in_dim3A_1344, %add3A_1348], %gather3A_1343 : memref<32x416xf32, #tpu.memory_space<vmem>>[vector<16xi32>, vector<16xi32>], vector<16xf32>,
      %mul3A_1349 = arith.constant 16 : i32
      %mul3A_1350 = arith.muli %sub3A_1165, %mul3A_1349 : i32
      %add3A_1351 = arith.constant 8 : i32
      %add3A_1352 = arith.addi %mul3A_1350, %add3A_1351 : i32
      %rem3A_1353 = arith.constant 26 : i32
      %rem3A_1354 = arith.remsi %add3A_1352, %rem3A_1353 : i32
      %div3A_1355 = arith.constant 26 : i32
      %div3A_1356 = arith.divsi %add3A_1352, %div3A_1355 : i32
      %slice3A_1357 = vector.extract_strided_slice %get3A_1171 {offsets = [8], sizes = [1], strides = [1]} : vector<16xi32> to vector<1xi32>
      %squeeze3A_1358 = vector.extract %slice3A_1357[0] : i32 from vector<1xi32>
      %rem3A_1359 = arith.constant 128 : i32
      %rem3A_1360 = arith.remsi %squeeze3A_1358, %rem3A_1359 : i32
      %add3A_1361 = arith.constant 128 : i32
      %add3A_1362 = vector.broadcast %add3A_1361 : i32 to vector<16xi32>
      %add3A_1363 = arith.addi %add3A_1362, %iota3A : vector<16xi32>
      %broadcast_in_dim3A_1364 = vector.broadcast %rem3A_1360 : i32 to vector<16xi32>
      %gather3A_1365 = tpu.vector_load_idx %arg6[%broadcast_in_dim3A_1172, %add3A_1363, %broadcast_in_dim3A_1364] : memref<2x256x128xf32, #tpu.memory_space<vmem>>[vector<16xi32>, vector<16xi32>, vector<16xi32>], vector<16xf32>,
      %broadcast_in_dim3A_1366 = vector.broadcast %div3A_1356 : i32 to vector<16xi32>
      %mul3A_1367 = arith.constant 16 : i32
      %mul3A_1368 = arith.muli %rem3A_1354, %mul3A_1367 : i32
      %add3A_1369 = vector.broadcast %mul3A_1368 : i32 to vector<16xi32>
      %add3A_1370 = arith.addi %add3A_1369, %iota3A : vector<16xi32>
      tpu.vector_store_idx %arg7[%broadcast_in_dim3A_1366, %add3A_1370], %gather3A_1365 : memref<32x416xf32, #tpu.memory_space<vmem>>[vector<16xi32>, vector<16xi32>], vector<16xf32>,
      %mul3A_1371 = arith.constant 16 : i32
      %mul3A_1372 = arith.muli %sub3A_1165, %mul3A_1371 : i32
      %add3A_1373 = arith.constant 9 : i32
      %add3A_1374 = arith.addi %mul3A_1372, %add3A_1373 : i32
      %rem3A_1375 = arith.constant 26 : i32
      %rem3A_1376 = arith.remsi %add3A_1374, %rem3A_1375 : i32
      %div3A_1377 = arith.constant 26 : i32
      %div3A_1378 = arith.divsi %add3A_1374, %div3A_1377 : i32
      %slice3A_1379 = vector.extract_strided_slice %get3A_1171 {offsets = [9], sizes = [1], strides = [1]} : vector<16xi32> to vector<1xi32>
      %squeeze3A_1380 = vector.extract %slice3A_1379[0] : i32 from vector<1xi32>
      %rem3A_1381 = arith.constant 128 : i32
      %rem3A_1382 = arith.remsi %squeeze3A_1380, %rem3A_1381 : i32
      %add3A_1383 = arith.constant 144 : i32
      %add3A_1384 = vector.broadcast %add3A_1383 : i32 to vector<16xi32>
      %add3A_1385 = arith.addi %add3A_1384, %iota3A : vector<16xi32>
      %broadcast_in_dim3A_1386 = vector.broadcast %rem3A_1382 : i32 to vector<16xi32>
      %gather3A_1387 = tpu.vector_load_idx %arg6[%broadcast_in_dim3A_1172, %add3A_1385, %broadcast_in_dim3A_1386] : memref<2x256x128xf32, #tpu.memory_space<vmem>>[vector<16xi32>, vector<16xi32>, vector<16xi32>], vector<16xf32>,
      %broadcast_in_dim3A_1388 = vector.broadcast %div3A_1378 : i32 to vector<16xi32>
      %mul3A_1389 = arith.constant 16 : i32
      %mul3A_1390 = arith.muli %rem3A_1376, %mul3A_1389 : i32
      %add3A_1391 = vector.broadcast %mul3A_1390 : i32 to vector<16xi32>
      %add3A_1392 = arith.addi %add3A_1391, %iota3A : vector<16xi32>
      tpu.vector_store_idx %arg7[%broadcast_in_dim3A_1388, %add3A_1392], %gather3A_1387 : memref<32x416xf32, #tpu.memory_space<vmem>>[vector<16xi32>, vector<16xi32>], vector<16xf32>,
      %mul3A_1393 = arith.constant 16 : i32
      %mul3A_1394 = arith.muli %sub3A_1165, %mul3A_1393 : i32
      %add3A_1395 = arith.constant 10 : i32
      %add3A_1396 = arith.addi %mul3A_1394, %add3A_1395 : i32
      %rem3A_1397 = arith.constant 26 : i32
      %rem3A_1398 = arith.remsi %add3A_1396, %rem3A_1397 : i32
      %div3A_1399 = arith.constant 26 : i32
      %div3A_1400 = arith.divsi %add3A_1396, %div3A_1399 : i32
      %slice3A_1401 = vector.extract_strided_slice %get3A_1171 {offsets = [10], sizes = [1], strides = [1]} : vector<16xi32> to vector<1xi32>
      %squeeze3A_1402 = vector.extract %slice3A_1401[0] : i32 from vector<1xi32>
      %rem3A_1403 = arith.constant 128 : i32
      %rem3A_1404 = arith.remsi %squeeze3A_1402, %rem3A_1403 : i32
      %add3A_1405 = arith.constant 160 : i32
      %add3A_1406 = vector.broadcast %add3A_1405 : i32 to vector<16xi32>
      %add3A_1407 = arith.addi %add3A_1406, %iota3A : vector<16xi32>
      %broadcast_in_dim3A_1408 = vector.broadcast %rem3A_1404 : i32 to vector<16xi32>
      %gather3A_1409 = tpu.vector_load_idx %arg6[%broadcast_in_dim3A_1172, %add3A_1407, %broadcast_in_dim3A_1408] : memref<2x256x128xf32, #tpu.memory_space<vmem>>[vector<16xi32>, vector<16xi32>, vector<16xi32>], vector<16xf32>,
      %broadcast_in_dim3A_1410 = vector.broadcast %div3A_1400 : i32 to vector<16xi32>
      %mul3A_1411 = arith.constant 16 : i32
      %mul3A_1412 = arith.muli %rem3A_1398, %mul3A_1411 : i32
      %add3A_1413 = vector.broadcast %mul3A_1412 : i32 to vector<16xi32>
      %add3A_1414 = arith.addi %add3A_1413, %iota3A : vector<16xi32>
      tpu.vector_store_idx %arg7[%broadcast_in_dim3A_1410, %add3A_1414], %gather3A_1409 : memref<32x416xf32, #tpu.memory_space<vmem>>[vector<16xi32>, vector<16xi32>], vector<16xf32>,
      %mul3A_1415 = arith.constant 16 : i32
      %mul3A_1416 = arith.muli %sub3A_1165, %mul3A_1415 : i32
      %add3A_1417 = arith.constant 11 : i32
      %add3A_1418 = arith.addi %mul3A_1416, %add3A_1417 : i32
      %rem3A_1419 = arith.constant 26 : i32
      %rem3A_1420 = arith.remsi %add3A_1418, %rem3A_1419 : i32
      %div3A_1421 = arith.constant 26 : i32
      %div3A_1422 = arith.divsi %add3A_1418, %div3A_1421 : i32
      %slice3A_1423 = vector.extract_strided_slice %get3A_1171 {offsets = [11], sizes = [1], strides = [1]} : vector<16xi32> to vector<1xi32>
      %squeeze3A_1424 = vector.extract %slice3A_1423[0] : i32 from vector<1xi32>
      %rem3A_1425 = arith.constant 128 : i32
      %rem3A_1426 = arith.remsi %squeeze3A_1424, %rem3A_1425 : i32
      %add3A_1427 = arith.constant 176 : i32
      %add3A_1428 = vector.broadcast %add3A_1427 : i32 to vector<16xi32>
      %add3A_1429 = arith.addi %add3A_1428, %iota3A : vector<16xi32>
      %broadcast_in_dim3A_1430 = vector.broadcast %rem3A_1426 : i32 to vector<16xi32>
      %gather3A_1431 = tpu.vector_load_idx %arg6[%broadcast_in_dim3A_1172, %add3A_1429, %broadcast_in_dim3A_1430] : memref<2x256x128xf32, #tpu.memory_space<vmem>>[vector<16xi32>, vector<16xi32>, vector<16xi32>], vector<16xf32>,
      %broadcast_in_dim3A_1432 = vector.broadcast %div3A_1422 : i32 to vector<16xi32>
      %mul3A_1433 = arith.constant 16 : i32
      %mul3A_1434 = arith.muli %rem3A_1420, %mul3A_1433 : i32
      %add3A_1435 = vector.broadcast %mul3A_1434 : i32 to vector<16xi32>
      %add3A_1436 = arith.addi %add3A_1435, %iota3A : vector<16xi32>
      tpu.vector_store_idx %arg7[%broadcast_in_dim3A_1432, %add3A_1436], %gather3A_1431 : memref<32x416xf32, #tpu.memory_space<vmem>>[vector<16xi32>, vector<16xi32>], vector<16xf32>,
      %mul3A_1437 = arith.constant 16 : i32
      %mul3A_1438 = arith.muli %sub3A_1165, %mul3A_1437 : i32
      %add3A_1439 = arith.constant 12 : i32
      %add3A_1440 = arith.addi %mul3A_1438, %add3A_1439 : i32
      %rem3A_1441 = arith.constant 26 : i32
      %rem3A_1442 = arith.remsi %add3A_1440, %rem3A_1441 : i32
      %div3A_1443 = arith.constant 26 : i32
      %div3A_1444 = arith.divsi %add3A_1440, %div3A_1443 : i32
      %slice3A_1445 = vector.extract_strided_slice %get3A_1171 {offsets = [12], sizes = [1], strides = [1]} : vector<16xi32> to vector<1xi32>
      %squeeze3A_1446 = vector.extract %slice3A_1445[0] : i32 from vector<1xi32>
      %rem3A_1447 = arith.constant 128 : i32
      %rem3A_1448 = arith.remsi %squeeze3A_1446, %rem3A_1447 : i32
      %add3A_1449 = arith.constant 192 : i32
      %add3A_1450 = vector.broadcast %add3A_1449 : i32 to vector<16xi32>
      %add3A_1451 = arith.addi %add3A_1450, %iota3A : vector<16xi32>
      %broadcast_in_dim3A_1452 = vector.broadcast %rem3A_1448 : i32 to vector<16xi32>
      %gather3A_1453 = tpu.vector_load_idx %arg6[%broadcast_in_dim3A_1172, %add3A_1451, %broadcast_in_dim3A_1452] : memref<2x256x128xf32, #tpu.memory_space<vmem>>[vector<16xi32>, vector<16xi32>, vector<16xi32>], vector<16xf32>,
      %broadcast_in_dim3A_1454 = vector.broadcast %div3A_1444 : i32 to vector<16xi32>
      %mul3A_1455 = arith.constant 16 : i32
      %mul3A_1456 = arith.muli %rem3A_1442, %mul3A_1455 : i32
      %add3A_1457 = vector.broadcast %mul3A_1456 : i32 to vector<16xi32>
      %add3A_1458 = arith.addi %add3A_1457, %iota3A : vector<16xi32>
      tpu.vector_store_idx %arg7[%broadcast_in_dim3A_1454, %add3A_1458], %gather3A_1453 : memref<32x416xf32, #tpu.memory_space<vmem>>[vector<16xi32>, vector<16xi32>], vector<16xf32>,
      %mul3A_1459 = arith.constant 16 : i32
      %mul3A_1460 = arith.muli %sub3A_1165, %mul3A_1459 : i32
      %add3A_1461 = arith.constant 13 : i32
      %add3A_1462 = arith.addi %mul3A_1460, %add3A_1461 : i32
      %rem3A_1463 = arith.constant 26 : i32
      %rem3A_1464 = arith.remsi %add3A_1462, %rem3A_1463 : i32
      %div3A_1465 = arith.constant 26 : i32
      %div3A_1466 = arith.divsi %add3A_1462, %div3A_1465 : i32
      %slice3A_1467 = vector.extract_strided_slice %get3A_1171 {offsets = [13], sizes = [1], strides = [1]} : vector<16xi32> to vector<1xi32>
      %squeeze3A_1468 = vector.extract %slice3A_1467[0] : i32 from vector<1xi32>
      %rem3A_1469 = arith.constant 128 : i32
      %rem3A_1470 = arith.remsi %squeeze3A_1468, %rem3A_1469 : i32
      %add3A_1471 = arith.constant 208 : i32
      %add3A_1472 = vector.broadcast %add3A_1471 : i32 to vector<16xi32>
      %add3A_1473 = arith.addi %add3A_1472, %iota3A : vector<16xi32>
      %broadcast_in_dim3A_1474 = vector.broadcast %rem3A_1470 : i32 to vector<16xi32>
      %gather3A_1475 = tpu.vector_load_idx %arg6[%broadcast_in_dim3A_1172, %add3A_1473, %broadcast_in_dim3A_1474] : memref<2x256x128xf32, #tpu.memory_space<vmem>>[vector<16xi32>, vector<16xi32>, vector<16xi32>], vector<16xf32>,
      %broadcast_in_dim3A_1476 = vector.broadcast %div3A_1466 : i32 to vector<16xi32>
      %mul3A_1477 = arith.constant 16 : i32
      %mul3A_1478 = arith.muli %rem3A_1464, %mul3A_1477 : i32
      %add3A_1479 = vector.broadcast %mul3A_1478 : i32 to vector<16xi32>
      %add3A_1480 = arith.addi %add3A_1479, %iota3A : vector<16xi32>
      tpu.vector_store_idx %arg7[%broadcast_in_dim3A_1476, %add3A_1480], %gather3A_1475 : memref<32x416xf32, #tpu.memory_space<vmem>>[vector<16xi32>, vector<16xi32>], vector<16xf32>,
      %mul3A_1481 = arith.constant 16 : i32
      %mul3A_1482 = arith.muli %sub3A_1165, %mul3A_1481 : i32
      %add3A_1483 = arith.constant 14 : i32
      %add3A_1484 = arith.addi %mul3A_1482, %add3A_1483 : i32
      %rem3A_1485 = arith.constant 26 : i32
      %rem3A_1486 = arith.remsi %add3A_1484, %rem3A_1485 : i32
      %div3A_1487 = arith.constant 26 : i32
      %div3A_1488 = arith.divsi %add3A_1484, %div3A_1487 : i32
      %slice3A_1489 = vector.extract_strided_slice %get3A_1171 {offsets = [14], sizes = [1], strides = [1]} : vector<16xi32> to vector<1xi32>
      %squeeze3A_1490 = vector.extract %slice3A_1489[0] : i32 from vector<1xi32>
      %rem3A_1491 = arith.constant 128 : i32
      %rem3A_1492 = arith.remsi %squeeze3A_1490, %rem3A_1491 : i32
      %add3A_1493 = arith.constant 224 : i32
      %add3A_1494 = vector.broadcast %add3A_1493 : i32 to vector<16xi32>
      %add3A_1495 = arith.addi %add3A_1494, %iota3A : vector<16xi32>
      %broadcast_in_dim3A_1496 = vector.broadcast %rem3A_1492 : i32 to vector<16xi32>
      %gather3A_1497 = tpu.vector_load_idx %arg6[%broadcast_in_dim3A_1172, %add3A_1495, %broadcast_in_dim3A_1496] : memref<2x256x128xf32, #tpu.memory_space<vmem>>[vector<16xi32>, vector<16xi32>, vector<16xi32>], vector<16xf32>,
      %broadcast_in_dim3A_1498 = vector.broadcast %div3A_1488 : i32 to vector<16xi32>
      %mul3A_1499 = arith.constant 16 : i32
      %mul3A_1500 = arith.muli %rem3A_1486, %mul3A_1499 : i32
      %add3A_1501 = vector.broadcast %mul3A_1500 : i32 to vector<16xi32>
      %add3A_1502 = arith.addi %add3A_1501, %iota3A : vector<16xi32>
      tpu.vector_store_idx %arg7[%broadcast_in_dim3A_1498, %add3A_1502], %gather3A_1497 : memref<32x416xf32, #tpu.memory_space<vmem>>[vector<16xi32>, vector<16xi32>], vector<16xf32>,
      %mul3A_1503 = arith.constant 16 : i32
      %mul3A_1504 = arith.muli %sub3A_1165, %mul3A_1503 : i32
      %add3A_1505 = arith.constant 15 : i32
      %add3A_1506 = arith.addi %mul3A_1504, %add3A_1505 : i32
      %rem3A_1507 = arith.constant 26 : i32
      %rem3A_1508 = arith.remsi %add3A_1506, %rem3A_1507 : i32
      %div3A_1509 = arith.constant 26 : i32
      %div3A_1510 = arith.divsi %add3A_1506, %div3A_1509 : i32
      %slice3A_1511 = vector.extract_strided_slice %get3A_1171 {offsets = [15], sizes = [1], strides = [1]} : vector<16xi32> to vector<1xi32>
      %squeeze3A_1512 = vector.extract %slice3A_1511[0] : i32 from vector<1xi32>
      %rem3A_1513 = arith.constant 128 : i32
      %rem3A_1514 = arith.remsi %squeeze3A_1512, %rem3A_1513 : i32
      %add3A_1515 = arith.constant 240 : i32
      %add3A_1516 = vector.broadcast %add3A_1515 : i32 to vector<16xi32>
      %add3A_1517 = arith.addi %add3A_1516, %iota3A : vector<16xi32>
      %broadcast_in_dim3A_1518 = vector.broadcast %rem3A_1514 : i32 to vector<16xi32>
      %gather3A_1519 = tpu.vector_load_idx %arg6[%broadcast_in_dim3A_1172, %add3A_1517, %broadcast_in_dim3A_1518] : memref<2x256x128xf32, #tpu.memory_space<vmem>>[vector<16xi32>, vector<16xi32>, vector<16xi32>], vector<16xf32>,
      %broadcast_in_dim3A_1520 = vector.broadcast %div3A_1510 : i32 to vector<16xi32>
      %mul3A_1521 = arith.constant 16 : i32
      %mul3A_1522 = arith.muli %rem3A_1508, %mul3A_1521 : i32
      %add3A_1523 = vector.broadcast %mul3A_1522 : i32 to vector<16xi32>
      %add3A_1524 = arith.addi %add3A_1523, %iota3A : vector<16xi32>
      tpu.vector_store_idx %arg7[%broadcast_in_dim3A_1520, %add3A_1524], %gather3A_1519 : memref<32x416xf32, #tpu.memory_space<vmem>>[vector<16xi32>, vector<16xi32>], vector<16xf32>,
    }
    %scan3A_386 = arith.constant 51 : i32
    %rem3A_387 = arith.constant 51 : i32
    %rem3A_388 = arith.constant 2 : i32
    %rem3A_389 = arith.remsi %rem3A_387, %rem3A_388 : i32
    %dma_wait3A = arith.constant 0 : i32
    %dma_wait3A_390 = arith.constant 0 : i32
    %dma_wait3A_391 = tpu.memref_slice %arg6[%rem3A_389, %dma_wait3A, %dma_wait3A_390] : memref<2x256x128xf32, #tpu.memory_space<vmem>> -> memref<1x256x128xf32, #tpu.memory_space<vmem>>
    %dma_wait3A_392 = tpu.memref_squeeze %dma_wait3A_391 : memref<1x256x128xf32, #tpu.memory_space<vmem>> -> memref<256x128xf32, #tpu.memory_space<vmem>>
    %dma_wait3A_393 = arith.constant 0 : i32
    %dma_wait3A_394 = arith.constant 0 : i32
    %dma_wait3A_395 = tpu.memref_slice %arg2[%dma_wait3A_393, %dma_wait3A_394] : memref<416x100000xf32, #tpu.memory_space<hbm>> -> memref<256x128xf32, #tpu.memory_space<hbm>>
    %dma_wait3A_396 = arith.constant 0 : i32
    %dma_wait3A_397 = arith.constant 0 : i32
    %dma_wait3A_398 = tpu.memref_slice %arg6[%rem3A_389, %dma_wait3A_396, %dma_wait3A_397] : memref<2x256x128xf32, #tpu.memory_space<vmem>> -> memref<1x256x128xf32, #tpu.memory_space<vmem>>
    %dma_wait3A_399 = tpu.memref_squeeze %dma_wait3A_398 : memref<1x256x128xf32, #tpu.memory_space<vmem>> -> memref<256x128xf32, #tpu.memory_space<vmem>>
    %dma_wait3A_400 = arith.constant 0 : i32
    %dma_wait3A_401 = arith.constant 0 : i32
    %dma_wait3A_402 = tpu.memref_slice %arg2[%dma_wait3A_400, %dma_wait3A_401] : memref<416x100000xf32, #tpu.memory_space<hbm>> -> memref<256x128xf32, #tpu.memory_space<hbm>>
    tpu.wait_dma2 semaphore(%arg8 : memref<!tpu.dma_semaphore, #tpu.memory_space<semaphore_mem>>) src(%dma_wait3A_402 : memref<256x128xf32, #tpu.memory_space<hbm>>) dst(%dma_wait3A_399 : memref<256x128xf32, #tpu.memory_space<vmem>>)
    %get3A_403 = arith.constant 816 : index
    %get3A_404 = tpu.vector_load %arg5[%get3A_403] {strides = array<i32>} : memref<832xi32, #tpu.memory_space<vmem>>, vector<16xi32>,
    %broadcast_in_dim3A = vector.broadcast %rem3A_389 : i32 to vector<16xi32>
    %rem3A_405 = arith.constant 816 : i32
    %rem3A_406 = arith.constant 26 : i32
    %rem3A_407 = arith.remsi %rem3A_405, %rem3A_406 : i32
    %div3A_408 = arith.constant 816 : i32
    %div3A_409 = arith.constant 26 : i32
    %div3A_410 = arith.divsi %div3A_408, %div3A_409 : i32
    %slice3A_411 = vector.extract_strided_slice %get3A_404 {offsets = [0], sizes = [1], strides = [1]} : vector<16xi32> to vector<1xi32>
    %squeeze3A_412 = vector.extract %slice3A_411[0] : i32 from vector<1xi32>
    %rem3A_413 = arith.constant 128 : i32
    %rem3A_414 = arith.remsi %squeeze3A_412, %rem3A_413 : i32
    %add3A_415 = arith.constant 0 : i32
    %add3A_416 = vector.broadcast %add3A_415 : i32 to vector<16xi32>
    %add3A_417 = arith.addi %add3A_416, %iota3A : vector<16xi32>
    %broadcast_in_dim3A_418 = vector.broadcast %rem3A_414 : i32 to vector<16xi32>
    %gather3A = tpu.vector_load_idx %arg6[%broadcast_in_dim3A, %add3A_417, %broadcast_in_dim3A_418] : memref<2x256x128xf32, #tpu.memory_space<vmem>>[vector<16xi32>, vector<16xi32>, vector<16xi32>], vector<16xf32>,
    %broadcast_in_dim3A_419 = vector.broadcast %div3A_410 : i32 to vector<16xi32>
    %mul3A_420 = arith.constant 16 : i32
    %mul3A_421 = arith.muli %rem3A_407, %mul3A_420 : i32
    %add3A_422 = vector.broadcast %mul3A_421 : i32 to vector<16xi32>
    %add3A_423 = arith.addi %add3A_422, %iota3A : vector<16xi32>
    tpu.vector_store_idx %arg7[%broadcast_in_dim3A_419, %add3A_423], %gather3A : memref<32x416xf32, #tpu.memory_space<vmem>>[vector<16xi32>, vector<16xi32>], vector<16xf32>,
    %rem3A_424 = arith.constant 817 : i32
    %rem3A_425 = arith.constant 26 : i32
    %rem3A_426 = arith.remsi %rem3A_424, %rem3A_425 : i32
    %div3A_427 = arith.constant 817 : i32
    %div3A_428 = arith.constant 26 : i32
    %div3A_429 = arith.divsi %div3A_427, %div3A_428 : i32
    %slice3A_430 = vector.extract_strided_slice %get3A_404 {offsets = [1], sizes = [1], strides = [1]} : vector<16xi32> to vector<1xi32>
    %squeeze3A_431 = vector.extract %slice3A_430[0] : i32 from vector<1xi32>
    %rem3A_432 = arith.constant 128 : i32
    %rem3A_433 = arith.remsi %squeeze3A_431, %rem3A_432 : i32
    %add3A_434 = arith.constant 16 : i32
    %add3A_435 = vector.broadcast %add3A_434 : i32 to vector<16xi32>
    %add3A_436 = arith.addi %add3A_435, %iota3A : vector<16xi32>
    %broadcast_in_dim3A_437 = vector.broadcast %rem3A_433 : i32 to vector<16xi32>
    %gather3A_438 = tpu.vector_load_idx %arg6[%broadcast_in_dim3A, %add3A_436, %broadcast_in_dim3A_437] : memref<2x256x128xf32, #tpu.memory_space<vmem>>[vector<16xi32>, vector<16xi32>, vector<16xi32>], vector<16xf32>,
    %broadcast_in_dim3A_439 = vector.broadcast %div3A_429 : i32 to vector<16xi32>
    %mul3A_440 = arith.constant 16 : i32
    %mul3A_441 = arith.muli %rem3A_426, %mul3A_440 : i32
    %add3A_442 = vector.broadcast %mul3A_441 : i32 to vector<16xi32>
    %add3A_443 = arith.addi %add3A_442, %iota3A : vector<16xi32>
    tpu.vector_store_idx %arg7[%broadcast_in_dim3A_439, %add3A_443], %gather3A_438 : memref<32x416xf32, #tpu.memory_space<vmem>>[vector<16xi32>, vector<16xi32>], vector<16xf32>,
    %rem3A_444 = arith.constant 818 : i32
    %rem3A_445 = arith.constant 26 : i32
    %rem3A_446 = arith.remsi %rem3A_444, %rem3A_445 : i32
    %div3A_447 = arith.constant 818 : i32
    %div3A_448 = arith.constant 26 : i32
    %div3A_449 = arith.divsi %div3A_447, %div3A_448 : i32
    %slice3A_450 = vector.extract_strided_slice %get3A_404 {offsets = [2], sizes = [1], strides = [1]} : vector<16xi32> to vector<1xi32>
    %squeeze3A_451 = vector.extract %slice3A_450[0] : i32 from vector<1xi32>
    %rem3A_452 = arith.constant 128 : i32
    %rem3A_453 = arith.remsi %squeeze3A_451, %rem3A_452 : i32
    %add3A_454 = arith.constant 32 : i32
    %add3A_455 = vector.broadcast %add3A_454 : i32 to vector<16xi32>
    %add3A_456 = arith.addi %add3A_455, %iota3A : vector<16xi32>
    %broadcast_in_dim3A_457 = vector.broadcast %rem3A_453 : i32 to vector<16xi32>
    %gather3A_458 = tpu.vector_load_idx %arg6[%broadcast_in_dim3A, %add3A_456, %broadcast_in_dim3A_457] : memref<2x256x128xf32, #tpu.memory_space<vmem>>[vector<16xi32>, vector<16xi32>, vector<16xi32>], vector<16xf32>,
    %broadcast_in_dim3A_459 = vector.broadcast %div3A_449 : i32 to vector<16xi32>
    %mul3A_460 = arith.constant 16 : i32
    %mul3A_461 = arith.muli %rem3A_446, %mul3A_460 : i32
    %add3A_462 = vector.broadcast %mul3A_461 : i32 to vector<16xi32>
    %add3A_463 = arith.addi %add3A_462, %iota3A : vector<16xi32>
    tpu.vector_store_idx %arg7[%broadcast_in_dim3A_459, %add3A_463], %gather3A_458 : memref<32x416xf32, #tpu.memory_space<vmem>>[vector<16xi32>, vector<16xi32>], vector<16xf32>,
    %rem3A_464 = arith.constant 819 : i32
    %rem3A_465 = arith.constant 26 : i32
    %rem3A_466 = arith.remsi %rem3A_464, %rem3A_465 : i32
    %div3A_467 = arith.constant 819 : i32
    %div3A_468 = arith.constant 26 : i32
    %div3A_469 = arith.divsi %div3A_467, %div3A_468 : i32
    %slice3A_470 = vector.extract_strided_slice %get3A_404 {offsets = [3], sizes = [1], strides = [1]} : vector<16xi32> to vector<1xi32>
    %squeeze3A_471 = vector.extract %slice3A_470[0] : i32 from vector<1xi32>
    %rem3A_472 = arith.constant 128 : i32
    %rem3A_473 = arith.remsi %squeeze3A_471, %rem3A_472 : i32
    %add3A_474 = arith.constant 48 : i32
    %add3A_475 = vector.broadcast %add3A_474 : i32 to vector<16xi32>
    %add3A_476 = arith.addi %add3A_475, %iota3A : vector<16xi32>
    %broadcast_in_dim3A_477 = vector.broadcast %rem3A_473 : i32 to vector<16xi32>
    %gather3A_478 = tpu.vector_load_idx %arg6[%broadcast_in_dim3A, %add3A_476, %broadcast_in_dim3A_477] : memref<2x256x128xf32, #tpu.memory_space<vmem>>[vector<16xi32>, vector<16xi32>, vector<16xi32>], vector<16xf32>,
    %broadcast_in_dim3A_479 = vector.broadcast %div3A_469 : i32 to vector<16xi32>
    %mul3A_480 = arith.constant 16 : i32
    %mul3A_481 = arith.muli %rem3A_466, %mul3A_480 : i32
    %add3A_482 = vector.broadcast %mul3A_481 : i32 to vector<16xi32>
    %add3A_483 = arith.addi %add3A_482, %iota3A : vector<16xi32>
    tpu.vector_store_idx %arg7[%broadcast_in_dim3A_479, %add3A_483], %gather3A_478 : memref<32x416xf32, #tpu.memory_space<vmem>>[vector<16xi32>, vector<16xi32>], vector<16xf32>,
    %rem3A_484 = arith.constant 820 : i32
    %rem3A_485 = arith.constant 26 : i32
    %rem3A_486 = arith.remsi %rem3A_484, %rem3A_485 : i32
    %div3A_487 = arith.constant 820 : i32
    %div3A_488 = arith.constant 26 : i32
    %div3A_489 = arith.divsi %div3A_487, %div3A_488 : i32
    %slice3A_490 = vector.extract_strided_slice %get3A_404 {offsets = [4], sizes = [1], strides = [1]} : vector<16xi32> to vector<1xi32>
    %squeeze3A_491 = vector.extract %slice3A_490[0] : i32 from vector<1xi32>
    %rem3A_492 = arith.constant 128 : i32
    %rem3A_493 = arith.remsi %squeeze3A_491, %rem3A_492 : i32
    %add3A_494 = arith.constant 64 : i32
    %add3A_495 = vector.broadcast %add3A_494 : i32 to vector<16xi32>
    %add3A_496 = arith.addi %add3A_495, %iota3A : vector<16xi32>
    %broadcast_in_dim3A_497 = vector.broadcast %rem3A_493 : i32 to vector<16xi32>
    %gather3A_498 = tpu.vector_load_idx %arg6[%broadcast_in_dim3A, %add3A_496, %broadcast_in_dim3A_497] : memref<2x256x128xf32, #tpu.memory_space<vmem>>[vector<16xi32>, vector<16xi32>, vector<16xi32>], vector<16xf32>,
    %broadcast_in_dim3A_499 = vector.broadcast %div3A_489 : i32 to vector<16xi32>
    %mul3A_500 = arith.constant 16 : i32
    %mul3A_501 = arith.muli %rem3A_486, %mul3A_500 : i32
    %add3A_502 = vector.broadcast %mul3A_501 : i32 to vector<16xi32>
    %add3A_503 = arith.addi %add3A_502, %iota3A : vector<16xi32>
    tpu.vector_store_idx %arg7[%broadcast_in_dim3A_499, %add3A_503], %gather3A_498 : memref<32x416xf32, #tpu.memory_space<vmem>>[vector<16xi32>, vector<16xi32>], vector<16xf32>,
    %rem3A_504 = arith.constant 821 : i32
    %rem3A_505 = arith.constant 26 : i32
    %rem3A_506 = arith.remsi %rem3A_504, %rem3A_505 : i32
    %div3A_507 = arith.constant 821 : i32
    %div3A_508 = arith.constant 26 : i32
    %div3A_509 = arith.divsi %div3A_507, %div3A_508 : i32
    %slice3A_510 = vector.extract_strided_slice %get3A_404 {offsets = [5], sizes = [1], strides = [1]} : vector<16xi32> to vector<1xi32>
    %squeeze3A_511 = vector.extract %slice3A_510[0] : i32 from vector<1xi32>
    %rem3A_512 = arith.constant 128 : i32
    %rem3A_513 = arith.remsi %squeeze3A_511, %rem3A_512 : i32
    %add3A_514 = arith.constant 80 : i32
    %add3A_515 = vector.broadcast %add3A_514 : i32 to vector<16xi32>
    %add3A_516 = arith.addi %add3A_515, %iota3A : vector<16xi32>
    %broadcast_in_dim3A_517 = vector.broadcast %rem3A_513 : i32 to vector<16xi32>
    %gather3A_518 = tpu.vector_load_idx %arg6[%broadcast_in_dim3A, %add3A_516, %broadcast_in_dim3A_517] : memref<2x256x128xf32, #tpu.memory_space<vmem>>[vector<16xi32>, vector<16xi32>, vector<16xi32>], vector<16xf32>,
    %broadcast_in_dim3A_519 = vector.broadcast %div3A_509 : i32 to vector<16xi32>
    %mul3A_520 = arith.constant 16 : i32
    %mul3A_521 = arith.muli %rem3A_506, %mul3A_520 : i32
    %add3A_522 = vector.broadcast %mul3A_521 : i32 to vector<16xi32>
    %add3A_523 = arith.addi %add3A_522, %iota3A : vector<16xi32>
    tpu.vector_store_idx %arg7[%broadcast_in_dim3A_519, %add3A_523], %gather3A_518 : memref<32x416xf32, #tpu.memory_space<vmem>>[vector<16xi32>, vector<16xi32>], vector<16xf32>,
    %rem3A_524 = arith.constant 822 : i32
    %rem3A_525 = arith.constant 26 : i32
    %rem3A_526 = arith.remsi %rem3A_524, %rem3A_525 : i32
    %div3A_527 = arith.constant 822 : i32
    %div3A_528 = arith.constant 26 : i32
    %div3A_529 = arith.divsi %div3A_527, %div3A_528 : i32
    %slice3A_530 = vector.extract_strided_slice %get3A_404 {offsets = [6], sizes = [1], strides = [1]} : vector<16xi32> to vector<1xi32>
    %squeeze3A_531 = vector.extract %slice3A_530[0] : i32 from vector<1xi32>
    %rem3A_532 = arith.constant 128 : i32
    %rem3A_533 = arith.remsi %squeeze3A_531, %rem3A_532 : i32
    %add3A_534 = arith.constant 96 : i32
    %add3A_535 = vector.broadcast %add3A_534 : i32 to vector<16xi32>
    %add3A_536 = arith.addi %add3A_535, %iota3A : vector<16xi32>
    %broadcast_in_dim3A_537 = vector.broadcast %rem3A_533 : i32 to vector<16xi32>
    %gather3A_538 = tpu.vector_load_idx %arg6[%broadcast_in_dim3A, %add3A_536, %broadcast_in_dim3A_537] : memref<2x256x128xf32, #tpu.memory_space<vmem>>[vector<16xi32>, vector<16xi32>, vector<16xi32>], vector<16xf32>,
    %broadcast_in_dim3A_539 = vector.broadcast %div3A_529 : i32 to vector<16xi32>
    %mul3A_540 = arith.constant 16 : i32
    %mul3A_541 = arith.muli %rem3A_526, %mul3A_540 : i32
    %add3A_542 = vector.broadcast %mul3A_541 : i32 to vector<16xi32>
    %add3A_543 = arith.addi %add3A_542, %iota3A : vector<16xi32>
    tpu.vector_store_idx %arg7[%broadcast_in_dim3A_539, %add3A_543], %gather3A_538 : memref<32x416xf32, #tpu.memory_space<vmem>>[vector<16xi32>, vector<16xi32>], vector<16xf32>,
    %rem3A_544 = arith.constant 823 : i32
    %rem3A_545 = arith.constant 26 : i32
    %rem3A_546 = arith.remsi %rem3A_544, %rem3A_545 : i32
    %div3A_547 = arith.constant 823 : i32
    %div3A_548 = arith.constant 26 : i32
    %div3A_549 = arith.divsi %div3A_547, %div3A_548 : i32
    %slice3A_550 = vector.extract_strided_slice %get3A_404 {offsets = [7], sizes = [1], strides = [1]} : vector<16xi32> to vector<1xi32>
    %squeeze3A_551 = vector.extract %slice3A_550[0] : i32 from vector<1xi32>
    %rem3A_552 = arith.constant 128 : i32
    %rem3A_553 = arith.remsi %squeeze3A_551, %rem3A_552 : i32
    %add3A_554 = arith.constant 112 : i32
    %add3A_555 = vector.broadcast %add3A_554 : i32 to vector<16xi32>
    %add3A_556 = arith.addi %add3A_555, %iota3A : vector<16xi32>
    %broadcast_in_dim3A_557 = vector.broadcast %rem3A_553 : i32 to vector<16xi32>
    %gather3A_558 = tpu.vector_load_idx %arg6[%broadcast_in_dim3A, %add3A_556, %broadcast_in_dim3A_557] : memref<2x256x128xf32, #tpu.memory_space<vmem>>[vector<16xi32>, vector<16xi32>, vector<16xi32>], vector<16xf32>,
    %broadcast_in_dim3A_559 = vector.broadcast %div3A_549 : i32 to vector<16xi32>
    %mul3A_560 = arith.constant 16 : i32
    %mul3A_561 = arith.muli %rem3A_546, %mul3A_560 : i32
    %add3A_562 = vector.broadcast %mul3A_561 : i32 to vector<16xi32>
    %add3A_563 = arith.addi %add3A_562, %iota3A : vector<16xi32>
    tpu.vector_store_idx %arg7[%broadcast_in_dim3A_559, %add3A_563], %gather3A_558 : memref<32x416xf32, #tpu.memory_space<vmem>>[vector<16xi32>, vector<16xi32>], vector<16xf32>,
    %rem3A_564 = arith.constant 824 : i32
    %rem3A_565 = arith.constant 26 : i32
    %rem3A_566 = arith.remsi %rem3A_564, %rem3A_565 : i32
    %div3A_567 = arith.constant 824 : i32
    %div3A_568 = arith.constant 26 : i32
    %div3A_569 = arith.divsi %div3A_567, %div3A_568 : i32
    %slice3A_570 = vector.extract_strided_slice %get3A_404 {offsets = [8], sizes = [1], strides = [1]} : vector<16xi32> to vector<1xi32>
    %squeeze3A_571 = vector.extract %slice3A_570[0] : i32 from vector<1xi32>
    %rem3A_572 = arith.constant 128 : i32
    %rem3A_573 = arith.remsi %squeeze3A_571, %rem3A_572 : i32
    %add3A_574 = arith.constant 128 : i32
    %add3A_575 = vector.broadcast %add3A_574 : i32 to vector<16xi32>
    %add3A_576 = arith.addi %add3A_575, %iota3A : vector<16xi32>
    %broadcast_in_dim3A_577 = vector.broadcast %rem3A_573 : i32 to vector<16xi32>
    %gather3A_578 = tpu.vector_load_idx %arg6[%broadcast_in_dim3A, %add3A_576, %broadcast_in_dim3A_577] : memref<2x256x128xf32, #tpu.memory_space<vmem>>[vector<16xi32>, vector<16xi32>, vector<16xi32>], vector<16xf32>,
    %broadcast_in_dim3A_579 = vector.broadcast %div3A_569 : i32 to vector<16xi32>
    %mul3A_580 = arith.constant 16 : i32
    %mul3A_581 = arith.muli %rem3A_566, %mul3A_580 : i32
    %add3A_582 = vector.broadcast %mul3A_581 : i32 to vector<16xi32>
    %add3A_583 = arith.addi %add3A_582, %iota3A : vector<16xi32>
    tpu.vector_store_idx %arg7[%broadcast_in_dim3A_579, %add3A_583], %gather3A_578 : memref<32x416xf32, #tpu.memory_space<vmem>>[vector<16xi32>, vector<16xi32>], vector<16xf32>,
    %rem3A_584 = arith.constant 825 : i32
    %rem3A_585 = arith.constant 26 : i32
    %rem3A_586 = arith.remsi %rem3A_584, %rem3A_585 : i32
    %div3A_587 = arith.constant 825 : i32
    %div3A_588 = arith.constant 26 : i32
    %div3A_589 = arith.divsi %div3A_587, %div3A_588 : i32
    %slice3A_590 = vector.extract_strided_slice %get3A_404 {offsets = [9], sizes = [1], strides = [1]} : vector<16xi32> to vector<1xi32>
    %squeeze3A_591 = vector.extract %slice3A_590[0] : i32 from vector<1xi32>
    %rem3A_592 = arith.constant 128 : i32
    %rem3A_593 = arith.remsi %squeeze3A_591, %rem3A_592 : i32
    %add3A_594 = arith.constant 144 : i32
    %add3A_595 = vector.broadcast %add3A_594 : i32 to vector<16xi32>
    %add3A_596 = arith.addi %add3A_595, %iota3A : vector<16xi32>
    %broadcast_in_dim3A_597 = vector.broadcast %rem3A_593 : i32 to vector<16xi32>
    %gather3A_598 = tpu.vector_load_idx %arg6[%broadcast_in_dim3A, %add3A_596, %broadcast_in_dim3A_597] : memref<2x256x128xf32, #tpu.memory_space<vmem>>[vector<16xi32>, vector<16xi32>, vector<16xi32>], vector<16xf32>,
    %broadcast_in_dim3A_599 = vector.broadcast %div3A_589 : i32 to vector<16xi32>
    %mul3A_600 = arith.constant 16 : i32
    %mul3A_601 = arith.muli %rem3A_586, %mul3A_600 : i32
    %add3A_602 = vector.broadcast %mul3A_601 : i32 to vector<16xi32>
    %add3A_603 = arith.addi %add3A_602, %iota3A : vector<16xi32>
    tpu.vector_store_idx %arg7[%broadcast_in_dim3A_599, %add3A_603], %gather3A_598 : memref<32x416xf32, #tpu.memory_space<vmem>>[vector<16xi32>, vector<16xi32>], vector<16xf32>,
    %rem3A_604 = arith.constant 826 : i32
    %rem3A_605 = arith.constant 26 : i32
    %rem3A_606 = arith.remsi %rem3A_604, %rem3A_605 : i32
    %div3A_607 = arith.constant 826 : i32
    %div3A_608 = arith.constant 26 : i32
    %div3A_609 = arith.divsi %div3A_607, %div3A_608 : i32
    %slice3A_610 = vector.extract_strided_slice %get3A_404 {offsets = [10], sizes = [1], strides = [1]} : vector<16xi32> to vector<1xi32>
    %squeeze3A_611 = vector.extract %slice3A_610[0] : i32 from vector<1xi32>
    %rem3A_612 = arith.constant 128 : i32
    %rem3A_613 = arith.remsi %squeeze3A_611, %rem3A_612 : i32
    %add3A_614 = arith.constant 160 : i32
    %add3A_615 = vector.broadcast %add3A_614 : i32 to vector<16xi32>
    %add3A_616 = arith.addi %add3A_615, %iota3A : vector<16xi32>
    %broadcast_in_dim3A_617 = vector.broadcast %rem3A_613 : i32 to vector<16xi32>
    %gather3A_618 = tpu.vector_load_idx %arg6[%broadcast_in_dim3A, %add3A_616, %broadcast_in_dim3A_617] : memref<2x256x128xf32, #tpu.memory_space<vmem>>[vector<16xi32>, vector<16xi32>, vector<16xi32>], vector<16xf32>,
    %broadcast_in_dim3A_619 = vector.broadcast %div3A_609 : i32 to vector<16xi32>
    %mul3A_620 = arith.constant 16 : i32
    %mul3A_621 = arith.muli %rem3A_606, %mul3A_620 : i32
    %add3A_622 = vector.broadcast %mul3A_621 : i32 to vector<16xi32>
    %add3A_623 = arith.addi %add3A_622, %iota3A : vector<16xi32>
    tpu.vector_store_idx %arg7[%broadcast_in_dim3A_619, %add3A_623], %gather3A_618 : memref<32x416xf32, #tpu.memory_space<vmem>>[vector<16xi32>, vector<16xi32>], vector<16xf32>,
    %rem3A_624 = arith.constant 827 : i32
    %rem3A_625 = arith.constant 26 : i32
    %rem3A_626 = arith.remsi %rem3A_624, %rem3A_625 : i32
    %div3A_627 = arith.constant 827 : i32
    %div3A_628 = arith.constant 26 : i32
    %div3A_629 = arith.divsi %div3A_627, %div3A_628 : i32
    %slice3A_630 = vector.extract_strided_slice %get3A_404 {offsets = [11], sizes = [1], strides = [1]} : vector<16xi32> to vector<1xi32>
    %squeeze3A_631 = vector.extract %slice3A_630[0] : i32 from vector<1xi32>
    %rem3A_632 = arith.constant 128 : i32
    %rem3A_633 = arith.remsi %squeeze3A_631, %rem3A_632 : i32
    %add3A_634 = arith.constant 176 : i32
    %add3A_635 = vector.broadcast %add3A_634 : i32 to vector<16xi32>
    %add3A_636 = arith.addi %add3A_635, %iota3A : vector<16xi32>
    %broadcast_in_dim3A_637 = vector.broadcast %rem3A_633 : i32 to vector<16xi32>
    %gather3A_638 = tpu.vector_load_idx %arg6[%broadcast_in_dim3A, %add3A_636, %broadcast_in_dim3A_637] : memref<2x256x128xf32, #tpu.memory_space<vmem>>[vector<16xi32>, vector<16xi32>, vector<16xi32>], vector<16xf32>,
    %broadcast_in_dim3A_639 = vector.broadcast %div3A_629 : i32 to vector<16xi32>
    %mul3A_640 = arith.constant 16 : i32
    %mul3A_641 = arith.muli %rem3A_626, %mul3A_640 : i32
    %add3A_642 = vector.broadcast %mul3A_641 : i32 to vector<16xi32>
    %add3A_643 = arith.addi %add3A_642, %iota3A : vector<16xi32>
    tpu.vector_store_idx %arg7[%broadcast_in_dim3A_639, %add3A_643], %gather3A_638 : memref<32x416xf32, #tpu.memory_space<vmem>>[vector<16xi32>, vector<16xi32>], vector<16xf32>,
    %rem3A_644 = arith.constant 828 : i32
    %rem3A_645 = arith.constant 26 : i32
    %rem3A_646 = arith.remsi %rem3A_644, %rem3A_645 : i32
    %div3A_647 = arith.constant 828 : i32
    %div3A_648 = arith.constant 26 : i32
    %div3A_649 = arith.divsi %div3A_647, %div3A_648 : i32
    %slice3A_650 = vector.extract_strided_slice %get3A_404 {offsets = [12], sizes = [1], strides = [1]} : vector<16xi32> to vector<1xi32>
    %squeeze3A_651 = vector.extract %slice3A_650[0] : i32 from vector<1xi32>
    %rem3A_652 = arith.constant 128 : i32
    %rem3A_653 = arith.remsi %squeeze3A_651, %rem3A_652 : i32
    %add3A_654 = arith.constant 192 : i32
    %add3A_655 = vector.broadcast %add3A_654 : i32 to vector<16xi32>
    %add3A_656 = arith.addi %add3A_655, %iota3A : vector<16xi32>
    %broadcast_in_dim3A_657 = vector.broadcast %rem3A_653 : i32 to vector<16xi32>
    %gather3A_658 = tpu.vector_load_idx %arg6[%broadcast_in_dim3A, %add3A_656, %broadcast_in_dim3A_657] : memref<2x256x128xf32, #tpu.memory_space<vmem>>[vector<16xi32>, vector<16xi32>, vector<16xi32>], vector<16xf32>,
    %broadcast_in_dim3A_659 = vector.broadcast %div3A_649 : i32 to vector<16xi32>
    %mul3A_660 = arith.constant 16 : i32
    %mul3A_661 = arith.muli %rem3A_646, %mul3A_660 : i32
    %add3A_662 = vector.broadcast %mul3A_661 : i32 to vector<16xi32>
    %add3A_663 = arith.addi %add3A_662, %iota3A : vector<16xi32>
    tpu.vector_store_idx %arg7[%broadcast_in_dim3A_659, %add3A_663], %gather3A_658 : memref<32x416xf32, #tpu.memory_space<vmem>>[vector<16xi32>, vector<16xi32>], vector<16xf32>,
    %rem3A_664 = arith.constant 829 : i32
    %rem3A_665 = arith.constant 26 : i32
    %rem3A_666 = arith.remsi %rem3A_664, %rem3A_665 : i32
    %div3A_667 = arith.constant 829 : i32
    %div3A_668 = arith.constant 26 : i32
    %div3A_669 = arith.divsi %div3A_667, %div3A_668 : i32
    %slice3A_670 = vector.extract_strided_slice %get3A_404 {offsets = [13], sizes = [1], strides = [1]} : vector<16xi32> to vector<1xi32>
    %squeeze3A_671 = vector.extract %slice3A_670[0] : i32 from vector<1xi32>
    %rem3A_672 = arith.constant 128 : i32
    %rem3A_673 = arith.remsi %squeeze3A_671, %rem3A_672 : i32
    %add3A_674 = arith.constant 208 : i32
    %add3A_675 = vector.broadcast %add3A_674 : i32 to vector<16xi32>
    %add3A_676 = arith.addi %add3A_675, %iota3A : vector<16xi32>
    %broadcast_in_dim3A_677 = vector.broadcast %rem3A_673 : i32 to vector<16xi32>
    %gather3A_678 = tpu.vector_load_idx %arg6[%broadcast_in_dim3A, %add3A_676, %broadcast_in_dim3A_677] : memref<2x256x128xf32, #tpu.memory_space<vmem>>[vector<16xi32>, vector<16xi32>, vector<16xi32>], vector<16xf32>,
    %broadcast_in_dim3A_679 = vector.broadcast %div3A_669 : i32 to vector<16xi32>
    %mul3A_680 = arith.constant 16 : i32
    %mul3A_681 = arith.muli %rem3A_666, %mul3A_680 : i32
    %add3A_682 = vector.broadcast %mul3A_681 : i32 to vector<16xi32>
    %add3A_683 = arith.addi %add3A_682, %iota3A : vector<16xi32>
    tpu.vector_store_idx %arg7[%broadcast_in_dim3A_679, %add3A_683], %gather3A_678 : memref<32x416xf32, #tpu.memory_space<vmem>>[vector<16xi32>, vector<16xi32>], vector<16xf32>,
    %rem3A_684 = arith.constant 830 : i32
    %rem3A_685 = arith.constant 26 : i32
    %rem3A_686 = arith.remsi %rem3A_684, %rem3A_685 : i32
    %div3A_687 = arith.constant 830 : i32
    %div3A_688 = arith.constant 26 : i32
    %div3A_689 = arith.divsi %div3A_687, %div3A_688 : i32
    %slice3A_690 = vector.extract_strided_slice %get3A_404 {offsets = [14], sizes = [1], strides = [1]} : vector<16xi32> to vector<1xi32>
    %squeeze3A_691 = vector.extract %slice3A_690[0] : i32 from vector<1xi32>
    %rem3A_692 = arith.constant 128 : i32
    %rem3A_693 = arith.remsi %squeeze3A_691, %rem3A_692 : i32
    %add3A_694 = arith.constant 224 : i32
    %add3A_695 = vector.broadcast %add3A_694 : i32 to vector<16xi32>
    %add3A_696 = arith.addi %add3A_695, %iota3A : vector<16xi32>
    %broadcast_in_dim3A_697 = vector.broadcast %rem3A_693 : i32 to vector<16xi32>
    %gather3A_698 = tpu.vector_load_idx %arg6[%broadcast_in_dim3A, %add3A_696, %broadcast_in_dim3A_697] : memref<2x256x128xf32, #tpu.memory_space<vmem>>[vector<16xi32>, vector<16xi32>, vector<16xi32>], vector<16xf32>,
    %broadcast_in_dim3A_699 = vector.broadcast %div3A_689 : i32 to vector<16xi32>
    %mul3A_700 = arith.constant 16 : i32
    %mul3A_701 = arith.muli %rem3A_686, %mul3A_700 : i32
    %add3A_702 = vector.broadcast %mul3A_701 : i32 to vector<16xi32>
    %add3A_703 = arith.addi %add3A_702, %iota3A : vector<16xi32>
    tpu.vector_store_idx %arg7[%broadcast_in_dim3A_699, %add3A_703], %gather3A_698 : memref<32x416xf32, #tpu.memory_space<vmem>>[vector<16xi32>, vector<16xi32>], vector<16xf32>,
    %rem3A_704 = arith.constant 831 : i32
    %rem3A_705 = arith.constant 26 : i32
    %rem3A_706 = arith.remsi %rem3A_704, %rem3A_705 : i32
    %div3A_707 = arith.constant 831 : i32
    %div3A_708 = arith.constant 26 : i32
    %div3A_709 = arith.divsi %div3A_707, %div3A_708 : i32
    %slice3A_710 = vector.extract_strided_slice %get3A_404 {offsets = [15], sizes = [1], strides = [1]} : vector<16xi32> to vector<1xi32>
    %squeeze3A_711 = vector.extract %slice3A_710[0] : i32 from vector<1xi32>
    %rem3A_712 = arith.constant 128 : i32
    %rem3A_713 = arith.remsi %squeeze3A_711, %rem3A_712 : i32
    %add3A_714 = arith.constant 240 : i32
    %add3A_715 = vector.broadcast %add3A_714 : i32 to vector<16xi32>
    %add3A_716 = arith.addi %add3A_715, %iota3A : vector<16xi32>
    %broadcast_in_dim3A_717 = vector.broadcast %rem3A_713 : i32 to vector<16xi32>
    %gather3A_718 = tpu.vector_load_idx %arg6[%broadcast_in_dim3A, %add3A_716, %broadcast_in_dim3A_717] : memref<2x256x128xf32, #tpu.memory_space<vmem>>[vector<16xi32>, vector<16xi32>, vector<16xi32>], vector<16xf32>,
    %broadcast_in_dim3A_719 = vector.broadcast %div3A_709 : i32 to vector<16xi32>
    %mul3A_720 = arith.constant 16 : i32
    %mul3A_721 = arith.muli %rem3A_706, %mul3A_720 : i32
    %add3A_722 = vector.broadcast %mul3A_721 : i32 to vector<16xi32>
    %add3A_723 = arith.addi %add3A_722, %iota3A : vector<16xi32>
    tpu.vector_store_idx %arg7[%broadcast_in_dim3A_719, %add3A_723], %gather3A_718 : memref<32x416xf32, #tpu.memory_space<vmem>>[vector<16xi32>, vector<16xi32>], vector<16xf32>,
    %mul3A_724 = arith.constant 32 : i32
    %mul3A_725 = arith.muli %add3A, %mul3A_724 : i32
    "tpu.region"() ({
      %run_scoped3A = tpu.sem_alloc : memref<!tpu.dma_semaphore, #tpu.memory_space<semaphore_mem>>
      %dma_start3A_726 = arith.constant 0 : i32
      %dma_start3A_727 = tpu.memref_slice %arg4[%mul3A_725, %dma_start3A_726] : memref<1024x416xf32, #tpu.memory_space<hbm>> -> memref<32x416xf32, #tpu.memory_space<hbm>>
      %dma_start3A_728 = arith.constant 0 : i32
      %dma_start3A_729 = tpu.memref_slice %arg4[%mul3A_725, %dma_start3A_728] : memref<1024x416xf32, #tpu.memory_space<hbm>> -> memref<32x416xf32, #tpu.memory_space<hbm>>
      tpu.enqueue_dma source(%arg7 : memref<32x416xf32, #tpu.memory_space<vmem>>) target(%dma_start3A_729 : memref<32x416xf32, #tpu.memory_space<hbm>>) target_semaphore(%run_scoped3A : memref<!tpu.dma_semaphore, #tpu.memory_space<semaphore_mem>>)
      %dma_wait3A_730 = arith.constant 0 : i32
      %dma_wait3A_731 = tpu.memref_slice %arg4[%mul3A_725, %dma_wait3A_730] : memref<1024x416xf32, #tpu.memory_space<hbm>> -> memref<32x416xf32, #tpu.memory_space<hbm>>
      %dma_wait3A_732 = arith.constant 0 : i32
      %dma_wait3A_733 = tpu.memref_slice %arg4[%mul3A_725, %dma_wait3A_732] : memref<1024x416xf32, #tpu.memory_space<hbm>> -> memref<32x416xf32, #tpu.memory_space<hbm>>
      tpu.wait_dma2 semaphore(%run_scoped3A : memref<!tpu.dma_semaphore, #tpu.memory_space<semaphore_mem>>) src(%arg7 : memref<32x416xf32, #tpu.memory_space<vmem>>) dst(%dma_wait3A_733 : memref<32x416xf32, #tpu.memory_space<hbm>>)
      tpu.yield
    }) : () -> ()
    return
  }
}

</mosaic_0001>

<sc_bundles>
// kernel: emb_slab_gather.3.cloned.1.call-start
scs
__scs_entry_jumppad:
0x0: {  	(pc) =	sbr.rel $0x88, $3  }
0x1: {  	(tag) =	ssettag $0x0;
	lr =	simm.s32 $0x1  }
0x2: {  	[smem:$0x3F9F] =	sst lr;
	_ =	strace $0xD0000000  }
0x3: {  	_ = 	snop  }
0x4: {  	_ = 	snop  }
0x5: {  	_ = 	snop  }
0x6: {  	_ = 	snop  }
0x7: {  	_ = 	snop  }
__scs_overlays_trampoline_lowered:
0x8: {  	[smem:$0x3FAE] =	sst s0  }
0x9: {  	[smem:$0x3FAF] =	sst s1  }
0xa: {  	[smem:$0x3FB0] =	sst s2  }
0xb: {  	[smem:$0x3FB1] =	sst s3  }
0xc: {  	[smem:$0x3FB2] =	sst s4  }
0xd: {  	[smem:$0x3FB3] =	sst s5  }
0xe: {  	[smem:$0x3FB4] =	sst s6  }
0xf: {  	[smem:$0x3FB5] =	sst s7  }
0x10: {  	[smem:$0x3FB6] =	sst s8  }
0x11: {  	[smem:$0x3FB7] =	sst s9;
	s0 =	simm.s32 @!p0 $0x0  }
0x12: {  	s1 =	sld [smem:$0x3F9D];
	s0 =	simm.s32 @p0 $0x1  }
0x13: {  	[smem:$0x3FB8] =	sst s0;
	s0 =	simm.s32 @!p1 $0x0  }
0x14: {  	s2 =	sld [smem:$0x3F9C];
	s0 =	simm.s32 @p1 $0x1  }
0x15: {  	[smem:$0x3FB9] =	sst s0;
	s0 =	simm.s32 @!p2 $0x0  }
0x16: {  	s3 =	sld [smem:$0x3FDB];
	s0 =	simm.s32 @p2 $0x1  }
0x17: {  	s4 =	simm.s32 $0x1BF5;
	[smem:$0x3FBB] =	sst s0  }
0x18: {  	s0 =	sld [smem:$0x3F9E];
	_ =	swait.ge [sflag:s4], $0x0  }
0x19: {  	s7 =	sld [smem:$0x3F9F]  }
0x1a: {  	s8 =	sadd.s32 $0xFFFFE003, lr  }
0x1b: {  	s9 =	sadd.s32 $0xFFFFFEF7, lr;
	s5 =	simm.s32 $0xFFFFFFFF;
	p2 =	slt.u32 s8, $0xFFFFF086  }
0x1c: {  	p1 =	slt.u32 s9, $0xF7A;
	s5 =	simm.s32 @!p2 $0x0  }
0x1d: {  	s5 =	simm.s32 @p1 $0x1;
	p0 =	seq.s32 s7, s2  }
0x1e: {  	s7 =	smul.u32 @!p0 $0xF7A, s2;
	p2 =	seq.s32 @!p0 s5, $0x0  }
0x1f: {  	s9 =	smul.u32 $0xF7A, s1;
	s8 =	simm.s32 @!p0 $0x1BF5;
	p2 =	por !p2, p0  }
0x20: {  	[sflag:s8] =	ssyncset.s32 @!p0 $0xFFFFF086;
	s6 =	sadd.s32 @!p0 s3, s7;
	s7 =	simm.s32 @!p0 $0x108  }
0x21: {  	s3 =	sadd.s32 s3, s9;
	s6 =	sadd.s32 @!p0 $0x88, s6;
	s7 =	simm.s32 @p2 $0x1082  }
0x22: {  	[simem:s7], [sflag:s8] =	dma.local @!p0 [hbm:s6], $0xF7A  }
0x23: {  	s9 =	sor.u32 $0xD0000000, s2;
	s6 =	simm.s32 $0x108;
	_ =	swait.ge @!p0 [sflag:s8], $0x0  }
0x24: {  	s3 =	sadd.s32 $0x88, s3;
	s6 =	simm.s32 @!p1 $0x1082;
	[sflag:s4] =	ssyncset.s32 $0xFFFFF086  }
0x25: {  	[simem:s6], [sflag:s4] =	dma.local [hbm:s3], $0xF7A  }
0x26: {  	[smem:$0x3F9F] =	sst s1;
	(tag) =	ssettag s2;
	_ =	strace s9  }
0x27: {  	s1 =	sld [smem:$0x3FAF]  }
0x28: {  	s2 =	sld [smem:$0x3FB0]  }
0x29: {  	s4 =	sld [smem:$0x3FB2]  }
0x2a: {  	p0 =	seq.s32 s5, $0x0;
	s5 =	sld [smem:$0x3FB3]  }
0x2b: {  	s6 =	sld [smem:$0x3FB4]  }
0x2c: {  	s7 =	sld [smem:$0x3FB5]  }
0x2d: {  	s3 =	simm.s32 $0x108;
	s8 =	sld [smem:$0x3FB6]  }
0x2e: {  	s3 =	simm.s32 @!p0 $0x1082;
	s9 =	sld [smem:$0x3FB7]  }
0x2f: {  	lr =	sadd.s32 s0, s3;
	s0 =	sld [smem:$0x3FAE]  }
0x30: {  	s3 =	sld [smem:$0x3FB1]  }
0x31: {  	[smem:$0x3FBA] =	sst s10  }
0x32: {  	s10 =	sld [smem:$0x3FB8];
	_ =	sdelay $0x3  }
0x33: {  	p0 =	seq.s32 s10, $0x1;
	s10 =	sld [smem:$0x3FBA];
	_ =	sdelay $0x3  }
0x34: {  	[smem:$0x3FBA] =	sst s10  }
0x35: {  	s10 =	sld [smem:$0x3FB9];
	_ =	sdelay $0x3  }
0x36: {  	p1 =	seq.s32 s10, $0x1;
	s10 =	sld [smem:$0x3FBA];
	_ =	sdelay $0x3  }
0x37: {  	[smem:$0x3FBA] =	sst s10  }
0x38: {  	s10 =	sld [smem:$0x3FBB]  }
0x39: {  	_ = 	snop;
	(pc) =	sbr.ind lr, $3  }
0x3a: {  	_ = 	snop  }
0x3b: {  	_ = 	snop  }
0x3c: {  	p2 =	seq.s32 s10, $0x1;
	s10 =	sld [smem:$0x3FBA]  }
0x3d: {  	_ =	shalt  }
0x3e: {  	_ =	shalt  }
0x3f: {  	_ =	shalt  }
0x40: {  	_ =	shalt  }
0x41: {  	_ =	shalt  }
0x42: {  	_ =	shalt  }
0x43: {  	_ =	shalt  }
0x44: {  	_ =	shalt  }
0x45: {  	_ =	shalt  }
0x46: {  	_ =	shalt  }
0x47: {  	_ =	shalt  }
0x48: {  	_ =	shalt  }
0x49: {  	_ =	shalt  }
0x4a: {  	_ =	shalt  }
0x4b: {  	_ =	shalt  }
0x4c: {  	_ =	shalt  }
0x4d: {  	_ =	shalt  }
0x4e: {  	_ =	shalt  }
0x4f: {  	_ =	shalt  }
0x50: {  	_ =	shalt  }
0x51: {  	_ =	shalt  }
0x52: {  	_ =	shalt  }
0x53: {  	_ =	shalt  }
0x54: {  	_ =	shalt  }
0x55: {  	_ =	shalt  }
0x56: {  	_ =	shalt  }
0x57: {  	_ =	shalt  }
0x58: {  	_ =	shalt  }
0x59: {  	_ =	shalt  }
0x5a: {  	_ =	shalt  }
0x5b: {  	_ =	shalt  }
0x5c: {  	_ =	shalt  }
0x5d: {  	_ =	shalt  }
0x5e: {  	_ =	shalt  }
0x5f: {  	_ =	shalt  }
0x60: {  	_ =	shalt  }
0x61: {  	_ =	shalt  }
0x62: {  	_ =	shalt  }
0x63: {  	_ =	shalt  }
0x64: {  	_ =	shalt  }
0x65: {  	_ =	shalt  }
0x66: {  	_ =	shalt  }
0x67: {  	_ =	shalt  }
0x68: {  	_ =	shalt  }
0x69: {  	_ =	shalt  }
0x6a: {  	_ =	shalt  }
0x6b: {  	_ =	shalt  }
0x6c: {  	_ =	shalt  }
0x6d: {  	_ =	shalt  }
0x6e: {  	_ =	shalt  }
0x6f: {  	_ =	shalt  }
0x70: {  	_ =	shalt  }
0x71: {  	_ =	shalt  }
0x72: {  	_ =	shalt  }
0x73: {  	_ =	shalt  }
0x74: {  	_ =	shalt  }
0x75: {  	_ =	shalt  }
0x76: {  	_ =	shalt  }
0x77: {  	_ =	shalt  }
0x78: {  	_ =	shalt  }
0x79: {  	_ =	shalt  }
0x7a: {  	_ =	shalt  }
0x7b: {  	_ =	shalt  }
0x7c: {  	_ =	shalt  }
0x7d: {  	_ =	shalt  }
0x7e: {  	_ =	shalt  }
0x7f: {  	_ =	shalt  }
0x80: {  	_ =	shalt  }
0x81: {  	_ =	shalt  }
0x82: {  	_ =	shalt  }
0x83: {  	_ =	shalt  }
0x84: {  	_ =	shalt  }
0x85: {  	_ =	shalt  }
0x86: {  	_ =	shalt  }
0x87: {  	_ =	shalt  }
.Lfunc_end0:
.L_simem_size_0:
called_computation_lowered:
.L_overlay_start_0:
0x88: {  	s2 =	sld [smem:$0x3FD9]  }
0x89: {  	s3 =	sld [smem:$0x3FFE];
	_ =	sdelay $0x1  }
0x8a: {  	s1 =	srdreg.scid  }
0x8b: {  	s0 =	sand.u32 $0x1, s1  }
0x8c: {  	s17 =	sshll.u32 s0, $0xA;
	s2 =	sadd.s32 s3, s2  }
0x8d: {  	s2 =	sadd.s32 s2, s17  }
0x8e: {  	[smem:$0x3FC6] =	sst s2  }
0x8f: {  	_ = 	snop  }
0x90: {  	s2 =	sld [smem:$0x3FC9]  }
0x91: {  	s18 =	sld [smem:$0x3FC8];
	(tm) =	ssettm $0x1  }
0x92: {  	s4 =	sld [smem:$0x3FFB];
	_ =	sdelay $0x3  }
0x93: {  	_ =	strace s4  }
0x94: {  	s4 =	sld [smem:$0x3FFC];
	_ =	sdelay $0x3  }
0x95: {  	_ =	strace s4  }
0x96: {  	s4 =	sld [smem:$0x3FFD];
	_ =	sdelay $0x3  }
0x97: {  	_ =	strace s4  }
0x98: {  	_ =	strace $0x8FFFFFFF  }
0x99: {  	s19 =	sld [smem:$0x3FDB];
	_ =	sdelay $0x1  }
0x9a: {  	s5 =	simm.s32 $_scs_section_size  }
0x9b: {  	s6 =	simm.s32 $_size__tile_overlayer_lowered;
	s7 =	simm.s32 $_tile_overlayer_lowered  }
0x9c: {  	s22 =	simm.s32 $0x1BFF;
	s21 =	sshll.u32 s7, $0x1;
	s4 =	sadd.s32 s5, s19  }
0x9d: {  	s8 =	simm.s32 $0x0;
	s20 =	sshll.u32 s6, $0x1;
	s6 =	sadd.s32 s21, s4  }
0x9e: {  	[timem:s8], [sflag:s22] =	dma.local [hbm:s6], s20  }
0x9f: {  	_ =	swait.ge [sflag:s22], s20  }
0xa0: {  	s5 =	ssub.s32 $0x0, s20;
	[sflag:s22] =	ssyncset.done $0x0  }
0xa1: {  	[sflag:s22] =	ssyncadd.s32 s5;
	_ =	sdelay $0x1  }
0xa2: {  	s23 =	simm.s32 $0x1B8B  }
0xa3: {  	_ =	swait.ge [sflag:s23], $0x1  }
0xa4: {  	[sflag:s23] =	ssyncset.done $0x0  }
0xa5: {  	s25 =	simm.s32 $0x1B8E;
	s24 =	sld [smem:$0x3FFE];
	[sflag:s23] =	ssyncadd.s32 $0xFFFFFFFF  }
0xa6: {  	s26 =	simm.s32 $execute0_lowered;
	[smem:$0x3FD2] =	sst s25  }
0xa7: {  	s6 =	sshll.u32 s26, $0x1;
	_ =	strace $0x80000046;
	[dreg:$0x1] =	wrdreg $0xFFFFFFFF  }
0xa8: {  	s28 =	simm.s32 $_size_execute0_lowered;
	s4 =	sadd.s32 s4, s6;
	[dreg:$0x0] =	wrdreg $0x0  }
0xa9: {  	s6 =	sshll.u32 s28, $0x1;
	[dreg:$0x2] =	wrdreg s4  }
0xaa: {  	[dreg:$0x3] =	wrdreg s6  }
0xab: {  	[dreg:$0x4] =	wrdreg $0xC0  }
0xac: {  	_ =	task [dreg:s8], $0x5FFFF  }
0xad: {  	[dreg:$0x1] =	wrdreg $0xFFFFFFFF  }
0xae: {  	[dreg:$0x0] =	wrdreg $0x60  }
0xaf: {  	[dreg:$0x2] =	wrdreg s2  }
0xb0: {  	[dreg:$0x3] =	wrdreg s18  }
0xb1: {  	[dreg:$0x4] =	wrdreg s24  }
0xb2: {  	[dreg:$0x5] =	wrdreg $0x9  }
0xb3: {  	_ =	task.clear_ibuf [dreg:s8], $0x6FFFF;
	_ =	strace $0x90000046  }
0xb4: {  	s29 =	simm.s32 $0x9;
	_ =	strace $0x80000048  }
0xb5: {  	_ =	swait.ge [sflag:s29], $0x1  }
0xb6: {  	[sflag:s29] =	ssyncadd.s32 $0xFFFFFFFF  }
0xb7: {  	_ =	strace $0x90000048  }
0xb8: {  	_ =	sfence  }
0xb9: {  	s30 =	sld [smem:$0x0];
	_ =	sdelay $0x2  }
0xba: {  	s31 =	sshll.u32 s1, $0xD;
	s1 =	sshrl.u32 s1, $0x2  }
0xbb: {  	s3 =	sand.u32 $0x4000, s31;
	s1 =	sadd.s32 s1, s30  }
0xbc: {  	s0 =	sor.u32 s3, s0;
	s1 =	sshll.u32 s1, $0x11  }
0xbd: {  	s0 =	sor.u32 s1, s0  }
0xbe: {  	s0 =	sadd.s32 $0x8F2B, s0  }
0xbf: {  	[sflag:s0] =	ssyncadd.remote.s32 $0x1  }
0xc0: {  	_ =	sfence.sel $0xFFFF  }
0xc1: {  	[dreg:$0x0] =	wrdreg $0xFFFFFFFF;
	(pc) =	sbr.abs _section_cstart, $3  }
0xc2: {  	[dreg:$0x1] =	wrdreg $0xFFFFFFFF  }
0xc3: {  	_ =	task.clear_ibuf [dreg:s8], $0x2FFFF;
	_ =	strace $0x9FFFFFFF  }
0xc4: {  	(tm) =	ssettm $0x7FFFFFFF  }
0xc5: {  	_ =	shalt  }
tec
execute0_lowered:
.L_overlay_start_1:
0x0: {  	(tag) =	ssettag $0x1  }
0x1: {  	v0 =	vlaneseq.u32  }
0x2: {  	v1 =	vmul.u32 $0x80, v0  }
0x3: {  	v18 =	vor.u32 $0x37A0, v0;
	v20 =	vor.u32 $0x37B0, v0;
	v22 =	vor.u32 $0x37C0, v0  }
0x4: {  	s1 =	rddreg [dreg:$0x0];
	v24 =	vor.u32 $0x37D0, v0;
	v26 =	vor.u32 $0x37E0, v0;
	v28 =	vor.u32 $0x37F0, v0  }
0x5: {  	s0 =	rddreg [dreg:$0x1];
	v30 =	vor.u32 $0x3B80, v0;
	v32 =	vor.u32 $0x3B90, v0;
	v34 =	vor.u32 $0x3BA0, v0  }
0x6: {  	s2 =	srdreg.scid;
	s3 =	stileid.u32;
	v36 =	vor.u32 $0x3BB0, v0;
	v38 =	vor.u32 $0x3BC0, v0;
	v40 =	vor.u32 $0x3BD0, v0  }
0x7: {  	s4 =	rddreg [dreg:$0x2];
	s8 =	simm.s32 $0x400;
	s9 =	simm.s32 $0xC3800;
	v42 =	vor.u32 $0x3BE0, v0;
	v2 =	vor.u32 $0x800, v1;
	v3 =	vor.u32 $0x1000, v1  }
0x8: {  	s10 =	simm.s32 $0x380;
	s19 =	simm.s32 $0x4B80;
	s20 =	simm.s32 $0x5380;
	v4 =	vor.u32 $0x1800, v1;
	v5 =	vor.u32 $0x2000, v1;
	v6 =	vor.u32 $0x2800, v1  }
0x9: {  	s21 =	simm.s32 $0x5B80;
	s22 =	simm.s32 $0x6380;
	s23 =	simm.s32 $0x6B80;
	v7 =	vor.u32 $0x3000, v1;
	v8 =	vor.u32 $0x3800, v1;
	v9 =	vor.u32 $0x4000, v1  }
0xa: {  	s24 =	simm.s32 $0x7380;
	s25 =	simm.s32 $0x7B80;
	s26 =	simm.s32 $0x1;
	v10 =	vor.u32 $0x4800, v1;
	v11 =	vor.u32 $0x5000, v1;
	v12 =	vor.u32 $0x5800, v1  }
0xb: {  	s28 =	simm.s32 $0x10380;
	s2 =	sand.u32 $0x1, s2;
	s5 =	sshll.u32 s3, $0x1;
	v13 =	vor.u32 $0x6000, v1;
	v14 =	vor.u32 $0x6800, v1;
	v15 =	vor.u32 $0x7000, v1  }
0xc: {  	s29 =	simm.s32 $0x0;
	s3 =	simm.s32 $0x0;
	s5 =	sor.u32 s2, s5;
	v16 =	vor.u32 $0x7800, v1;
	v17 =	vor.u32 $0x8000, v1;
	v19 =	vor.u32 $0x8800, v1  }
0xd: {  	[smem:$0x7FF] =	sst s3;
	s2 =	ssub.s32 $0x2, s2;
	s6 =	smul.u32 $0x68, s5;
	v21 =	vor.u32 $0x9000, v1;
	v23 =	vor.u32 $0x9800, v1;
	v25 =	vor.u32 $0xA000, v1  }
0xe: {  	_ =	strace $0x80000047;
	s5 =	sshll.u32 s5, $0xB;
	s7 =	sshrl.u32 s2, $0x1;
	v27 =	vor.u32 $0xA800, v1;
	v29 =	vor.u32 $0xB000, v1;
	v31 =	vor.u32 $0xB800, v1  }
0xf: {  	v33 =	vor.u32 $0xC000, v1;
	v35 =	vor.u32 $0xC800, v1;
	v37 =	vor.u32 $0xD000, v1;
	s5 =	sadd.s32 s5, s4;
	s2 =	ssub.s32 s2, s7;
	s7 =	simm.s32 $0x2  }
0x10: {  	v39 =	vor.u32 $0xD800, v1;
	v41 =	vor.u32 $0xE000, v1;
	v43 =	vor.u32 $0xE800, v1;
	s4 =	sadd.s32 s0, s6;
	s5 =	sadd.s32 $0x400, s5;
	s6 =	smax.u32 s2, $0x1  }
.LBB2_1:
0x11: {  	[tilespmem:s3], [sflag:$0x2] =	stream.linear.gather [hbm4b:s4+s3], $0x340, $0x38;
	[tilespmem:$0x14380] =	vst v63  }
0x12: {  	_ =	swait.ge [sflag:s7], $0x340  }
0x13: {  	[sflag:s7] =	ssyncset.done $0x0  }
0x14: {  	[sflag:s7] =	ssyncadd.s32 $0xFFFFFCC0  }
0x15: {  	v44 =	vld [tilespmem:$0x0];
	_ =	sdelay $0x4  }
0x16: {  	(v2sf) =	vpush v44, $0x0;
	_ =	sdelay $0x3  }
0x17: {  	(v2sf) =	vpush v44, $0x1;
	_ =	sdelay $0xa  }
0x18: {  	s0 =	spop (v2sf);
	(v2sf) =	vpush v44, $0x2;
	_ =	sdelay $0x1  }
0x19: {  	s2 =	sshra.s32 s0, $0x1F  }
0x1a: {  	s2 =	sshrl.u32 s2, $0x19  }
0x1b: {  	s13 =	spop (v2sf);
	s0 =	sadd.s32 s2, s0  }
0x1c: {  	s14 =	sshra.s32 s13, $0x1F;
	s0 =	sand.u32 $0x1FFFFF80, s0  }
0x1d: {  	(v2sf) =	vpush v44, $0x3;
	s2 =	sshrl.u32 s14, $0x19;
	s0 =	sadd.s32 s1, s0  }
0x1e: {  	[tilespmem:s10], [sflag:$0x1] =	stream.strided.gather [hbm4b:s0+s8], $0x800, s9, s8, $0x38;
	[tilespmem:$0x14380] =	vst v63  }
0x1f: {  	s0 =	sadd.s32 s2, s13  }
0x20: {  	s0 =	sshll.u32 s0, $0x3  }
0x21: {  	s0 =	sand.u32 $0xFFFFFC00, s0  }
0x22: {  	s0 =	sadd.s32 $0x187000, s0  }
0x23: {  	s0 =	sshrl.u32 s0, $0x3  }
0x24: {  	s15 =	simm.s32 $0xB80;
	s0 =	sadd.s32 s1, s0  }
0x25: {  	[tilespmem:s15], [sflag:$0x1] =	stream.strided.gather [hbm4b:s0+s8], $0x800, s9, s8, $0x38;
	[tilespmem:$0x14380] =	vst v63  }
0x26: {  	s16 =	spop (v2sf)  }
0x27: {  	s17 =	sshra.s32 s16, $0x1F  }
0x28: {  	(v2sf) =	vpush v44, $0x4;
	s2 =	sshrl.u32 s17, $0x19  }
0x29: {  	s0 =	sadd.s32 s2, s16  }
0x2a: {  	s0 =	sshll.u32 s0, $0x3  }
0x2b: {  	s0 =	sand.u32 $0xFFFFFC00, s0  }
0x2c: {  	s11 =	spop (v2sf);
	s0 =	sadd.s32 $0x30E000, s0  }
0x2d: {  	s12 =	sshra.s32 s11, $0x1F;
	s0 =	sshrl.u32 s0, $0x3  }
0x2e: {  	s18 =	simm.s32 $0x1380;
	(v2sf) =	vpush v44, $0x5;
	s2 =	sshrl.u32 s12, $0x19;
	s0 =	sadd.s32 s1, s0  }
0x2f: {  	[tilespmem:s18], [sflag:$0x1] =	stream.strided.gather [hbm4b:s0+s8], $0x800, s9, s8, $0x38;
	[tilespmem:$0x14380] =	vst v63  }
0x30: {  	s0 =	sadd.s32 s2, s11  }
0x31: {  	s0 =	sshll.u32 s0, $0x3  }
0x32: {  	s0 =	sand.u32 $0xFFFFFC00, s0  }
0x33: {  	s0 =	sadd.s32 $0x495000, s0  }
0x34: {  	s0 =	sshrl.u32 s0, $0x3  }
0x35: {  	s13 =	simm.s32 $0x1B80;
	s0 =	sadd.s32 s1, s0  }
0x36: {  	[tilespmem:s13], [sflag:$0x1] =	stream.strided.gather [hbm4b:s0+s8], $0x800, s9, s8, $0x38;
	[tilespmem:$0x14380] =	vst v63  }
0x37: {  	s14 =	spop (v2sf)  }
0x38: {  	s15 =	sshra.s32 s14, $0x1F  }
0x39: {  	(v2sf) =	vpush v44, $0x6;
	s2 =	sshrl.u32 s15, $0x19  }
0x3a: {  	s0 =	sadd.s32 s2, s14  }
0x3b: {  	s0 =	sshll.u32 s0, $0x3  }
0x3c: {  	s0 =	sand.u32 $0xFFFFFC00, s0  }
0x3d: {  	s17 =	spop (v2sf);
	s0 =	sadd.s32 $0x61C000, s0  }
0x3e: {  	s18 =	sshra.s32 s17, $0x1F;
	s0 =	sshrl.u32 s0, $0x3  }
0x3f: {  	s16 =	simm.s32 $0x2380;
	(v2sf) =	vpush v44, $0x7;
	s2 =	sshrl.u32 s18, $0x19;
	s0 =	sadd.s32 s1, s0  }
0x40: {  	[tilespmem:s16], [sflag:$0x1] =	stream.strided.gather [hbm4b:s0+s8], $0x800, s9, s8, $0x38;
	[tilespmem:$0x14380] =	vst v63  }
0x41: {  	s0 =	sadd.s32 s2, s17  }
0x42: {  	s0 =	sshll.u32 s0, $0x3  }
0x43: {  	s0 =	sand.u32 $0xFFFFFC00, s0  }
0x44: {  	s0 =	sadd.s32 $0x7A3000, s0  }
0x45: {  	s0 =	sshrl.u32 s0, $0x3  }
0x46: {  	s11 =	simm.s32 $0x2B80;
	s0 =	sadd.s32 s1, s0  }
0x47: {  	[tilespmem:s11], [sflag:$0x1] =	stream.strided.gather [hbm4b:s0+s8], $0x800, s9, s8, $0x38;
	[tilespmem:$0x14380] =	vst v63  }
0x48: {  	s12 =	spop (v2sf)  }
0x49: {  	s13 =	sshra.s32 s12, $0x1F  }
0x4a: {  	(v2sf) =	vpush v44, $0x8;
	s2 =	sshrl.u32 s13, $0x19  }
0x4b: {  	s0 =	sadd.s32 s2, s12  }
0x4c: {  	s0 =	sshll.u32 s0, $0x3  }
0x4d: {  	s0 =	sand.u32 $0xFFFFFC00, s0  }
0x4e: {  	s15 =	spop (v2sf);
	s0 =	sadd.s32 $0x92A000, s0  }
0x4f: {  	s16 =	sshra.s32 s15, $0x1F;
	s0 =	sshrl.u32 s0, $0x3  }
0x50: {  	s14 =	simm.s32 $0x3380;
	(v2sf) =	vpush v44, $0x9;
	s2 =	sshrl.u32 s16, $0x19;
	s0 =	sadd.s32 s1, s0  }
0x51: {  	[tilespmem:s14], [sflag:$0x1] =	stream.strided.gather [hbm4b:s0+s8], $0x800, s9, s8, $0x38;
	[tilespmem:$0x14380] =	vst v63  }
0x52: {  	s0 =	sadd.s32 s2, s15  }
0x53: {  	s0 =	sshll.u32 s0, $0x3  }
0x54: {  	s0 =	sand.u32 $0xFFFFFC00, s0  }
0x55: {  	s0 =	sadd.s32 $0xAB1000, s0  }
0x56: {  	s0 =	sshrl.u32 s0, $0x3  }
0x57: {  	s17 =	simm.s32 $0x3B80;
	s0 =	sadd.s32 s1, s0  }
0x58: {  	[tilespmem:s17], [sflag:$0x1] =	stream.strided.gather [hbm4b:s0+s8], $0x800, s9, s8, $0x38;
	[tilespmem:$0x14380] =	vst v63  }
0x59: {  	s18 =	spop (v2sf)  }
0x5a: {  	s11 =	sshra.s32 s18, $0x1F  }
0x5b: {  	(v2sf) =	vpush v44, $0xA;
	s2 =	sshrl.u32 s11, $0x19  }
0x5c: {  	s0 =	sadd.s32 s2, s18  }
0x5d: {  	s0 =	sshll.u32 s0, $0x3  }
0x5e: {  	s0 =	sand.u32 $0xFFFFFC00, s0  }
0x5f: {  	s13 =	spop (v2sf);
	s0 =	sadd.s32 $0xC38000, s0  }
0x60: {  	s14 =	sshra.s32 s13, $0x1F;
	s0 =	sshrl.u32 s0, $0x3  }
0x61: {  	s12 =	simm.s32 $0x4380;
	(v2sf) =	vpush v44, $0xB;
	s2 =	sshrl.u32 s14, $0x19;
	s0 =	sadd.s32 s1, s0  }
0x62: {  	[tilespmem:s12], [sflag:$0x1] =	stream.strided.gather [hbm4b:s0+s8], $0x800, s9, s8, $0x38;
	[tilespmem:$0x14380] =	vst v63  }
0x63: {  	s0 =	sadd.s32 s2, s13  }
0x64: {  	s0 =	sshll.u32 s0, $0x3  }
0x65: {  	s0 =	sand.u32 $0xFFFFFC00, s0  }
0x66: {  	s0 =	sadd.s32 $0xDBF000, s0  }
0x67: {  	s0 =	sshrl.u32 s0, $0x3  }
0x68: {  	s0 =	sadd.s32 s1, s0  }
0x69: {  	[tilespmem:s19], [sflag:$0x1] =	stream.strided.gather [hbm4b:s0+s8], $0x800, s9, s8, $0x38;
	[tilespmem:$0x14380] =	vst v63  }
0x6a: {  	s15 =	spop (v2sf)  }
0x6b: {  	s16 =	sshra.s32 s15, $0x1F  }
0x6c: {  	(v2sf) =	vpush v44, $0xC;
	s2 =	sshrl.u32 s16, $0x19  }
0x6d: {  	s0 =	sadd.s32 s2, s15  }
0x6e: {  	s0 =	sshll.u32 s0, $0x3  }
0x6f: {  	s0 =	sand.u32 $0xFFFFFC00, s0  }
0x70: {  	s17 =	spop (v2sf);
	s0 =	sadd.s32 $0xF46000, s0  }
0x71: {  	s18 =	sshra.s32 s17, $0x1F;
	s0 =	sshrl.u32 s0, $0x3  }
0x72: {  	(v2sf) =	vpush v44, $0xD;
	s2 =	sshrl.u32 s18, $0x19;
	s0 =	sadd.s32 s1, s0  }
0x73: {  	[tilespmem:s20], [sflag:$0x1] =	stream.strided.gather [hbm4b:s0+s8], $0x800, s9, s8, $0x38;
	[tilespmem:$0x14380] =	vst v63  }
0x74: {  	s0 =	sadd.s32 s2, s17  }
0x75: {  	s0 =	sshll.u32 s0, $0x3  }
0x76: {  	s0 =	sand.u32 $0xFFFFFC00, s0  }
0x77: {  	s0 =	sadd.s32 $0x10CD000, s0  }
0x78: {  	s0 =	sshrl.u32 s0, $0x3  }
0x79: {  	s0 =	sadd.s32 s1, s0  }
0x7a: {  	[tilespmem:s21], [sflag:$0x1] =	stream.strided.gather [hbm4b:s0+s8], $0x800, s9, s8, $0x38;
	[tilespmem:$0x14380] =	vst v63  }
0x7b: {  	s11 =	spop (v2sf);
	(v2sf) =	vpush v44, $0xE  }
0x7c: {  	s12 =	sshra.s32 s11, $0x1F  }
0x7d: {  	s2 =	sshrl.u32 s12, $0x19  }
0x7e: {  	s0 =	sadd.s32 s2, s11  }
0x7f: {  	s0 =	sshll.u32 s0, $0x3  }
0x80: {  	s0 =	sand.u32 $0xFFFFFC00, s0  }
0x81: {  	s13 =	spop (v2sf);
	s0 =	sadd.s32 $0x1254000, s0  }
0x82: {  	(v2sf) =	vpush v44, $0xF;
	s14 =	sshra.s32 s13, $0x1F;
	s0 =	sshrl.u32 s0, $0x3  }
0x83: {  	s2 =	sshrl.u32 s14, $0x19;
	s0 =	sadd.s32 s1, s0  }
0x84: {  	[tilespmem:s22], [sflag:$0x1] =	stream.strided.gather [hbm4b:s0+s8], $0x800, s9, s8, $0x38;
	[tilespmem:$0x14380] =	vst v63  }
0x85: {  	s0 =	sadd.s32 s2, s13  }
0x86: {  	s0 =	sshll.u32 s0, $0x3  }
0x87: {  	s0 =	sand.u32 $0xFFFFFC00, s0  }
0x88: {  	s0 =	sadd.s32 $0x13DB000, s0  }
0x89: {  	s0 =	sshrl.u32 s0, $0x3  }
0x8a: {  	s0 =	sadd.s32 s1, s0;
	s15 =	spop (v2sf)  }
0x8b: {  	[tilespmem:s23], [sflag:$0x1] =	stream.strided.gather [hbm4b:s0+s8], $0x800, s9, s8, $0x38;
	[tilespmem:$0x14380] =	vst v63  }
0x8c: {  	s16 =	sshra.s32 s15, $0x1F  }
0x8d: {  	s0 =	sshrl.u32 s16, $0x19  }
0x8e: {  	s0 =	sadd.s32 s0, s15  }
0x8f: {  	s0 =	sshll.u32 s0, $0x3  }
0x90: {  	s0 =	sand.u32 $0xFFFFFC00, s0  }
0x91: {  	s17 =	spop (v2sf);
	s0 =	sadd.s32 $0x1562000, s0  }
0x92: {  	s18 =	sshra.s32 s17, $0x1F;
	s0 =	sshrl.u32 s0, $0x3  }
0x93: {  	s2 =	sshrl.u32 s18, $0x19;
	s0 =	sadd.s32 s1, s0  }
0x94: {  	[tilespmem:s24], [sflag:$0x1] =	stream.strided.gather [hbm4b:s0+s8], $0x800, s9, s8, $0x38;
	[tilespmem:$0x14380] =	vst v63  }
0x95: {  	s0 =	sadd.s32 s2, s17  }
0x96: {  	s0 =	sshll.u32 s0, $0x3  }
0x97: {  	s0 =	sand.u32 $0xFFFFFC00, s0  }
0x98: {  	s0 =	sadd.s32 $0x16E9000, s0  }
0x99: {  	s30 =	simm.s32 $0x10;
	s0 =	sshrl.u32 s0, $0x3  }
0x9a: {  	s31 =	simm.s32 $0x10;
	s2 =	simm.s32 $0x1;
	s0 =	sadd.s32 s1, s0  }
0x9b: {  	[tilespmem:s25], [sflag:$0x1] =	stream.strided.gather [hbm4b:s0+s8], $0x800, s9, s8, $0x38;
	[tilespmem:$0x14380] =	vst v63  }
.LBB2_2:
0x9c: {  	v44 =	vld [tilespmem:s30+$0x0];
	_ =	sdelay $0x4  }
0x9d: {  	(v2sf) =	vpush v44, $0x0;
	_ =	sdelay $0xa  }
0x9e: {  	s0 =	sand.u32 $0xFFFF, s31;
	(v2sf) =	vpush v44, $0x1  }
0x9f: {  	s0 =	smul.u32 $0x4EC5, s0;
	_ =	sdelay $0x1  }
0xa0: {  	s0 =	sshrl.u32 s0, $0x13  }
0xa1: {  	s0 =	smul.u32 $0x1A, s0;
	s11 =	spop (v2sf)  }
0xa2: {  	s12 =	sshra.s32 s11, $0x1F  }
0xa3: {  	s0 =	ssub.s32 s31, s0;
	s12 =	sshrl.u32 s12, $0x19  }
0xa4: {  	s0 =	sand.u32 $0xFFFF, s0;
	s11 =	sadd.s32 s12, s11  }
0xa5: {  	s14 =	smul.u32 $0x187000, s0;
	s15 =	sshll.u32 s11, $0x3  }
0xa6: {  	s11 =	sand.u32 $0xFFFFFC00, s15  }
0xa7: {  	s13 =	sor.u32 $0x1, s31;
	s0 =	sand.u32 $0x1, s2;
	s12 =	sadd.s32 s14, s11  }
0xa8: {  	(v2sf) =	vpush v44, $0x2;
	s11 =	sshll.u32 s0, $0xF;
	s14 =	sand.u32 $0xFFFF, s13;
	s12 =	sshrl.u32 s12, $0x3  }
0xa9: {  	s15 =	sor.u32 $0x380, s11;
	s14 =	smul.u32 $0x4EC5, s14;
	s12 =	sadd.s32 s1, s12  }
0xaa: {  	[tilespmem:s15], [sflag:$0x1] =	stream.strided.gather [hbm4b:s12+s8], $0x800, s9, s8, $0x38;
	[tilespmem:$0x14380] =	vst v63  }
0xab: {  	s16 =	sshrl.u32 s14, $0x13  }
0xac: {  	s17 =	spop (v2sf);
	s12 =	smul.u32 $0x1A, s16  }
0xad: {  	s18 =	sshra.s32 s17, $0x1F  }
0xae: {  	s16 =	sshrl.u32 s18, $0x19;
	s12 =	ssub.s32 s13, s12  }
0xaf: {  	s13 =	sadd.s32 s16, s17;
	s12 =	sand.u32 $0xFFFF, s12  }
0xb0: {  	s13 =	sshll.u32 s13, $0x3;
	s12 =	smul.u32 $0x187000, s12  }
0xb1: {  	s13 =	sand.u32 $0xFFFFFC00, s13  }
0xb2: {  	s12 =	sadd.s32 s12, s13;
	s13 =	sor.u32 $0x2, s31  }
0xb3: {  	(v2sf) =	vpush v44, $0x3;
	s12 =	sshrl.u32 s12, $0x3;
	s17 =	sand.u32 $0xFFFF, s13  }
0xb4: {  	s18 =	sor.u32 $0xB80, s11;
	s12 =	sadd.s32 s1, s12;
	s14 =	smul.u32 $0x4EC5, s17  }
0xb5: {  	[tilespmem:s18], [sflag:$0x1] =	stream.strided.gather [hbm4b:s12+s8], $0x800, s9, s8, $0x38;
	[tilespmem:$0x14380] =	vst v63  }
0xb6: {  	s16 =	sshrl.u32 s14, $0x13  }
0xb7: {  	s17 =	spop (v2sf);
	s12 =	smul.u32 $0x1A, s16  }
0xb8: {  	s18 =	sshra.s32 s17, $0x1F  }
0xb9: {  	s16 =	sshrl.u32 s18, $0x19;
	s12 =	ssub.s32 s13, s12  }
0xba: {  	s13 =	sadd.s32 s16, s17;
	s12 =	sand.u32 $0xFFFF, s12  }
0xbb: {  	s13 =	sshll.u32 s13, $0x3;
	s12 =	smul.u32 $0x187000, s12  }
0xbc: {  	s13 =	sand.u32 $0xFFFFFC00, s13  }
0xbd: {  	s12 =	sadd.s32 s12, s13;
	s13 =	sor.u32 $0x3, s31  }
0xbe: {  	(v2sf) =	vpush v44, $0x4;
	s12 =	sshrl.u32 s12, $0x3;
	s17 =	sand.u32 $0xFFFF, s13  }
0xbf: {  	s18 =	sor.u32 $0x1380, s11;
	s12 =	sadd.s32 s1, s12;
	s14 =	smul.u32 $0x4EC5, s17  }
0xc0: {  	[tilespmem:s18], [sflag:$0x1] =	stream.strided.gather [hbm4b:s12+s8], $0x800, s9, s8, $0x38;
	[tilespmem:$0x14380] =	vst v63  }
0xc1: {  	s16 =	sshrl.u32 s14, $0x13  }
0xc2: {  	s17 =	spop (v2sf);
	s12 =	smul.u32 $0x1A, s16  }
0xc3: {  	s18 =	sshra.s32 s17, $0x1F  }
0xc4: {  	s16 =	sshrl.u32 s18, $0x19;
	s12 =	ssub.s32 s13, s12  }
0xc5: {  	s13 =	sadd.s32 s16, s17;
	s12 =	sand.u32 $0xFFFF, s12  }
0xc6: {  	s13 =	sshll.u32 s13, $0x3;
	s12 =	smul.u32 $0x187000, s12  }
0xc7: {  	s13 =	sand.u32 $0xFFFFFC00, s13  }
0xc8: {  	s12 =	sadd.s32 s12, s13;
	s13 =	sor.u32 $0x4, s31  }
0xc9: {  	(v2sf) =	vpush v44, $0x5;
	s12 =	sshrl.u32 s12, $0x3;
	s17 =	sand.u32 $0xFFFF, s13  }
0xca: {  	s18 =	sor.u32 $0x1B80, s11;
	s12 =	sadd.s32 s1, s12;
	s14 =	smul.u32 $0x4EC5, s17  }
0xcb: {  	[tilespmem:s18], [sflag:$0x1] =	stream.strided.gather [hbm4b:s12+s8], $0x800, s9, s8, $0x38;
	[tilespmem:$0x14380] =	vst v63  }
0xcc: {  	s16 =	sshrl.u32 s14, $0x13  }
0xcd: {  	s17 =	spop (v2sf);
	s12 =	smul.u32 $0x1A, s16  }
0xce: {  	s18 =	sshra.s32 s17, $0x1F  }
0xcf: {  	s16 =	sshrl.u32 s18, $0x19;
	s12 =	ssub.s32 s13, s12  }
0xd0: {  	s13 =	sadd.s32 s16, s17;
	s12 =	sand.u32 $0xFFFF, s12  }
0xd1: {  	s13 =	sshll.u32 s13, $0x3;
	s12 =	smul.u32 $0x187000, s12  }
0xd2: {  	s13 =	sand.u32 $0xFFFFFC00, s13  }
0xd3: {  	s12 =	sadd.s32 s12, s13;
	s13 =	sor.u32 $0x5, s31  }
0xd4: {  	(v2sf) =	vpush v44, $0x6;
	s12 =	sshrl.u32 s12, $0x3;
	s17 =	sand.u32 $0xFFFF, s13  }
0xd5: {  	s18 =	sor.u32 $0x2380, s11;
	s12 =	sadd.s32 s1, s12;
	s14 =	smul.u32 $0x4EC5, s17  }
0xd6: {  	[tilespmem:s18], [sflag:$0x1] =	stream.strided.gather [hbm4b:s12+s8], $0x800, s9, s8, $0x38;
	[tilespmem:$0x14380] =	vst v63  }
0xd7: {  	s16 =	sshrl.u32 s14, $0x13  }
0xd8: {  	s17 =	spop (v2sf);
	s12 =	smul.u32 $0x1A, s16  }
0xd9: {  	s18 =	sshra.s32 s17, $0x1F  }
0xda: {  	s16 =	sshrl.u32 s18, $0x19;
	s12 =	ssub.s32 s13, s12  }
0xdb: {  	s13 =	sadd.s32 s16, s17;
	s12 =	sand.u32 $0xFFFF, s12  }
0xdc: {  	s13 =	sshll.u32 s13, $0x3;
	s12 =	smul.u32 $0x187000, s12  }
0xdd: {  	s13 =	sand.u32 $0xFFFFFC00, s13  }
0xde: {  	s12 =	sadd.s32 s12, s13;
	s13 =	sor.u32 $0x6, s31  }
0xdf: {  	(v2sf) =	vpush v44, $0x7;
	s12 =	sshrl.u32 s12, $0x3;
	s17 =	sand.u32 $0xFFFF, s13  }
0xe0: {  	s18 =	sor.u32 $0x2B80, s11;
	s12 =	sadd.s32 s1, s12;
	s14 =	smul.u32 $0x4EC5, s17  }
0xe1: {  	[tilespmem:s18], [sflag:$0x1] =	stream.strided.gather [hbm4b:s12+s8], $0x800, s9, s8, $0x38;
	[tilespmem:$0x14380] =	vst v63  }
0xe2: {  	s16 =	sshrl.u32 s14, $0x13  }
0xe3: {  	s17 =	spop (v2sf);
	s12 =	smul.u32 $0x1A, s16  }
0xe4: {  	s18 =	sshra.s32 s17, $0x1F  }
0xe5: {  	s16 =	sshrl.u32 s18, $0x19;
	s12 =	ssub.s32 s13, s12  }
0xe6: {  	s13 =	sadd.s32 s16, s17;
	s12 =	sand.u32 $0xFFFF, s12  }
0xe7: {  	s13 =	sshll.u32 s13, $0x3;
	s12 =	smul.u32 $0x187000, s12  }
0xe8: {  	s13 =	sand.u32 $0xFFFFFC00, s13  }
0xe9: {  	s12 =	sadd.s32 s12, s13;
	s13 =	sor.u32 $0x7, s31  }
0xea: {  	(v2sf) =	vpush v44, $0x8;
	s12 =	sshrl.u32 s12, $0x3;
	s17 =	sand.u32 $0xFFFF, s13  }
0xeb: {  	s18 =	sor.u32 $0x3380, s11;
	s12 =	sadd.s32 s1, s12;
	s14 =	smul.u32 $0x4EC5, s17  }
0xec: {  	[tilespmem:s18], [sflag:$0x1] =	stream.strided.gather [hbm4b:s12+s8], $0x800, s9, s8, $0x38;
	[tilespmem:$0x14380] =	vst v63  }
0xed: {  	s16 =	sshrl.u32 s14, $0x13  }
0xee: {  	s17 =	spop (v2sf);
	s12 =	smul.u32 $0x1A, s16  }
0xef: {  	s18 =	sshra.s32 s17, $0x1F  }
0xf0: {  	s16 =	sshrl.u32 s18, $0x19;
	s12 =	ssub.s32 s13, s12  }
0xf1: {  	s13 =	sadd.s32 s16, s17;
	s12 =	sand.u32 $0xFFFF, s12  }
0xf2: {  	s13 =	sshll.u32 s13, $0x3;
	s12 =	smul.u32 $0x187000, s12  }
0xf3: {  	s13 =	sand.u32 $0xFFFFFC00, s13  }
0xf4: {  	s12 =	sadd.s32 s12, s13;
	s13 =	sor.u32 $0x8, s31  }
0xf5: {  	(v2sf) =	vpush v44, $0x9;
	s12 =	sshrl.u32 s12, $0x3;
	s17 =	sand.u32 $0xFFFF, s13  }
0xf6: {  	s18 =	sor.u32 $0x3B80, s11;
	s12 =	sadd.s32 s1, s12;
	s14 =	smul.u32 $0x4EC5, s17  }
0xf7: {  	[tilespmem:s18], [sflag:$0x1] =	stream.strided.gather [hbm4b:s12+s8], $0x800, s9, s8, $0x38;
	[tilespmem:$0x14380] =	vst v63  }
0xf8: {  	s16 =	sshrl.u32 s14, $0x13  }
0xf9: {  	s17 =	spop (v2sf);
	s12 =	smul.u32 $0x1A, s16  }
0xfa: {  	s18 =	sshra.s32 s17, $0x1F  }
0xfb: {  	s16 =	sshrl.u32 s18, $0x19;
	s12 =	ssub.s32 s13, s12  }
0xfc: {  	s13 =	sadd.s32 s16, s17;
	s12 =	sand.u32 $0xFFFF, s12  }
0xfd: {  	s13 =	sshll.u32 s13, $0x3;
	s12 =	smul.u32 $0x187000, s12  }
0xfe: {  	s13 =	sand.u32 $0xFFFFFC00, s13  }
0xff: {  	s12 =	sadd.s32 s12, s13;
	s13 =	sor.u32 $0x9, s31  }
0x100: {  	(v2sf) =	vpush v44, $0xA;
	s12 =	sshrl.u32 s12, $0x3;
	s17 =	sand.u32 $0xFFFF, s13  }
0x101: {  	s18 =	sor.u32 $0x4380, s11;
	s12 =	sadd.s32 s1, s12;
	s14 =	smul.u32 $0x4EC5, s17  }
0x102: {  	[tilespmem:s18], [sflag:$0x1] =	stream.strided.gather [hbm4b:s12+s8], $0x800, s9, s8, $0x38;
	[tilespmem:$0x14380] =	vst v63  }
0x103: {  	s16 =	sshrl.u32 s14, $0x13  }
0x104: {  	s17 =	spop (v2sf);
	s12 =	smul.u32 $0x1A, s16  }
0x105: {  	s18 =	sshra.s32 s17, $0x1F  }
0x106: {  	s16 =	sshrl.u32 s18, $0x19;
	s12 =	ssub.s32 s13, s12  }
0x107: {  	s13 =	sadd.s32 s16, s17;
	s12 =	sand.u32 $0xFFFF, s12  }
0x108: {  	s13 =	sshll.u32 s13, $0x3;
	s12 =	smul.u32 $0x187000, s12  }
0x109: {  	s13 =	sand.u32 $0xFFFFFC00, s13  }
0x10a: {  	s12 =	sadd.s32 s12, s13;
	s13 =	sor.u32 $0xA, s31  }
0x10b: {  	(v2sf) =	vpush v44, $0xB;
	s12 =	sshrl.u32 s12, $0x3;
	s17 =	sand.u32 $0xFFFF, s13  }
0x10c: {  	s18 =	sor.u32 $0x4B80, s11;
	s12 =	sadd.s32 s1, s12;
	s14 =	smul.u32 $0x4EC5, s17  }
0x10d: {  	[tilespmem:s18], [sflag:$0x1] =	stream.strided.gather [hbm4b:s12+s8], $0x800, s9, s8, $0x38;
	[tilespmem:$0x14380] =	vst v63  }
0x10e: {  	s16 =	sshrl.u32 s14, $0x13  }
0x10f: {  	s17 =	spop (v2sf);
	s12 =	smul.u32 $0x1A, s16  }
0x110: {  	s18 =	sshra.s32 s17, $0x1F  }
0x111: {  	s16 =	sshrl.u32 s18, $0x19;
	s12 =	ssub.s32 s13, s12  }
0x112: {  	s13 =	sadd.s32 s16, s17;
	s12 =	sand.u32 $0xFFFF, s12  }
0x113: {  	s13 =	sshll.u32 s13, $0x3;
	s12 =	smul.u32 $0x187000, s12  }
0x114: {  	s13 =	sand.u32 $0xFFFFFC00, s13  }
0x115: {  	s12 =	sadd.s32 s12, s13;
	s13 =	sor.u32 $0xB, s31  }
0x116: {  	(v2sf) =	vpush v44, $0xC;
	s12 =	sshrl.u32 s12, $0x3;
	s17 =	sand.u32 $0xFFFF, s13  }
0x117: {  	s18 =	sor.u32 $0x5380, s11;
	s12 =	sadd.s32 s1, s12;
	s14 =	smul.u32 $0x4EC5, s17  }
0x118: {  	[tilespmem:s18], [sflag:$0x1] =	stream.strided.gather [hbm4b:s12+s8], $0x800, s9, s8, $0x38;
	[tilespmem:$0x14380] =	vst v63  }
0x119: {  	s16 =	sshrl.u32 s14, $0x13  }
0x11a: {  	s17 =	spop (v2sf);
	s12 =	smul.u32 $0x1A, s16  }
0x11b: {  	s18 =	sshra.s32 s17, $0x1F  }
0x11c: {  	s16 =	sshrl.u32 s18, $0x19;
	s12 =	ssub.s32 s13, s12  }
0x11d: {  	s13 =	sadd.s32 s16, s17;
	s12 =	sand.u32 $0xFFFF, s12  }
0x11e: {  	s13 =	sshll.u32 s13, $0x3;
	s12 =	smul.u32 $0x187000, s12  }
0x11f: {  	s13 =	sand.u32 $0xFFFFFC00, s13  }
0x120: {  	s12 =	sadd.s32 s12, s13;
	s13 =	sor.u32 $0xC, s31  }
0x121: {  	(v2sf) =	vpush v44, $0xD;
	s12 =	sshrl.u32 s12, $0x3;
	s17 =	sand.u32 $0xFFFF, s13  }
0x122: {  	s18 =	sor.u32 $0x5B80, s11;
	s12 =	sadd.s32 s1, s12;
	s14 =	smul.u32 $0x4EC5, s17  }
0x123: {  	[tilespmem:s18], [sflag:$0x1] =	stream.strided.gather [hbm4b:s12+s8], $0x800, s9, s8, $0x38;
	[tilespmem:$0x14380] =	vst v63  }
0x124: {  	s16 =	sshrl.u32 s14, $0x13  }
0x125: {  	s17 =	spop (v2sf);
	s12 =	smul.u32 $0x1A, s16  }
0x126: {  	s18 =	sshra.s32 s17, $0x1F  }
0x127: {  	s16 =	sshrl.u32 s18, $0x19;
	s12 =	ssub.s32 s13, s12  }
0x128: {  	s13 =	sadd.s32 s16, s17;
	s12 =	sand.u32 $0xFFFF, s12  }
0x129: {  	s13 =	sshll.u32 s13, $0x3;
	s12 =	smul.u32 $0x187000, s12  }
0x12a: {  	s13 =	sand.u32 $0xFFFFFC00, s13  }
0x12b: {  	s12 =	sadd.s32 s12, s13;
	s13 =	sor.u32 $0xD, s31  }
0x12c: {  	(v2sf) =	vpush v44, $0xE;
	s12 =	sshrl.u32 s12, $0x3;
	s17 =	sand.u32 $0xFFFF, s13  }
0x12d: {  	s18 =	sor.u32 $0x6380, s11;
	s12 =	sadd.s32 s1, s12;
	s14 =	smul.u32 $0x4EC5, s17  }
0x12e: {  	[tilespmem:s18], [sflag:$0x1] =	stream.strided.gather [hbm4b:s12+s8], $0x800, s9, s8, $0x38;
	[tilespmem:$0x14380] =	vst v63  }
0x12f: {  	s16 =	sshrl.u32 s14, $0x13  }
0x130: {  	s17 =	spop (v2sf);
	s12 =	smul.u32 $0x1A, s16  }
0x131: {  	s18 =	sshra.s32 s17, $0x1F  }
0x132: {  	s16 =	sshrl.u32 s18, $0x19;
	s12 =	ssub.s32 s13, s12  }
0x133: {  	s13 =	sadd.s32 s16, s17;
	s12 =	sand.u32 $0xFFFF, s12  }
0x134: {  	s13 =	sshll.u32 s13, $0x3;
	s12 =	smul.u32 $0x187000, s12  }
0x135: {  	s13 =	sand.u32 $0xFFFFFC00, s13  }
0x136: {  	s12 =	sadd.s32 s12, s13;
	s13 =	sor.u32 $0xE, s31  }
0x137: {  	(v2sf) =	vpush v44, $0xF;
	s12 =	sshrl.u32 s12, $0x3;
	s17 =	sand.u32 $0xFFFF, s13  }
0x138: {  	s18 =	sor.u32 $0x6B80, s11;
	s12 =	sadd.s32 s1, s12;
	s14 =	smul.u32 $0x4EC5, s17  }
0x139: {  	[tilespmem:s18], [sflag:$0x1] =	stream.strided.gather [hbm4b:s12+s8], $0x800, s9, s8, $0x38;
	[tilespmem:$0x14380] =	vst v63  }
0x13a: {  	s16 =	sshrl.u32 s14, $0x13  }
0x13b: {  	s17 =	spop (v2sf);
	s12 =	smul.u32 $0x1A, s16  }
0x13c: {  	s18 =	sshra.s32 s17, $0x1F  }
0x13d: {  	s16 =	sshrl.u32 s18, $0x19;
	s12 =	ssub.s32 s13, s12  }
0x13e: {  	s13 =	sadd.s32 s16, s17;
	s12 =	sand.u32 $0xFFFF, s12  }
0x13f: {  	s13 =	sshll.u32 s13, $0x3;
	s12 =	smul.u32 $0x187000, s12  }
0x140: {  	s13 =	sand.u32 $0xFFFFFC00, s13  }
0x141: {  	s12 =	sadd.s32 s12, s13;
	s13 =	sor.u32 $0xF, s31  }
0x142: {  	s12 =	sshrl.u32 s12, $0x3;
	s17 =	sand.u32 $0xFFFF, s13  }
0x143: {  	s18 =	sor.u32 $0x7380, s11;
	s12 =	sadd.s32 s1, s12;
	s14 =	smul.u32 $0x4EC5, s17  }
0x144: {  	[tilespmem:s18], [sflag:$0x1] =	stream.strided.gather [hbm4b:s12+s8], $0x800, s9, s8, $0x38;
	[tilespmem:$0x14380] =	vst v63  }
0x145: {  	s15 =	sshrl.u32 s14, $0x13  }
0x146: {  	s16 =	spop (v2sf);
	s12 =	smul.u32 $0x1A, s15  }
0x147: {  	s17 =	sshra.s32 s16, $0x1F  }
0x148: {  	s18 =	sshrl.u32 s17, $0x19;
	s12 =	ssub.s32 s13, s12  }
0x149: {  	s13 =	sadd.s32 s18, s16;
	s12 =	sand.u32 $0xFFFF, s12  }
0x14a: {  	s13 =	sshll.u32 s13, $0x3;
	s12 =	smul.u32 $0x187000, s12  }
0x14b: {  	s13 =	sand.u32 $0xFFFFFC00, s13  }
0x14c: {  	s12 =	sadd.s32 s12, s13  }
0x14d: {  	s12 =	sshrl.u32 s12, $0x3  }
0x14e: {  	s11 =	sor.u32 $0x7B80, s11;
	s12 =	sadd.s32 s1, s12  }
0x14f: {  	[tilespmem:s11], [sflag:$0x1] =	stream.strided.gather [hbm4b:s12+s8], $0x800, s9, s8, $0x38;
	[tilespmem:$0x14380] =	vst v63  }
0x150: {  	_ =	swait.ge [sflag:s26], $0x8000  }
0x151: {  	[sflag:s26] =	ssyncset.done $0x0  }
0x152: {  	[sflag:s26] =	ssyncadd.s32 $0xFFFF8000  }
0x153: {  	v44 =	vld [tilespmem:s30+$0xFFFFFFF0];
	_ =	sdelay $0x4  }
0x154: {  	(v2sf) =	vpush v44, $0x0;
	_ =	sdelay $0x3  }
0x155: {  	(v2sf) =	vpush v44, $0x1;
	_ =	sdelay $0x2  }
0x156: {  	s11 =	sadd.s32 $0xFFFFFFF0, s31  }
0x157: {  	s15 =	sshll.u32 s11, $0x10  }
0x158: {  	s12 =	sshra.s32 s15, $0x10  }
0x159: {  	s12 =	smul.u32 $0x4EC5, s12;
	_ =	sdelay $0x1  }
0x15a: {  	s16 =	sshrl.u32 s12, $0x1F;
	s12 =	sshra.s32 s12, $0x13;
	(v2sf) =	vpush v44, $0x2  }
0x15b: {  	s12 =	sadd.s32 s16, s12  }
0x15c: {  	s18 =	smul.u32 $0xFFFFFFE6, s12  }
0x15d: {  	s0 =	sxor.u32 $0x1, s0;
	s14 =	spop (v2sf)  }
0x15e: {  	s16 =	sadd.s32 $0xFFFFFFF1, s31;
	s11 =	sadd.s32 s11, s18;
	s17 =	sshra.s32 s14, $0x1F  }
0x15f: {  	s11 =	sshll.u32 s11, $0x10;
	s13 =	sshrl.u32 s17, $0x19;
	s17 =	sshll.u32 s16, $0x10  }
0x160: {  	s11 =	sshra.s32 s11, $0x10;
	(v2sf) =	vpush v44, $0x3;
	s13 =	sadd.s32 s13, s14;
	s17 =	sshra.s32 s17, $0x10  }
0x161: {  	s15 =	spop (v2sf);
	s13 =	sand.u32 $0xFFFFFF80, s13;
	s18 =	smul.u32 $0x4EC5, s17  }
0x162: {  	s11 =	sshll.u32 s11, $0x4;
	s17 =	sshra.s32 s15, $0x1F;
	s13 =	ssub.s32 s14, s13  }
0x163: {  	v59 =	vmov s12;
	v47 =	vmov s11;
	v45 =	vmov s13;
	s13 =	sshrl.u32 s18, $0x1F;
	s14 =	sshra.s32 s18, $0x13;
	s18 =	sadd.s32 $0xFFFFFFF2, s31  }
0x164: {  	v49 =	vshll.u32 v59, $0x9;
	v48 =	vor.u32 s11, v0;
	v47 =	vshll.u32 v47, $0x3;
	s13 =	sadd.s32 s13, s14;
	s14 =	sshrl.u32 s17, $0x19;
	s17 =	sshll.u32 s18, $0x10  }
0x165: {  	v49 =	vand.u32 $0xFFFFF000, v49;
	v48 =	vand.u32 $0x7F, v48;
	v47 =	vand.u32 $0xFFFFFC00, v47;
	s12 =	smul.u32 $0xFFFFFFE6, s13;
	s14 =	sadd.s32 s14, s15;
	s17 =	sshra.s32 s17, $0x10  }
0x166: {  	s0 =	sshll.u32 s0, $0xF;
	v47 =	vadd.s32 v49, v47;
	(v2sf) =	vpush v44, $0x4;
	v46 =	vand.u32 $0xFFFFFF80, v45;
	s11 =	sand.u32 $0xFFFFFF80, s14;
	s14 =	smul.u32 $0x4EC5, s17  }
0x167: {  	(v2sf) =	vpush v44, $0x5;
	v45 =	vand.u32 $0x7F, v45;
	v46 =	vadd.s32 s0, v46;
	s12 =	sadd.s32 s16, s12;
	s11 =	ssub.s32 s15, s11  }
0x168: {  	v62 =	vmov s13;
	v45 =	vor.u32 v45, v46;
	v46 =	vshll.u32 v59, $0x7;
	s12 =	sshll.u32 s12, $0x10;
	s17 =	sshrl.u32 s14, $0x1F;
	s14 =	sshra.s32 s14, $0x13  }
0x169: {  	v54 =	vshll.u32 v62, $0x9;
	v46 =	vand.u32 $0x380, v46;
	v50 =	vmov s11;
	s12 =	sshra.s32 s12, $0x10;
	s11 =	sadd.s32 s17, s14;
	s14 =	spop (v2sf)  }
0x16a: {  	v45 =	vadd.s32 v1, v45;
	v46 =	vor.u32 v46, v47;
	v60 =	vand.u32 $0xFFFFFF80, v50;
	s17 =	sadd.s32 $0xFFFFFFF3, s31;
	s15 =	smul.u32 $0xFFFFFFE6, s11;
	s16 =	sshra.s32 s14, $0x1F  }
0x16b: {  	v61 =	vand.u32 $0x7F, v50;
	v46 =	vor.u32 v48, v46;
	v50 =	vand.u32 $0xFFFFF000, v54;
	s12 =	sshll.u32 s12, $0x4;
	s13 =	sshrl.u32 s16, $0x19;
	s16 =	sshll.u32 s17, $0x10  }
0x16c: {  	v48 =	vshll.u32 v62, $0x7;
	(v2sf) =	vpush v44, $0x6;
	v49 =	vadd.s32 s0, v60;
	s15 =	sadd.s32 s18, s15;
	s13 =	sadd.s32 s13, s14;
	s16 =	sshra.s32 s16, $0x10  }
0x16d: {  	v48 =	vand.u32 $0x380, v48;
	v57 =	vmov s11;
	v63 =	vmov s12;
	s15 =	sshll.u32 s15, $0x10;
	s13 =	sand.u32 $0xFFFFFF80, s13;
	s18 =	smul.u32 $0x4EC5, s16  }
0x16e: {  	v47 =	vor.u32 v61, v49;
	v51 =	vor.u32 s12, v0;
	v49 =	vshll.u32 v63, $0x3;
	s12 =	sshra.s32 s15, $0x10;
	s13 =	ssub.s32 s14, s13  }
0x16f: {  	v52 =	vshll.u32 v57, $0x9;
	v49 =	vand.u32 $0xFFFFFC00, v49;
	s14 =	spop (v2sf);
	v55 =	vmov s13;
	s12 =	sshll.u32 s12, $0x4;
	s13 =	sshrl.u32 s18, $0x1F  }
0x170: {  	v47 =	vadd.s32 v2, v47;
	v51 =	vand.u32 $0x7F, v51;
	v49 =	vadd.s32 v50, v49;
	s15 =	sshra.s32 s18, $0x13;
	s16 =	sshra.s32 s14, $0x1F;
	s18 =	sadd.s32 $0xFFFFFFF4, s31  }
0x171: {  	v52 =	vand.u32 $0xFFFFF000, v52;
	v48 =	vor.u32 v48, v49;
	v56 =	vand.u32 $0xFFFFFF80, v55;
	s13 =	sadd.s32 s13, s15;
	s15 =	sshrl.u32 s16, $0x19;
	s16 =	sshll.u32 s18, $0x10  }
0x172: {  	v45 =	vld.idx.msk [tilespmem:v45+s10+$0x0], $0xffff;
	v48 =	vor.u32 v51, v48;
	v50 =	vand.u32 $0x7F, v55;
	v58 =	vmov s12;
	s11 =	smul.u32 $0xFFFFFFE6, s13;
	s16 =	sshra.s32 s16, $0x10  }
0x173: {  	v53 =	vor.u32 s12, v0;
	v49 =	vadd.s32 s0, v56;
	s15 =	sadd.s32 s15, s14;
	v51 =	vshll.u32 v58, $0x3;
	s16 =	smul.u32 $0x4EC5, s16  }
0x174: {  	v53 =	vand.u32 $0x7F, v53;
	v62 =	vmov s13;
	v49 =	vor.u32 v50, v49;
	s15 =	sand.u32 $0xFFFFFF80, s15;
	s11 =	sadd.s32 s17, s11  }
0x175: {  	v51 =	vand.u32 $0xFFFFFC00, v51;
	v50 =	vshll.u32 v57, $0x7;
	v57 =	vshll.u32 v62, $0x9;
	s14 =	ssub.s32 s14, s15;
	s11 =	sshll.u32 s11, $0x10;
	s15 =	sshrl.u32 s16, $0x1F  }
0x176: {  	v49 =	vadd.s32 v3, v49;
	v51 =	vadd.s32 v52, v51;
	v50 =	vand.u32 $0x380, v50;
	s17 =	sshra.s32 s16, $0x13;
	s16 =	sadd.s32 $0xFFFFFFF5, s31;
	s11 =	sshra.s32 s11, $0x10  }
0x177: {  	[tilespmem:v46+s28+$0x0] =	vst.idx.msk $0xffff, v45;
	v59 =	vmov s14;
	v60 =	vor.u32 v50, v51;
	v50 =	vshll.u32 v62, $0x7;
	s12 =	sadd.s32 s15, s17;
	s15 =	spop (v2sf);
	s17 =	sshll.u32 s16, $0x10  }
0x178: {  	v47 =	vld.idx.msk [tilespmem:v47+s10+$0x0], $0xffff;
	v54 =	vand.u32 $0xFFFFFF80, v59;
	v52 =	vand.u32 $0x7F, v59;
	v45 =	vor.u32 v53, v60;
	s14 =	smul.u32 $0xFFFFFFE6, s12;
	s11 =	sshll.u32 s11, $0x4;
	s13 =	sshra.s32 s15, $0x1F  }
0x179: {  	v53 =	vand.u32 $0xFFFFF000, v57;
	v54 =	vadd.s32 s0, v54;
	s17 =	sshra.s32 s17, $0x10;
	v63 =	vmov s11;
	s13 =	sshrl.u32 s13, $0x19  }
0x17a: {  	v50 =	vand.u32 $0x380, v50;
	v61 =	vor.u32 v52, v54;
	s17 =	smul.u32 $0x4EC5, s17;
	s14 =	sadd.s32 s18, s14;
	v51 =	vshll.u32 v63, $0x3;
	s13 =	sadd.s32 s13, s15  }
0x17b: {  	v56 =	vor.u32 s11, v0;
	v46 =	vadd.s32 v4, v61;
	s14 =	sshll.u32 s14, $0x10;
	v51 =	vand.u32 $0xFFFFFC00, v51;
	s13 =	sand.u32 $0xFFFFFF80, s13  }
0x17c: {  	v52 =	vand.u32 $0x7F, v56;
	v61 =	vmov s12;
	s18 =	sshra.s32 s17, $0x13;
	s11 =	sshra.s32 s14, $0x10;
	v51 =	vadd.s32 v53, v51;
	s13 =	ssub.s32 s15, s13  }
0x17d: {  	[tilespmem:v48+s28+$0x0] =	vst.idx.msk $0xffff, v47;
	v63 =	vshll.u32 v61, $0x9;
	s15 =	sshrl.u32 s17, $0x1F;
	s14 =	spop (v2sf);
	s17 =	sadd.s32 $0xFFFFFFF6, s31;
	(v2sf) =	vpush v44, $0x7;
	v50 =	vor.u32 v50, v51  }
0x17e: {  	v49 =	vld.idx.msk [tilespmem:v49+s10+$0x0], $0xffff;
	s11 =	sshll.u32 s11, $0x4;
	v58 =	vmov s13;
	s13 =	sadd.s32 s15, s18;
	s18 =	sshll.u32 s17, $0x10;
	v51 =	vshll.u32 v61, $0x7;
	(v2sf) =	vpush v44, $0x8  }
0x17f: {  	s15 =	sshra.s32 s14, $0x1F;
	v47 =	vor.u32 v52, v50;
	v59 =	vand.u32 $0xFFFFFF80, v58;
	v60 =	vand.u32 $0x7F, v58;
	s12 =	smul.u32 $0xFFFFFFE6, s13;
	s18 =	sshra.s32 s18, $0x10  }
0x180: {  	v62 =	vmov s11;
	s15 =	sshrl.u32 s15, $0x19;
	v50 =	vand.u32 $0xFFFFF000, v63;
	v56 =	vor.u32 s11, v0;
	s18 =	smul.u32 $0x4EC5, s18  }
0x181: {  	v51 =	vand.u32 $0x380, v51;
	(v2sf) =	vpush v44, $0x9;
	v52 =	vshll.u32 v62, $0x3;
	s15 =	sadd.s32 s15, s14;
	s12 =	sadd.s32 s16, s12  }
0x182: {  	v48 =	vadd.s32 s0, v59;
	v58 =	vand.u32 $0x7F, v56;
	v52 =	vand.u32 $0xFFFFFC00, v52;
	s15 =	sand.u32 $0xFFFFFF80, s15;
	s16 =	sshrl.u32 s18, $0x1F;
	s18 =	sshra.s32 s18, $0x13  }
0x183: {  	[tilespmem:v45+s28+$0x0] =	vst.idx.msk $0xffff, v49;
	v62 =	vmov s13;
	v48 =	vor.u32 v60, v48;
	v50 =	vadd.s32 v50, v52;
	s15 =	ssub.s32 s14, s15;
	s12 =	sshll.u32 s12, $0x10;
	s11 =	sadd.s32 s16, s18  }
0x184: {  	v46 =	vld.idx.msk [tilespmem:v46+s10+$0x0], $0xffff;
	v48 =	vadd.s32 v5, v48;
	v57 =	vmov s15;
	v59 =	vor.u32 v51, v50;
	s12 =	sshra.s32 s12, $0x10;
	s15 =	sadd.s32 $0xFFFFFFF7, s31;
	s14 =	smul.u32 $0xFFFFFFE6, s11  }
0x185: {  	s16 =	spop (v2sf);
	(v2sf) =	vpush v44, $0xA;
	v60 =	vand.u32 $0xFFFFFF80, v57;
	v45 =	vor.u32 v58, v59;
	s12 =	sshll.u32 s12, $0x4;
	s18 =	sshll.u32 s15, $0x10  }
0x186: {  	v61 =	vand.u32 $0x7F, v57;
	v57 =	vshll.u32 v62, $0x9;
	v59 =	vmov s11;
	s18 =	sshra.s32 s18, $0x10;
	s14 =	sadd.s32 s17, s14;
	s17 =	sshra.s32 s16, $0x1F  }
0x187: {  	v50 =	vadd.s32 s0, v60;
	v63 =	vmov s12;
	v56 =	vor.u32 s12, v0;
	s18 =	smul.u32 $0x4EC5, s18;
	s13 =	sshll.u32 s14, $0x10;
	s14 =	sshrl.u32 s17, $0x19  }
0x188: {  	v53 =	vand.u32 $0xFFFFF000, v57;
	v49 =	vor.u32 v61, v50;
	v51 =	vshll.u32 v63, $0x3;
	s12 =	sshra.s32 s13, $0x10;
	s13 =	sadd.s32 s14, s16  }
0x189: {  	v50 =	vshll.u32 v62, $0x7;
	[tilespmem:v47+s28+$0x0] =	vst.idx.msk $0xffff, v46;
	v47 =	vand.u32 $0x7F, v56;
	v62 =	vshll.u32 v59, $0x9;
	s17 =	sshrl.u32 s18, $0x1F;
	s14 =	sshra.s32 s18, $0x13;
	s13 =	sand.u32 $0xFFFFFF80, s13  }
0x18a: {  	v51 =	vand.u32 $0xFFFFFC00, v51;
	v50 =	vand.u32 $0x380, v50;
	v46 =	vadd.s32 v6, v49;
	s14 =	sadd.s32 s17, s14;
	s13 =	ssub.s32 s16, s13  }
0x18b: {  	v48 =	vld.idx.msk [tilespmem:v48+s10+$0x0], $0xffff;
	v54 =	vand.u32 $0xFFFFF000, v62;
	v51 =	vadd.s32 v53, v51;
	s12 =	sshll.u32 s12, $0x4;
	s18 =	smul.u32 $0xFFFFFFE6, s14;
	v58 =	vmov s13;
	s13 =	sadd.s32 $0xFFFFFFF8, s31  }
0x18c: {  	v49 =	vor.u32 v50, v51;
	v51 =	vshll.u32 v59, $0x7;
	v60 =	vmov s12;
	s16 =	spop (v2sf);
	s17 =	sshll.u32 s13, $0x10  }
0x18d: {  	v63 =	vor.u32 s12, v0;
	v51 =	vand.u32 $0x380, v51;
	v47 =	vor.u32 v47, v49;
	s11 =	sadd.s32 s15, s18;
	s18 =	sshra.s32 s16, $0x1F;
	s17 =	sshra.s32 s17, $0x10  }
0x18e: {  	v59 =	vmov s14;
	v52 =	vshll.u32 v60, $0x3;
	v56 =	vand.u32 $0x7F, v63;
	s15 =	sshrl.u32 s18, $0x19;
	s17 =	smul.u32 $0x4EC5, s17  }
0x18f: {  	v62 =	vshll.u32 v59, $0x9;
	v61 =	vand.u32 $0xFFFFFF80, v58;
	v50 =	vand.u32 $0x7F, v58;
	s11 =	sshll.u32 s11, $0x10;
	s15 =	sadd.s32 s15, s16  }
0x190: {  	v52 =	vand.u32 $0xFFFFFC00, v52;
	[tilespmem:v45+s28+$0x0] =	vst.idx.msk $0xffff, v48;
	(v2sf) =	vpush v44, $0xB;
	v53 =	vadd.s32 s0, v61;
	s12 =	sand.u32 $0xFFFFFF80, s15;
	s18 =	sshrl.u32 s17, $0x1F;
	s17 =	sshra.s32 s17, $0x13  }
0x191: {  	v52 =	vadd.s32 v54, v52;
	v46 =	vld.idx.msk [tilespmem:v46+s10+$0x0], $0xffff;
	s14 =	spop (v2sf);
	(v2sf) =	vpush v44, $0xC;
	v55 =	vor.u32 v50, v53;
	s12 =	ssub.s32 s16, s12;
	s15 =	sadd.s32 s18, s17  }
0x192: {  	s11 =	sshra.s32 s11, $0x10;
	v57 =	vor.u32 v51, v52;
	v45 =	vadd.s32 v7, v55;
	s16 =	sadd.s32 $0xFFFFFFF9, s31;
	v58 =	vmov s12;
	s12 =	smul.u32 $0xFFFFFFE6, s15  }
0x193: {  	v53 =	vand.u32 $0xFFFFF000, v62;
	v50 =	vshll.u32 v59, $0x7;
	v48 =	vor.u32 v56, v57;
	s11 =	sshll.u32 s11, $0x4;
	s17 =	sshra.s32 s14, $0x1F;
	s18 =	sshll.u32 s16, $0x10  }
0x194: {  	v50 =	vand.u32 $0x380, v50;
	v60 =	vmov s11;
	v63 =	vor.u32 s11, v0;
	s17 =	sshrl.u32 s17, $0x19;
	s18 =	sshra.s32 s18, $0x10;
	s12 =	sadd.s32 s13, s12  }
0x195: {  	v51 =	vshll.u32 v60, $0x3;
	v55 =	vand.u32 $0x7F, v63;
	v61 =	vand.u32 $0xFFFFFF80, v58;
	s13 =	sadd.s32 s17, s14;
	s17 =	smul.u32 $0x4EC5, s18;
	s12 =	sshll.u32 s12, $0x10  }
0x196: {  	v51 =	vand.u32 $0xFFFFFC00, v51;
	[tilespmem:v47+s28+$0x0] =	vst.idx.msk $0xffff, v46;
	v49 =	vand.u32 $0x7F, v58;
	v52 =	vadd.s32 s0, v61;
	s13 =	sand.u32 $0xFFFFFF80, s13;
	s18 =	sshra.s32 s12, $0x10  }
0x197: {  	v59 =	vmov s15;
	v51 =	vadd.s32 v53, v51;
	v45 =	vld.idx.msk [tilespmem:v45+s10+$0x0], $0xffff;
	v54 =	vor.u32 v49, v52;
	s12 =	ssub.s32 s14, s13;
	s14 =	sshrl.u32 s17, $0x1F;
	s17 =	sshra.s32 s17, $0x13  }
0x198: {  	v56 =	vor.u32 v50, v51;
	v46 =	vadd.s32 v8, v54;
	s13 =	spop (v2sf);
	v57 =	vmov s12;
	s11 =	sshll.u32 s18, $0x4;
	s12 =	sadd.s32 s14, s17  }
0x199: {  	v61 =	vshll.u32 v59, $0x9;
	v51 =	vshll.u32 v59, $0x7;
	v47 =	vor.u32 v55, v56;
	s18 =	sshra.s32 s13, $0x1F;
	s17 =	sadd.s32 $0xFFFFFFFA, s31;
	s14 =	smul.u32 $0xFFFFFFE6, s12  }
0x19a: {  	v62 =	vand.u32 $0xFFFFF000, v61;
	v53 =	vand.u32 $0x380, v51;
	v58 =	vand.u32 $0xFFFFFF80, v57;
	s15 =	sshrl.u32 s18, $0x19;
	s18 =	sshll.u32 s17, $0x10  }
0x19b: {  	v49 =	vand.u32 $0x7F, v57;
	v60 =	vmov s11;
	v63 =	vor.u32 s11, v0;
	s15 =	sadd.s32 s15, s13;
	s18 =	sshra.s32 s18, $0x10;
	s14 =	sadd.s32 s16, s14  }
0x19c: {  	v56 =	vmov s12;
	v50 =	vadd.s32 s0, v58;
	v52 =	vshll.u32 v60, $0x3;
	[tilespmem:v48+s28+$0x0] =	vst.idx.msk $0xffff, v45;
	s15 =	sand.u32 $0xFFFFFF80, s15;
	s16 =	smul.u32 $0x4EC5, s18;
	s14 =	sshll.u32 s14, $0x10  }
0x19d: {  	v45 =	vand.u32 $0x7F, v63;
	v58 =	vshll.u32 v56, $0x9;
	v49 =	vor.u32 v49, v50;
	s13 =	ssub.s32 s13, s15;
	v46 =	vld.idx.msk [tilespmem:v46+s10+$0x0], $0xffff;
	s15 =	spop (v2sf);
	s11 =	sshra.s32 s14, $0x10  }
0x19e: {  	v60 =	vshll.u32 v56, $0x7;
	v52 =	vand.u32 $0xFFFFFC00, v52;
	v49 =	vadd.s32 v9, v49;
	s14 =	sshrl.u32 s16, $0x1F;
	s18 =	sshra.s32 s16, $0x13;
	s16 =	sshra.s32 s15, $0x1F  }
0x19f: {  	v52 =	vadd.s32 v62, v52;
	(v2sf) =	vpush v44, $0xD;
	v54 =	vmov s13;
	s13 =	sadd.s32 s14, s18;
	s14 =	sshrl.u32 s16, $0x19;
	s16 =	sadd.s32 $0xFFFFFFFB, s31  }
0x1a0: {  	v48 =	vor.u32 v53, v52;
	v52 =	vand.u32 $0xFFFFF000, v58;
	v55 =	vand.u32 $0xFFFFFF80, v54;
	s12 =	smul.u32 $0xFFFFFFE6, s13;
	s18 =	sshll.u32 s16, $0x10  }
0x1a1: {  	v45 =	vor.u32 v45, v48;
	s11 =	sshll.u32 s11, $0x4;
	v50 =	vand.u32 $0x7F, v54;
	v48 =	vadd.s32 s0, v55;
	s14 =	sadd.s32 s14, s15;
	s18 =	sshra.s32 s18, $0x10  }
0x1a2: {  	v57 =	vmov s11;
	v62 =	vor.u32 s11, v0;
	v54 =	vmov s13;
	s14 =	sand.u32 $0xFFFFFF80, s14;
	s12 =	sadd.s32 s17, s12;
	[tilespmem:v47+s28+$0x0] =	vst.idx.msk $0xffff, v46;
	s18 =	smul.u32 $0x4EC5, s18  }
0x1a3: {  	v48 =	vor.u32 v50, v48;
	v50 =	vshll.u32 v57, $0x3;
	v51 =	vand.u32 $0x7F, v62;
	s14 =	ssub.s32 s15, s14;
	s12 =	sshll.u32 s12, $0x10;
	v49 =	vld.idx.msk [tilespmem:v49+s10+$0x0], $0xffff  }
0x1a4: {  	v56 =	vshll.u32 v54, $0x9;
	v48 =	vadd.s32 v10, v48;
	s15 =	spop (v2sf);
	v61 =	vmov s14;
	s12 =	sshra.s32 s12, $0x10;
	s14 =	sshrl.u32 s18, $0x1F  }
0x1a5: {  	v59 =	vand.u32 $0xFFFFFC00, v50;
	v47 =	vand.u32 $0x380, v60;
	(v2sf) =	vpush v44, $0xE;
	s17 =	sshra.s32 s18, $0x13;
	s18 =	sshra.s32 s15, $0x1F;
	s12 =	sshll.u32 s12, $0x4  }
0x1a6: {  	v46 =	vadd.s32 v52, v59;
	(v2sf) =	vpush v44, $0xF;
	v63 =	vand.u32 $0xFFFFFF80, v61;
	s11 =	sadd.s32 s14, s17;
	s14 =	sshrl.u32 s18, $0x19;
	s18 =	sadd.s32 $0xFFFFFFFC, s31  }
0x1a7: {  	v46 =	vor.u32 v47, v46;
	v50 =	vand.u32 $0x7F, v61;
	v47 =	vadd.s32 s0, v63;
	s17 =	smul.u32 $0xFFFFFFE6, s11;
	s13 =	sadd.s32 s14, s15;
	s14 =	sshll.u32 s18, $0x10  }
0x1a8: {  	v46 =	vor.u32 v51, v46;
	v47 =	vor.u32 v50, v47;
	v55 =	vmov s12;
	s13 =	sand.u32 $0xFFFFFF80, s13;
	s14 =	sshra.s32 s14, $0x10;
	[tilespmem:v45+s28+$0x0] =	vst.idx.msk $0xffff, v49  }
0x1a9: {  	v50 =	vshll.u32 v54, $0x7;
	v60 =	vor.u32 s12, v0;
	v62 =	vmov s11;
	s16 =	sadd.s32 s16, s17;
	s13 =	ssub.s32 s15, s13;
	s14 =	smul.u32 $0x4EC5, s14;
	v48 =	vld.idx.msk [tilespmem:v48+s10+$0x0], $0xffff  }
0x1aa: {  	v47 =	vadd.s32 v11, v47;
	v57 =	vshll.u32 v55, $0x3;
	s16 =	sshll.u32 s16, $0x10;
	v59 =	vmov s13;
	s13 =	spop (v2sf)  }
0x1ab: {  	v58 =	vand.u32 $0x380, v50;
	v45 =	vand.u32 $0xFFFFF000, v56;
	v49 =	vand.u32 $0xFFFFFC00, v57;
	s15 =	sshra.s32 s16, $0x10;
	s16 =	sshrl.u32 s14, $0x1F;
	s14 =	sshra.s32 s14, $0x13  }
0x1ac: {  	v51 =	vand.u32 $0x7F, v60;
	v55 =	vshll.u32 v62, $0x9;
	v45 =	vadd.s32 v45, v49;
	s17 =	sshra.s32 s13, $0x1F;
	s12 =	sadd.s32 s16, s14  }
0x1ad: {  	v56 =	vand.u32 $0xFFFFF000, v55;
	v45 =	vor.u32 v58, v45;
	v61 =	vand.u32 $0xFFFFFF80, v59;
	s16 =	sshrl.u32 s17, $0x19;
	s11 =	smul.u32 $0xFFFFFFE6, s12  }
0x1ae: {  	v50 =	vand.u32 $0x7F, v59;
	v58 =	vshll.u32 v62, $0x7;
	v49 =	vadd.s32 s0, v61;
	s15 =	sshll.u32 s15, $0x4;
	s14 =	sadd.s32 s16, s13;
	s16 =	sadd.s32 $0xFFFFFFFD, s31;
	[tilespmem:v46+s28+$0x0] =	vst.idx.msk $0xffff, v48  }
0x1af: {  	v45 =	vor.u32 v51, v45;
	v49 =	vor.u32 v50, v49;
	v63 =	vmov s15;
	s14 =	sand.u32 $0xFFFFFF80, s14;
	s17 =	sshll.u32 s16, $0x10;
	s11 =	sadd.s32 s18, s11;
	v47 =	vld.idx.msk [tilespmem:v47+s10+$0x0], $0xffff  }
0x1b0: {  	v54 =	vor.u32 s15, v0;
	v46 =	vadd.s32 v12, v49;
	v48 =	vshll.u32 v63, $0x3;
	s13 =	ssub.s32 s13, s14;
	s18 =	sshra.s32 s17, $0x10;
	s14 =	spop (v2sf)  }
0x1b1: {  	v62 =	vmov s12;
	v48 =	vand.u32 $0xFFFFFC00, v48;
	s11 =	sshll.u32 s11, $0x10;
	v57 =	vmov s13;
	s15 =	smul.u32 $0x4EC5, s18;
	s18 =	sshra.s32 s14, $0x1F  }
0x1b2: {  	v53 =	vshll.u32 v62, $0x9;
	v44 =	vadd.s32 v56, v48;
	s11 =	sshra.s32 s11, $0x10;
	v59 =	vand.u32 $0xFFFFFF80, v57;
	s18 =	sshrl.u32 s18, $0x19  }
0x1b3: {  	v48 =	vand.u32 $0x380, v58;
	v51 =	vand.u32 $0x7F, v57;
	v50 =	vadd.s32 s0, v59;
	s17 =	sshrl.u32 s15, $0x1F;
	s13 =	sshra.s32 s15, $0x13;
	s11 =	sshll.u32 s11, $0x4  }
0x1b4: {  	v49 =	vand.u32 $0x7F, v54;
	v44 =	vor.u32 v48, v44;
	s15 =	sadd.s32 s18, s14;
	v60 =	vor.u32 v51, v50;
	s13 =	sadd.s32 s17, s13;
	s17 =	sadd.s32 $0xFFFFFFFE, s31;
	[tilespmem:v45+s28+$0x0] =	vst.idx.msk $0xffff, v47  }
0x1b5: {  	v44 =	vor.u32 v49, v44;
	v63 =	vmov s11;
	v52 =	vor.u32 s11, v0;
	s15 =	sand.u32 $0xFFFFFF80, s15;
	s12 =	smul.u32 $0xFFFFFFE6, s13;
	s18 =	sshll.u32 s17, $0x10;
	v46 =	vld.idx.msk [tilespmem:v46+s10+$0x0], $0xffff  }
0x1b6: {  	v50 =	vand.u32 $0xFFFFF000, v53;
	v61 =	vadd.s32 v13, v60;
	v48 =	vshll.u32 v63, $0x3;
	s11 =	ssub.s32 s14, s15;
	s18 =	sshra.s32 s18, $0x10  }
0x1b7: {  	v49 =	vand.u32 $0x7F, v52;
	s15 =	spop (v2sf);
	v59 =	vmov s13;
	v48 =	vand.u32 $0xFFFFFC00, v48;
	s12 =	sadd.s32 s16, s12;
	s14 =	smul.u32 $0x4EC5, s18  }
0x1b8: {  	v47 =	vshll.u32 v62, $0x7;
	v54 =	vmov s11;
	v62 =	vshll.u32 v59, $0x9;
	s16 =	sshra.s32 s15, $0x1F;
	s12 =	sshll.u32 s12, $0x10  }
0x1b9: {  	v48 =	vadd.s32 v50, v48;
	v47 =	vand.u32 $0x380, v47;
	v55 =	vand.u32 $0xFFFFFF80, v54;
	s18 =	sshrl.u32 s14, $0x1F;
	s11 =	sshra.s32 s14, $0x13;
	s14 =	sshrl.u32 s16, $0x19  }
0x1ba: {  	v56 =	vand.u32 $0x7F, v54;
	v47 =	vor.u32 v47, v48;
	v50 =	vadd.s32 s0, v55;
	s12 =	sshra.s32 s12, $0x10;
	s16 =	sadd.s32 $0xFFFFFFFF, s31;
	s14 =	sadd.s32 s14, s15;
	[tilespmem:v44+s28+$0x0] =	vst.idx.msk $0xffff, v46  }
0x1bb: {  	v57 =	vor.u32 v49, v47;
	v58 =	vor.u32 v56, v50;
	v50 =	vand.u32 $0xFFFFF000, v62;
	s12 =	sshll.u32 s12, $0x4;
	s11 =	sadd.s32 s18, s11;
	s14 =	sand.u32 $0xFFFFFF80, s14;
	v45 =	vld.idx.msk [tilespmem:v61+s10+$0x0], $0xffff  }
0x1bc: {  	v47 =	vshll.u32 v59, $0x7;
	s18 =	sshll.u32 s16, $0x10;
	v60 =	vmov s12;
	s13 =	smul.u32 $0xFFFFFFE6, s11;
	v46 =	vadd.s32 v14, v58;
	s15 =	ssub.s32 s15, s14  }
0x1bd: {  	v47 =	vand.u32 $0x380, v47;
	v48 =	vshll.u32 v60, $0x3;
	s14 =	spop (v2sf);
	v63 =	vmov s15;
	s15 =	sshra.s32 s18, $0x10  }
0x1be: {  	v58 =	vmov s11;
	v61 =	vor.u32 s12, v0;
	v48 =	vand.u32 $0xFFFFFC00, v48;
	s13 =	sadd.s32 s17, s13;
	s17 =	sshra.s32 s14, $0x1F;
	s12 =	smul.u32 $0x4EC5, s15  }
0x1bf: {  	v48 =	vadd.s32 v50, v48;
	s13 =	sshll.u32 s13, $0x10;
	v54 =	vand.u32 $0xFFFFFF80, v63;
	v51 =	vand.u32 $0x7F, v63;
	s15 =	sshrl.u32 s17, $0x19  }
0x1c0: {  	v55 =	vand.u32 $0x7F, v61;
	s13 =	sshra.s32 s13, $0x10;
	v50 =	vadd.s32 s0, v54;
	v56 =	vor.u32 v47, v48;
	s18 =	sshrl.u32 s12, $0x1F;
	s12 =	sshra.s32 s12, $0x13;
	[tilespmem:v57+s28+$0x0] =	vst.idx.msk $0xffff, v45  }
0x1c1: {  	s15 =	sadd.s32 s15, s14;
	v48 =	vshll.u32 v58, $0x7;
	v44 =	vor.u32 v55, v56;
	s13 =	sshll.u32 s13, $0x4;
	s11 =	sadd.s32 s18, s12;
	v57 =	vor.u32 v51, v50;
	v46 =	vld.idx.msk [tilespmem:v46+s10+$0x0], $0xffff  }
0x1c2: {  	v60 =	vmov s13;
	v61 =	vor.u32 s13, v0;
	s13 =	sand.u32 $0xFFFFFF80, s15;
	s17 =	smul.u32 $0xFFFFFFE6, s11;
	v59 =	vadd.s32 v15, v57  }
0x1c3: {  	v62 =	vshll.u32 v58, $0x9;
	v48 =	vand.u32 $0x380, v48;
	s13 =	ssub.s32 s14, s13;
	v47 =	vshll.u32 v60, $0x3  }
0x1c4: {  	v50 =	vand.u32 $0xFFFFF000, v62;
	v47 =	vand.u32 $0xFFFFFC00, v47;
	v63 =	vmov s13;
	s12 =	sadd.s32 s16, s17  }
0x1c5: {  	v49 =	vand.u32 $0x7F, v61;
	v47 =	vadd.s32 v50, v47;
	v54 =	vand.u32 $0xFFFFFF80, v63;
	s12 =	sshll.u32 s12, $0x10  }
0x1c6: {  	v56 =	vand.u32 $0x7F, v63;
	v55 =	vor.u32 v48, v47;
	v57 =	vadd.s32 s0, v54;
	s12 =	sshra.s32 s12, $0x10;
	[tilespmem:v44+s28+$0x0] =	vst.idx.msk $0xffff, v46  }
0x1c7: {  	s18 =	sshll.u32 s12, $0x4;
	v44 =	vor.u32 v49, v55;
	v46 =	vor.u32 v56, v57;
	v45 =	vld.idx.msk [tilespmem:v59+s10+$0x0], $0xffff  }
0x1c8: {  	v58 =	vmov s11;
	v46 =	vadd.s32 v16, v46;
	v59 =	vmov s18  }
0x1c9: {  	v60 =	vshll.u32 v58, $0x9;
	v48 =	vshll.u32 v59, $0x3  }
0x1ca: {  	v47 =	vshll.u32 v58, $0x7;
	v49 =	vand.u32 $0xFFFFF000, v60;
	v48 =	vand.u32 $0xFFFFFC00, v48  }
0x1cb: {  	v47 =	vand.u32 $0x380, v47;
	v61 =	vor.u32 s18, v0;
	v48 =	vadd.s32 v49, v48  }
0x1cc: {  	v62 =	vand.u32 $0x7F, v61;
	v63 =	vor.u32 v47, v48;
	[tilespmem:v44+s28+$0x0] =	vst.idx.msk $0xffff, v45  }
0x1cd: {  	p0 =	sne.s32 s31, $0x330;
	v44 =	vor.u32 v62, v63;
	v46 =	vld.idx.msk [tilespmem:v46+s10+$0x0], $0xffff  }
.Ltmp0:
0x1ce: {  	_ = 	snop;
	(pc) =	sbr.rel @p0 .LBB2_2-.Ltmp0, $2  }
0x1cf: {  	_ =	sdelay $0x2  }
0x1d0: {  	s2 =	sadd.s32 $0x1, s2;
	s30 =	sadd.s32 $0x10, s30;
	s31 =	sadd.s32 $0x10, s31;
	[tilespmem:v44+s28+$0x0] =	vst.idx.msk $0xffff, v46  }
0x1d1: {  	_ =	swait.ge [sflag:s26], $0x8000  }
0x1d2: {  	[sflag:s26] =	ssyncset.done $0x0  }
0x1d3: {  	[sflag:s26] =	ssyncadd.s32 $0xFFFF8000  }
0x1d4: {  	v44 =	vld [tilespmem:$0x330];
	_ =	sdelay $0x4  }
0x1d5: {  	(v2sf) =	vpush v44, $0x0;
	_ =	sdelay $0x5  }
0x1d6: {  	(v2sf) =	vpush v44, $0x1;
	_ =	sdelay $0x5  }
0x1d7: {  	(v2sf) =	vpush v44, $0x2;
	_ =	sdelay $0x2  }
0x1d8: {  	s0 =	spop (v2sf)  }
0x1d9: {  	s2 =	sshra.s32 s0, $0x1F  }
0x1da: {  	s2 =	sshrl.u32 s2, $0x19  }
0x1db: {  	(v2sf) =	vpush v44, $0x3;
	s2 =	sadd.s32 s2, s0  }
0x1dc: {  	s2 =	sand.u32 $0xFFFFFF80, s2  }
0x1dd: {  	s0 =	ssub.s32 s0, s2  }
0x1de: {  	s11 =	spop (v2sf);
	v45 =	vadd.s32 s0, v17  }
0x1df: {  	s12 =	sshra.s32 s11, $0x1F  }
0x1e0: {  	s2 =	sshrl.u32 s12, $0x19  }
0x1e1: {  	(v2sf) =	vpush v44, $0x4;
	s2 =	sadd.s32 s2, s11  }
0x1e2: {  	s2 =	sand.u32 $0xFFFFFF80, s2  }
0x1e3: {  	s0 =	ssub.s32 s11, s2;
	v45 =	vld.idx.msk [tilespmem:v45+s10+$0x0], $0xffff  }
0x1e4: {  	s13 =	spop (v2sf);
	v46 =	vadd.s32 s0, v19  }
0x1e5: {  	s14 =	sshra.s32 s13, $0x1F  }
0x1e6: {  	s2 =	sshrl.u32 s14, $0x19  }
0x1e7: {  	(v2sf) =	vpush v44, $0x5;
	s2 =	sadd.s32 s2, s13  }
0x1e8: {  	s2 =	sand.u32 $0xFFFFFF80, s2;
	[tilespmem:v18+s28+$0x0] =	vst.idx.msk $0xffff, v45  }
0x1e9: {  	s0 =	ssub.s32 s13, s2;
	v45 =	vld.idx.msk [tilespmem:v46+s10+$0x0], $0xffff  }
0x1ea: {  	v62 =	vadd.s32 s0, v21;
	s15 =	spop (v2sf)  }
0x1eb: {  	s16 =	sshra.s32 s15, $0x1F  }
0x1ec: {  	s2 =	sshrl.u32 s16, $0x19  }
0x1ed: {  	(v2sf) =	vpush v44, $0x6;
	s2 =	sadd.s32 s2, s15  }
0x1ee: {  	s2 =	sand.u32 $0xFFFFFF80, s2;
	[tilespmem:v20+s28+$0x0] =	vst.idx.msk $0xffff, v45  }
0x1ef: {  	s0 =	ssub.s32 s15, s2;
	v45 =	vld.idx.msk [tilespmem:v62+s10+$0x0], $0xffff  }
0x1f0: {  	s17 =	spop (v2sf);
	v63 =	vadd.s32 s0, v23  }
0x1f1: {  	s18 =	sshra.s32 s17, $0x1F  }
0x1f2: {  	s2 =	sshrl.u32 s18, $0x19  }
0x1f3: {  	(v2sf) =	vpush v44, $0x7;
	s2 =	sadd.s32 s2, s17  }
0x1f4: {  	s2 =	sand.u32 $0xFFFFFF80, s2;
	[tilespmem:v22+s28+$0x0] =	vst.idx.msk $0xffff, v45  }
0x1f5: {  	s0 =	ssub.s32 s17, s2;
	v45 =	vld.idx.msk [tilespmem:v63+s10+$0x0], $0xffff  }
0x1f6: {  	s30 =	spop (v2sf);
	v48 =	vadd.s32 s0, v25  }
0x1f7: {  	s31 =	sshra.s32 s30, $0x1F  }
0x1f8: {  	s2 =	sshrl.u32 s31, $0x19  }
0x1f9: {  	(v2sf) =	vpush v44, $0x8;
	s2 =	sadd.s32 s2, s30  }
0x1fa: {  	s2 =	sand.u32 $0xFFFFFF80, s2;
	[tilespmem:v24+s28+$0x0] =	vst.idx.msk $0xffff, v45  }
0x1fb: {  	s0 =	ssub.s32 s30, s2;
	v45 =	vld.idx.msk [tilespmem:v48+s10+$0x0], $0xffff  }
0x1fc: {  	v49 =	vadd.s32 s0, v27;
	s11 =	spop (v2sf)  }
0x1fd: {  	s12 =	sshra.s32 s11, $0x1F  }
0x1fe: {  	s2 =	sshrl.u32 s12, $0x19  }
0x1ff: {  	(v2sf) =	vpush v44, $0x9;
	s2 =	sadd.s32 s2, s11  }
0x200: {  	s2 =	sand.u32 $0xFFFFFF80, s2;
	[tilespmem:v26+s28+$0x0] =	vst.idx.msk $0xffff, v45  }
0x201: {  	s0 =	ssub.s32 s11, s2;
	v45 =	vld.idx.msk [tilespmem:v49+s10+$0x0], $0xffff  }
0x202: {  	s13 =	spop (v2sf);
	v50 =	vadd.s32 s0, v29  }
0x203: {  	s14 =	sshra.s32 s13, $0x1F  }
0x204: {  	s2 =	sshrl.u32 s14, $0x19  }
0x205: {  	(v2sf) =	vpush v44, $0xA;
	s2 =	sadd.s32 s2, s13  }
0x206: {  	s2 =	sand.u32 $0xFFFFFF80, s2;
	[tilespmem:v28+s28+$0x0] =	vst.idx.msk $0xffff, v45  }
0x207: {  	s0 =	ssub.s32 s13, s2;
	v45 =	vld.idx.msk [tilespmem:v50+s10+$0x0], $0xffff  }
0x208: {  	s15 =	spop (v2sf);
	v51 =	vadd.s32 s0, v31  }
0x209: {  	s16 =	sshra.s32 s15, $0x1F  }
0x20a: {  	s2 =	sshrl.u32 s16, $0x19  }
0x20b: {  	(v2sf) =	vpush v44, $0xB;
	s2 =	sadd.s32 s2, s15  }
0x20c: {  	s2 =	sand.u32 $0xFFFFFF80, s2;
	[tilespmem:v30+s28+$0x0] =	vst.idx.msk $0xffff, v45  }
0x20d: {  	s0 =	ssub.s32 s15, s2;
	v45 =	vld.idx.msk [tilespmem:v51+s10+$0x0], $0xffff  }
0x20e: {  	v52 =	vadd.s32 s0, v33;
	s17 =	spop (v2sf)  }
0x20f: {  	s18 =	sshra.s32 s17, $0x1F  }
0x210: {  	s2 =	sshrl.u32 s18, $0x19  }
0x211: {  	(v2sf) =	vpush v44, $0xC;
	s2 =	sadd.s32 s2, s17  }
0x212: {  	s2 =	sand.u32 $0xFFFFFF80, s2;
	[tilespmem:v32+s28+$0x0] =	vst.idx.msk $0xffff, v45  }
0x213: {  	s0 =	ssub.s32 s17, s2;
	v45 =	vld.idx.msk [tilespmem:v52+s10+$0x0], $0xffff  }
0x214: {  	s30 =	spop (v2sf);
	v53 =	vadd.s32 s0, v35  }
0x215: {  	s31 =	sshra.s32 s30, $0x1F  }
0x216: {  	s2 =	sshrl.u32 s31, $0x19  }
0x217: {  	(v2sf) =	vpush v44, $0xD;
	s2 =	sadd.s32 s2, s30  }
0x218: {  	s2 =	sand.u32 $0xFFFFFF80, s2;
	[tilespmem:v34+s28+$0x0] =	vst.idx.msk $0xffff, v45  }
0x219: {  	s0 =	ssub.s32 s30, s2;
	v45 =	vld.idx.msk [tilespmem:v53+s10+$0x0], $0xffff  }
0x21a: {  	s11 =	spop (v2sf);
	v54 =	vadd.s32 s0, v37  }
0x21b: {  	s12 =	sshra.s32 s11, $0x1F  }
0x21c: {  	s2 =	sshrl.u32 s12, $0x19  }
0x21d: {  	(v2sf) =	vpush v44, $0xE;
	s2 =	sadd.s32 s2, s11  }
0x21e: {  	s2 =	sand.u32 $0xFFFFFF80, s2;
	[tilespmem:v36+s28+$0x0] =	vst.idx.msk $0xffff, v45  }
0x21f: {  	s0 =	ssub.s32 s11, s2;
	v45 =	vld.idx.msk [tilespmem:v54+s10+$0x0], $0xffff  }
0x220: {  	v55 =	vadd.s32 s0, v39;
	s13 =	spop (v2sf)  }
0x221: {  	s14 =	sshra.s32 s13, $0x1F  }
0x222: {  	s2 =	sshrl.u32 s14, $0x19  }
0x223: {  	(v2sf) =	vpush v44, $0xF;
	s2 =	sadd.s32 s2, s13  }
0x224: {  	s2 =	sand.u32 $0xFFFFFF80, s2;
	[tilespmem:v38+s28+$0x0] =	vst.idx.msk $0xffff, v45  }
0x225: {  	s0 =	ssub.s32 s13, s2;
	v56 =	vld.idx.msk [tilespmem:v55+s10+$0x0], $0xffff  }
0x226: {  	s15 =	spop (v2sf);
	v57 =	vadd.s32 s0, v41  }
0x227: {  	s16 =	sshra.s32 s15, $0x1F  }
0x228: {  	s0 =	sshrl.u32 s16, $0x19  }
0x229: {  	s0 =	sadd.s32 s0, s15  }
0x22a: {  	s0 =	sand.u32 $0xFFFFFF80, s0;
	[tilespmem:v40+s28+$0x0] =	vst.idx.msk $0xffff, v56  }
0x22b: {  	s0 =	ssub.s32 s15, s0;
	v44 =	vld.idx.msk [tilespmem:v57+s10+$0x0], $0xffff  }
0x22c: {  	s17 =	spop (v2sf);
	v58 =	vadd.s32 s0, v43  }
0x22d: {  	s18 =	sshra.s32 s17, $0x1F  }
0x22e: {  	s0 =	sshrl.u32 s18, $0x19  }
0x22f: {  	s0 =	sadd.s32 s0, s17  }
0x230: {  	s0 =	sand.u32 $0xFFFFFF80, s0;
	[tilespmem:v42+s28+$0x0] =	vst.idx.msk $0xffff, v44  }
0x231: {  	v59 =	vor.u32 $0x3BF0, v0;
	v60 =	vor.u32 $0xF000, v1;
	s0 =	ssub.s32 s17, s0;
	v44 =	vld.idx.msk [tilespmem:v58+s10+$0x0], $0xffff  }
0x232: {  	v46 =	vadd.s32 s0, v60;
	s30 =	spop (v2sf)  }
0x233: {  	s31 =	sshra.s32 s30, $0x1F  }
0x234: {  	s2 =	sshrl.u32 s31, $0x19  }
0x235: {  	s2 =	sadd.s32 s2, s30  }
0x236: {  	s2 =	sand.u32 $0xFFFFFF80, s2;
	[tilespmem:v59+s28+$0x0] =	vst.idx.msk $0xffff, v44  }
0x237: {  	v61 =	vor.u32 $0x3F80, v0;
	v62 =	vor.u32 $0xF800, v1;
	s0 =	ssub.s32 s30, s2;
	v44 =	vld.idx.msk [tilespmem:v46+s10+$0x0], $0xffff  }
0x238: {  	v46 =	vadd.s32 s0, v62;
	_ =	sdelay $0x3  }
0x239: {  	[tilespmem:v61+s28+$0x0] =	vst.idx.msk $0xffff, v44  }
0x23a: {  	v63 =	vor.u32 $0x3F90, v0;
	v44 =	vld.idx.msk [tilespmem:v46+s10+$0x0], $0xffff;
	_ =	sdelay $0x2  }
0x23b: {  	s29 =	sadd.s32 $0x1, s29  }
0x23c: {  	p0 =	sne.s32 s29, s6  }
.Ltmp1:
0x23d: {  	[tilespmem:v63+s28+$0x0] =	vst.idx.msk $0xffff, v44;
	(pc) =	sbr.rel @p0 .LBB2_1-.Ltmp1, $4  }
0x23e: {  	[hbm4b:s5+s3] =	stream.linear.scatter [tilespmem:s28], [sflag:$0x2], $0x4000, $0x38;
	[tilespmem:$0x14380] =	vst v63  }
0x23f: {  	_ =	swait.ge [sflag:s7], $0x4000  }
0x240: {  	[sflag:s7] =	ssyncset.done $0x0  }
0x241: {  	[sflag:s7] =	ssyncadd.s32 $0xFFFFC000  }
0x242: {  	_ =	sfence.sel $0x180000  }
0x243: {  	[bflag:$0x0] =	sbarrier.arrive $0xFFFF  }
0x244: {  	_ =	strace $0x90000047  }
0x245: {  	s0 =	stileid.u32;
	[bflag:$0x2] =	sbarrier.arrive $0xFFFF  }
0x246: {  	p0 =	sne.s32 s0, $0x0;
	s0 =	rddreg [dreg:$0x3]  }
0x247: {  	s0 =	sadd.s32 @!p0 $0x100000, s0  }
0x248: {  	[sflag:s0] =	ssyncadd.tile.s32 @!p0 $0x1;
	_ =	shalt  }
.Lfunc_end2:
_tile_overlayer_lowered:
.L_overlay_start_2:
0x249: {  	(tag) =	ssettag $0x2  }
0x24a: {  	s0 =	rddreg [dreg:$0x0];
	s2 =	stileid.u32  }
0x24b: {  	s1 =	rddreg [dreg:$0x1];
	p0 =	sne.s32 s2, $0x0  }
0x24c: {  	s3 =	rddreg [dreg:$0x2];
	[bflag:$0x3] =	sbarrier.arrive $0xFFFF;
	s2 =	simm.s32 @!p0 $0x1C02  }
0x24d: {  	[timem:s3], [sflag:s2] =	dma.local @!p0 [hbm:s0], s1  }
0x24e: {  	s0 =	simm.s32 @!p0 $0x2  }
0x24f: {  	_ =	swait.ge @!p0 [sflag:s0], s1  }
0x250: {  	s1 =	ssub.s32 @!p0 $0x0, s1;
	[sflag:s0] =	ssyncset.done @!p0 $0x0  }
0x251: {  	[sflag:s0] =	ssyncadd.s32 @!p0 s1  }
0x252: {  	[bflag:$0x3] =	sbarrier.arrive $0xFFFF  }
0x253: {  	_ =	shalt  }

</sc_bundles>
